<compile_context>
chip_gen: v7x
topology: tpu7x:2x2x1
jax: 0.10.2.dev20260603
libtpu: 0.0.44.dev20260713+nightly
codegen_flags: <defaults>
</compile_context>

<pallas_src>
import functools

import jax
import jax.numpy as jnp
from jax import lax
from jax.experimental import pallas as pl
from jax.experimental.pallas import tpu as pltpu
from jax.experimental.pallas import tpu_sc as plsc

BATCH = 16384
BAG = 50
DIM = 64
NC = 2
NS = 16
NW = NC * NS
BPW = BATCH // NW
CB = 4
NBUF = 4
RPG = CB * BAG
NCHUNK = BPW // CB
LANES = 16


def _bag_sum(rows_ref, row_base):
    init = tuple(jnp.zeros((LANES,), jnp.float32) for _ in range(4))

    @plsc.parallel_loop(0, BAG, unroll=10, carry=init)
    def body(r, acc):
        row = row_base + r
        return tuple(
            acc[h] + rows_ref[row, pl.ds(LANES * h, LANES)] for h in range(4)
        )

    return body


def _embedding_bag_mean(lang3, table):
    mesh = plsc.VectorSubcoreMesh(core_axis_name="c", subcore_axis_name="s")

    @functools.partial(
        pl.kernel,
        out_type=jax.ShapeDtypeStruct((BATCH * DIM,), jnp.float32),
        mesh=mesh,
        compiler_params=pltpu.CompilerParams(
            use_tc_tiling_on_sc=False, needs_layout_passes=False),
        scratch_types=[
            pltpu.VMEM((BPW * BAG,), jnp.int32),
            *[pltpu.VMEM((RPG, DIM), jnp.float32) for _ in range(NBUF)],
            pltpu.VMEM((BPW * DIM,), jnp.float32),
            *[pltpu.SemaphoreType.DMA for _ in range(NBUF)],
        ],
    )
    def kern(lang_hbm, table_hbm, out_hbm, idx_all, *rest):
        rows = rest[:NBUF]
        out_v = rest[NBUF]
        sems = rest[NBUF + 1:]
        wid = lax.axis_index("s") * NC + lax.axis_index("c")
        scale = jnp.float32(1.0 / BAG)

        pltpu.sync_copy(
            lang_hbm.at[pl.ds(wid * BPW * BAG, BPW * BAG)], idx_all)

        def idx_chunk(g):
            return idx_all.at[pl.ds(g * RPG, RPG)]

        for b in range(NBUF):
            pltpu.async_copy(table_hbm.at[idx_chunk(b)], rows[b], sems[b])

        def chunk_body(i, _):
            for b in range(NBUF):
                g = NBUF * i + b
                pltpu.make_async_copy(
                    table_hbm.at[idx_chunk(0)], rows[b], sems[b]
                ).wait()
                for c in range(CB):
                    acc = _bag_sum(rows[b], c * BAG)
                    bag = g * CB + c
                    for h in range(4):
                        out_v[pl.ds(bag * DIM + LANES * h, LANES)] = (
                            acc[h] * scale)

                @pl.when(g + NBUF < NCHUNK)
                def _():
                    pltpu.async_copy(
                        table_hbm.at[idx_chunk(g + NBUF)], rows[b], sems[b]
                    )
            return 0

        lax.fori_loop(0, NCHUNK // NBUF, chunk_body, 0)

        pltpu.sync_copy(
            out_v, out_hbm.at[pl.ds(wid * BPW * DIM, BPW * DIM)])

    return kern(lang3, table)


def kernel(lang, table):
    flat = lang.astype(jnp.int32).reshape(BATCH * BAG)
    return _embedding_bag_mean(flat, table).reshape(BATCH, DIM)

# --- scband reference (transcript-rebuilt; emitter-appended) ---
"""Pipeline reference for scband-lang-encoder-bo-w-89824946029180 (READ-ONLY COPY).

The authoritative reference and input builder live on the scoring server;
editing this copy changes nothing except your own understanding.
"""

import jax, jax.numpy as jnp
import numpy as np

DICT_SIZE = 1000000
EMBED_DIM = 64
BATCH = 16384
BAG_LEN = 50

def setup_inputs(seed: int = 0) -> dict:
    key = jax.random.key(seed)
    k1, k2 = jax.random.split(key)
    lang = jax.random.randint(k1, (BATCH, BAG_LEN), 0, DICT_SIZE).astype(jnp.int64)
    # nn.EmbeddingBag weight ~ N(0, 1)
    table = jax.random.normal(k2, (DICT_SIZE, EMBED_DIM), dtype=jnp.float32)
    return {"lang": lang, "table": table}

def reference(lang, table):
    # torch.nn.EmbeddingBag with default mode='mean' on a 2D input:
    # each row of `lang` is a bag; gather rows of the table then mean over the bag dim.
    emb = jnp.take(table, lang, axis=0)  # [B, L, D]
    return emb.mean(axis=1)              # [B, D]

if __name__ == "__main__":
    import jax
    _d = setup_inputs()
    print(jax.jit(kernel)(*tuple(_d.values())))

</pallas_src>

<mosaic_0001>
#map = affine_map<(d0, d1) -> (0)>
#map1 = affine_map<(d0, d1) -> (0, 0)>
module attributes {stable_mosaic.version = 14 : i64} {
  func.func @kern(%arg0: i32, %arg1: i32, %arg2: memref<819200xi32, #tpu.memory_space<hbm>>, %arg3: memref<1000000x64xf32, #tpu.memory_space<hbm>>, %arg4: memref<1048576xf32, #tpu.memory_space<hbm>>, %arg5: memref<25600xi32, #tpu.memory_space<vmem>>, %arg6: memref<200x64xf32, #tpu.memory_space<vmem>>, %arg7: memref<200x64xf32, #tpu.memory_space<vmem>>, %arg8: memref<200x64xf32, #tpu.memory_space<vmem>>, %arg9: memref<200x64xf32, #tpu.memory_space<vmem>>, %arg10: memref<32768xf32, #tpu.memory_space<vmem>>, %arg11: memref<!tpu.dma_semaphore, #tpu.memory_space<semaphore_mem>>, %arg12: memref<!tpu.dma_semaphore, #tpu.memory_space<semaphore_mem>>, %arg13: memref<!tpu.dma_semaphore, #tpu.memory_space<semaphore_mem>>, %arg14: memref<!tpu.dma_semaphore, #tpu.memory_space<semaphore_mem>>) attributes {dimension_semantics = [#tpu.dimension_semantics<core_parallel>, #tpu.dimension_semantics<subcore_parallel>], iteration_bounds = array<i64: 2, 16>, scalar_prefetch = 0 : i64, scratch_operands = 10 : i64, tpu.core_type = #tpu.core_type<sc_vector_subcore>, window_params = [{transform_indices = #map}, {transform_indices = #map1}, {transform_indices = #map}]} {
    %mul3A = arith.constant 2 : i32
    %mul3A_0 = arith.muli %arg1, %mul3A : i32
    %add3A = arith.addi %mul3A_0, %arg0 : i32
    %mul3A_1 = arith.constant 512 : i32
    %mul3A_2 = arith.muli %add3A, %mul3A_1 : i32
    %mul3A_3 = arith.constant 50 : i32
    %mul3A_4 = arith.muli %mul3A_2, %mul3A_3 : i32
    "tpu.region"() ({
      %run_scoped3A = tpu.sem_alloc : memref<!tpu.dma_semaphore, #tpu.memory_space<semaphore_mem>>
      %dma_start3A_35 = tpu.memref_slice %arg2[%mul3A_4] : memref<819200xi32, #tpu.memory_space<hbm>> -> memref<25600xi32, #tpu.memory_space<hbm>>
      %dma_start3A_36 = tpu.memref_slice %arg2[%mul3A_4] : memref<819200xi32, #tpu.memory_space<hbm>> -> memref<25600xi32, #tpu.memory_space<hbm>>
      tpu.enqueue_dma source(%dma_start3A_36 : memref<25600xi32, #tpu.memory_space<hbm>>) target(%arg5 : memref<25600xi32, #tpu.memory_space<vmem>>) target_semaphore(%run_scoped3A : memref<!tpu.dma_semaphore, #tpu.memory_space<semaphore_mem>>)
      %dma_wait3A = tpu.memref_slice %arg2[%mul3A_4] : memref<819200xi32, #tpu.memory_space<hbm>> -> memref<25600xi32, #tpu.memory_space<hbm>>
      %dma_wait3A_37 = tpu.memref_slice %arg2[%mul3A_4] : memref<819200xi32, #tpu.memory_space<hbm>> -> memref<25600xi32, #tpu.memory_space<hbm>>
      tpu.wait_dma2 semaphore(%run_scoped3A : memref<!tpu.dma_semaphore, #tpu.memory_space<semaphore_mem>>) src(%dma_wait3A_37 : memref<25600xi32, #tpu.memory_space<hbm>>) dst(%arg5 : memref<25600xi32, #tpu.memory_space<vmem>>)
      tpu.yield
    }) : () -> ()
    %dma_start3A = arith.constant 0 : i32
    %dma_start3A_5 = tpu.memref_slice %arg5[%dma_start3A] : memref<25600xi32, #tpu.memory_space<vmem>> -> memref<200xi32, #tpu.memory_space<vmem>>
    %dma_start3A_6 = arith.constant 0 : i32
    %dma_start3A_7 = arith.constant 0 : i32
    %dma_start3A_8 = tpu.memref_slice %arg3[%dma_start3A_6, %dma_start3A_7] : memref<1000000x64xf32, #tpu.memory_space<hbm>> -> memref<1000000x64xf32, #tpu.memory_space<hbm>>
    tpu.enqueue_indirect_dma source(%dma_start3A_8 : memref<1000000x64xf32, #tpu.memory_space<hbm>>) target(%arg6 : memref<200x64xf32, #tpu.memory_space<vmem>>) offsets(%dma_start3A_5 : memref<200xi32, #tpu.memory_space<vmem>>) semaphore(%arg11 : memref<!tpu.dma_semaphore, #tpu.memory_space<semaphore_mem>>)
    %dma_start3A_9 = arith.constant 200 : i32
    %dma_start3A_10 = tpu.memref_slice %arg5[%dma_start3A_9] : memref<25600xi32, #tpu.memory_space<vmem>> -> memref<200xi32, #tpu.memory_space<vmem>>
    %dma_start3A_11 = arith.constant 0 : i32
    %dma_start3A_12 = arith.constant 0 : i32
    %dma_start3A_13 = tpu.memref_slice %arg3[%dma_start3A_11, %dma_start3A_12] : memref<1000000x64xf32, #tpu.memory_space<hbm>> -> memref<1000000x64xf32, #tpu.memory_space<hbm>>
    tpu.enqueue_indirect_dma source(%dma_start3A_13 : memref<1000000x64xf32, #tpu.memory_space<hbm>>) target(%arg7 : memref<200x64xf32, #tpu.memory_space<vmem>>) offsets(%dma_start3A_10 : memref<200xi32, #tpu.memory_space<vmem>>) semaphore(%arg12 : memref<!tpu.dma_semaphore, #tpu.memory_space<semaphore_mem>>)
    %dma_start3A_14 = arith.constant 400 : i32
    %dma_start3A_15 = tpu.memref_slice %arg5[%dma_start3A_14] : memref<25600xi32, #tpu.memory_space<vmem>> -> memref<200xi32, #tpu.memory_space<vmem>>
    %dma_start3A_16 = arith.constant 0 : i32
    %dma_start3A_17 = arith.constant 0 : i32
    %dma_start3A_18 = tpu.memref_slice %arg3[%dma_start3A_16, %dma_start3A_17] : memref<1000000x64xf32, #tpu.memory_space<hbm>> -> memref<1000000x64xf32, #tpu.memory_space<hbm>>
    tpu.enqueue_indirect_dma source(%dma_start3A_18 : memref<1000000x64xf32, #tpu.memory_space<hbm>>) target(%arg8 : memref<200x64xf32, #tpu.memory_space<vmem>>) offsets(%dma_start3A_15 : memref<200xi32, #tpu.memory_space<vmem>>) semaphore(%arg13 : memref<!tpu.dma_semaphore, #tpu.memory_space<semaphore_mem>>)
    %dma_start3A_19 = arith.constant 600 : i32
    %dma_start3A_20 = tpu.memref_slice %arg5[%dma_start3A_19] : memref<25600xi32, #tpu.memory_space<vmem>> -> memref<200xi32, #tpu.memory_space<vmem>>
    %dma_start3A_21 = arith.constant 0 : i32
    %dma_start3A_22 = arith.constant 0 : i32
    %dma_start3A_23 = tpu.memref_slice %arg3[%dma_start3A_21, %dma_start3A_22] : memref<1000000x64xf32, #tpu.memory_space<hbm>> -> memref<1000000x64xf32, #tpu.memory_space<hbm>>
    tpu.enqueue_indirect_dma source(%dma_start3A_23 : memref<1000000x64xf32, #tpu.memory_space<hbm>>) target(%arg9 : memref<200x64xf32, #tpu.memory_space<vmem>>) offsets(%dma_start3A_20 : memref<200xi32, #tpu.memory_space<vmem>>) semaphore(%arg14 : memref<!tpu.dma_semaphore, #tpu.memory_space<semaphore_mem>>)
    %scan3A = arith.constant 2.000000e-02 : f32
    %scan3A_24 = arith.constant 0 : i32
    %scan3A_25 = arith.constant 0 : i32
    %scan3A_26 = arith.constant 32 : i32
    %scan3A_27 = arith.addi %scan3A_25, %scan3A_26 : i32
    %scan3A_28 = arith.constant 1 : i32
    %scan3A_29 = scf.for %scan3A_35 = %scan3A_25 to %scan3A_27 step %scan3A_28 iter_args(%scan3A_36 = %scan3A_24) -> (i32)  : i32 {
      %mul3A_37 = arith.constant 4 : i32
      %mul3A_38 = arith.muli %mul3A_37, %scan3A_35 : i32
      %add3A_39 = arith.constant 0 : i32
      %add3A_40 = arith.addi %mul3A_38, %add3A_39 : i32
      %dma_wait3A = arith.constant 0 : i32
      %dma_wait3A_41 = tpu.memref_slice %arg5[%dma_wait3A] : memref<25600xi32, #tpu.memory_space<vmem>> -> memref<200xi32, #tpu.memory_space<vmem>>
      %dma_wait3A_42 = arith.constant 0 : i32
      %dma_wait3A_43 = arith.constant 0 : i32
      %dma_wait3A_44 = tpu.memref_slice %arg3[%dma_wait3A_42, %dma_wait3A_43] : memref<1000000x64xf32, #tpu.memory_space<hbm>> -> memref<1000000x64xf32, #tpu.memory_space<hbm>>
      tpu.wait_indirect_dma semaphore(%arg11 : memref<!tpu.dma_semaphore, #tpu.memory_space<semaphore_mem>>) src(%dma_wait3A_44 : memref<1000000x64xf32, #tpu.memory_space<hbm>>) dst(%arg6 : memref<200x64xf32, #tpu.memory_space<vmem>>)
      %broadcast_in_dim3A = arith.constant 0.000000e+00 : f32
      %broadcast_in_dim3A_45 = vector.broadcast %broadcast_in_dim3A : f32 to vector<16xf32>
      %broadcast_in_dim3A_46 = arith.constant 0.000000e+00 : f32
      %broadcast_in_dim3A_47 = vector.broadcast %broadcast_in_dim3A_46 : f32 to vector<16xf32>
      %broadcast_in_dim3A_48 = arith.constant 0.000000e+00 : f32
      %broadcast_in_dim3A_49 = vector.broadcast %broadcast_in_dim3A_48 : f32 to vector<16xf32>
      %broadcast_in_dim3A_50 = arith.constant 0.000000e+00 : f32
      %broadcast_in_dim3A_51 = vector.broadcast %broadcast_in_dim3A_50 : f32 to vector<16xf32>
      %parallel_loop3A = arith.constant 0 : i32
      %parallel_loop3A_52 = arith.constant 50 : i32
      %parallel_loop3A_53 = arith.constant 1 : i32
      %parallel_loop3A_54:4 = scf.for %parallel_loop3A_863 = %parallel_loop3A to %parallel_loop3A_52 step %parallel_loop3A_53 iter_args(%parallel_loop3A_864 = %broadcast_in_dim3A_45, %parallel_loop3A_865 = %broadcast_in_dim3A_47, %parallel_loop3A_866 = %broadcast_in_dim3A_49, %parallel_loop3A_867 = %broadcast_in_dim3A_51) -> (vector<16xf32>, vector<16xf32>, vector<16xf32>, vector<16xf32>)  : i32 {
        %parallel_loop3A_868 = arith.constant 0 : i32
        %parallel_loop3A_869 = arith.addi %parallel_loop3A_868, %parallel_loop3A_863 : i32
        %parallel_loop3A_870 = arith.index_cast %parallel_loop3A_869 : i32 to index
        %parallel_loop3A_871 = arith.constant 0 : index
        %parallel_loop3A_872 = tpu.vector_load %arg6[%parallel_loop3A_870, %parallel_loop3A_871] {strides = array<i32>} : memref<200x64xf32, #tpu.memory_space<vmem>>, vector<16xf32>,
        %parallel_loop3A_873 = arith.addf %parallel_loop3A_864, %parallel_loop3A_872 : vector<16xf32>
        %parallel_loop3A_874 = arith.index_cast %parallel_loop3A_869 : i32 to index
        %parallel_loop3A_875 = arith.constant 16 : index
        %parallel_loop3A_876 = tpu.vector_load %arg6[%parallel_loop3A_874, %parallel_loop3A_875] {strides = array<i32>} : memref<200x64xf32, #tpu.memory_space<vmem>>, vector<16xf32>,
        %parallel_loop3A_877 = arith.addf %parallel_loop3A_865, %parallel_loop3A_876 : vector<16xf32>
        %parallel_loop3A_878 = arith.index_cast %parallel_loop3A_869 : i32 to index
        %parallel_loop3A_879 = arith.constant 32 : index
        %parallel_loop3A_880 = tpu.vector_load %arg6[%parallel_loop3A_878, %parallel_loop3A_879] {strides = array<i32>} : memref<200x64xf32, #tpu.memory_space<vmem>>, vector<16xf32>,
        %parallel_loop3A_881 = arith.addf %parallel_loop3A_866, %parallel_loop3A_880 : vector<16xf32>
        %parallel_loop3A_882 = arith.index_cast %parallel_loop3A_869 : i32 to index
        %parallel_loop3A_883 = arith.constant 48 : index
        %parallel_loop3A_884 = tpu.vector_load %arg6[%parallel_loop3A_882, %parallel_loop3A_883] {strides = array<i32>} : memref<200x64xf32, #tpu.memory_space<vmem>>, vector<16xf32>,
        %parallel_loop3A_885 = arith.addf %parallel_loop3A_867, %parallel_loop3A_884 : vector<16xf32>
        scf.yield %parallel_loop3A_873, %parallel_loop3A_877, %parallel_loop3A_881, %parallel_loop3A_885 : vector<16xf32>, vector<16xf32>, vector<16xf32>, vector<16xf32>
      } {sc.loop_unroll_factor = 10 : i64, sc.parallel_access}
      %mul3A_55 = arith.constant 4 : i32
      %mul3A_56 = arith.muli %add3A_40, %mul3A_55 : i32
      %add3A_57 = arith.constant 0 : i32
      %add3A_58 = arith.addi %mul3A_56, %add3A_57 : i32
      %mul3A_59 = vector.broadcast %scan3A : f32 to vector<16xf32>
      %mul3A_60 = arith.mulf %parallel_loop3A_54#0, %mul3A_59 : vector<16xf32>
      %mul3A_61 = arith.constant 64 : i32
      %mul3A_62 = arith.muli %add3A_58, %mul3A_61 : i32
      %add3A_63 = arith.constant 0 : i32
      %add3A_64 = arith.addi %mul3A_62, %add3A_63 : i32
      %swap3A = arith.index_cast %add3A_64 : i32 to index
      %swap3A_65 = tpu.vector_load %arg10[%swap3A] {strides = array<i32>} : memref<32768xf32, #tpu.memory_space<vmem>>, vector<16xf32>,
      tpu.vector_store %arg10[%swap3A], %mul3A_60 {strides = array<i32>} : memref<32768xf32, #tpu.memory_space<vmem>>, vector<16xf32>,
      %mul3A_66 = vector.broadcast %scan3A : f32 to vector<16xf32>
      %mul3A_67 = arith.mulf %parallel_loop3A_54#1, %mul3A_66 : vector<16xf32>
      %mul3A_68 = arith.constant 64 : i32
      %mul3A_69 = arith.muli %add3A_58, %mul3A_68 : i32
      %add3A_70 = arith.constant 16 : i32
      %add3A_71 = arith.addi %mul3A_69, %add3A_70 : i32
      %swap3A_72 = arith.index_cast %add3A_71 : i32 to index
      %swap3A_73 = tpu.vector_load %arg10[%swap3A_72] {strides = array<i32>} : memref<32768xf32, #tpu.memory_space<vmem>>, vector<16xf32>,
      tpu.vector_store %arg10[%swap3A_72], %mul3A_67 {strides = array<i32>} : memref<32768xf32, #tpu.memory_space<vmem>>, vector<16xf32>,
      %mul3A_74 = vector.broadcast %scan3A : f32 to vector<16xf32>
      %mul3A_75 = arith.mulf %parallel_loop3A_54#2, %mul3A_74 : vector<16xf32>
      %mul3A_76 = arith.constant 64 : i32
      %mul3A_77 = arith.muli %add3A_58, %mul3A_76 : i32
      %add3A_78 = arith.constant 32 : i32
      %add3A_79 = arith.addi %mul3A_77, %add3A_78 : i32
      %swap3A_80 = arith.index_cast %add3A_79 : i32 to index
      %swap3A_81 = tpu.vector_load %arg10[%swap3A_80] {strides = array<i32>} : memref<32768xf32, #tpu.memory_space<vmem>>, vector<16xf32>,
      tpu.vector_store %arg10[%swap3A_80], %mul3A_75 {strides = array<i32>} : memref<32768xf32, #tpu.memory_space<vmem>>, vector<16xf32>,
      %mul3A_82 = vector.broadcast %scan3A : f32 to vector<16xf32>
      %mul3A_83 = arith.mulf %parallel_loop3A_54#3, %mul3A_82 : vector<16xf32>
      %mul3A_84 = arith.constant 64 : i32
      %mul3A_85 = arith.muli %add3A_58, %mul3A_84 : i32
      %add3A_86 = arith.constant 48 : i32
      %add3A_87 = arith.addi %mul3A_85, %add3A_86 : i32
      %swap3A_88 = arith.index_cast %add3A_87 : i32 to index
      %swap3A_89 = tpu.vector_load %arg10[%swap3A_88] {strides = array<i32>} : memref<32768xf32, #tpu.memory_space<vmem>>, vector<16xf32>,
      tpu.vector_store %arg10[%swap3A_88], %mul3A_83 {strides = array<i32>} : memref<32768xf32, #tpu.memory_space<vmem>>, vector<16xf32>,
      %broadcast_in_dim3A_90 = arith.constant 0.000000e+00 : f32
      %broadcast_in_dim3A_91 = vector.broadcast %broadcast_in_dim3A_90 : f32 to vector<16xf32>
      %broadcast_in_dim3A_92 = arith.constant 0.000000e+00 : f32
      %broadcast_in_dim3A_93 = vector.broadcast %broadcast_in_dim3A_92 : f32 to vector<16xf32>
      %broadcast_in_dim3A_94 = arith.constant 0.000000e+00 : f32
      %broadcast_in_dim3A_95 = vector.broadcast %broadcast_in_dim3A_94 : f32 to vector<16xf32>
      %broadcast_in_dim3A_96 = arith.constant 0.000000e+00 : f32
      %broadcast_in_dim3A_97 = vector.broadcast %broadcast_in_dim3A_96 : f32 to vector<16xf32>
      %parallel_loop3A_98 = arith.constant 0 : i32
      %parallel_loop3A_99 = arith.constant 50 : i32
      %parallel_loop3A_100 = arith.constant 1 : i32
      %parallel_loop3A_101:4 = scf.for %parallel_loop3A_863 = %parallel_loop3A_98 to %parallel_loop3A_99 step %parallel_loop3A_100 iter_args(%parallel_loop3A_864 = %broadcast_in_dim3A_91, %parallel_loop3A_865 = %broadcast_in_dim3A_93, %parallel_loop3A_866 = %broadcast_in_dim3A_95, %parallel_loop3A_867 = %broadcast_in_dim3A_97) -> (vector<16xf32>, vector<16xf32>, vector<16xf32>, vector<16xf32>)  : i32 {
        %parallel_loop3A_868 = arith.constant 50 : i32
        %parallel_loop3A_869 = arith.addi %parallel_loop3A_868, %parallel_loop3A_863 : i32
        %parallel_loop3A_870 = arith.index_cast %parallel_loop3A_869 : i32 to index
        %parallel_loop3A_871 = arith.constant 0 : index
        %parallel_loop3A_872 = tpu.vector_load %arg6[%parallel_loop3A_870, %parallel_loop3A_871] {strides = array<i32>} : memref<200x64xf32, #tpu.memory_space<vmem>>, vector<16xf32>,
        %parallel_loop3A_873 = arith.addf %parallel_loop3A_864, %parallel_loop3A_872 : vector<16xf32>
        %parallel_loop3A_874 = arith.index_cast %parallel_loop3A_869 : i32 to index
        %parallel_loop3A_875 = arith.constant 16 : index
        %parallel_loop3A_876 = tpu.vector_load %arg6[%parallel_loop3A_874, %parallel_loop3A_875] {strides = array<i32>} : memref<200x64xf32, #tpu.memory_space<vmem>>, vector<16xf32>,
        %parallel_loop3A_877 = arith.addf %parallel_loop3A_865, %parallel_loop3A_876 : vector<16xf32>
        %parallel_loop3A_878 = arith.index_cast %parallel_loop3A_869 : i32 to index
        %parallel_loop3A_879 = arith.constant 32 : index
        %parallel_loop3A_880 = tpu.vector_load %arg6[%parallel_loop3A_878, %parallel_loop3A_879] {strides = array<i32>} : memref<200x64xf32, #tpu.memory_space<vmem>>, vector<16xf32>,
        %parallel_loop3A_881 = arith.addf %parallel_loop3A_866, %parallel_loop3A_880 : vector<16xf32>
        %parallel_loop3A_882 = arith.index_cast %parallel_loop3A_869 : i32 to index
        %parallel_loop3A_883 = arith.constant 48 : index
        %parallel_loop3A_884 = tpu.vector_load %arg6[%parallel_loop3A_882, %parallel_loop3A_883] {strides = array<i32>} : memref<200x64xf32, #tpu.memory_space<vmem>>, vector<16xf32>,
        %parallel_loop3A_885 = arith.addf %parallel_loop3A_867, %parallel_loop3A_884 : vector<16xf32>
        scf.yield %parallel_loop3A_873, %parallel_loop3A_877, %parallel_loop3A_881, %parallel_loop3A_885 : vector<16xf32>, vector<16xf32>, vector<16xf32>, vector<16xf32>
      } {sc.loop_unroll_factor = 10 : i64, sc.parallel_access}
      %mul3A_102 = arith.constant 4 : i32
      %mul3A_103 = arith.muli %add3A_40, %mul3A_102 : i32
      %add3A_104 = arith.constant 1 : i32
      %add3A_105 = arith.addi %mul3A_103, %add3A_104 : i32
      %mul3A_106 = vector.broadcast %scan3A : f32 to vector<16xf32>
      %mul3A_107 = arith.mulf %parallel_loop3A_101#0, %mul3A_106 : vector<16xf32>
      %mul3A_108 = arith.constant 64 : i32
      %mul3A_109 = arith.muli %add3A_105, %mul3A_108 : i32
      %add3A_110 = arith.constant 0 : i32
      %add3A_111 = arith.addi %mul3A_109, %add3A_110 : i32
      %swap3A_112 = arith.index_cast %add3A_111 : i32 to index
      %swap3A_113 = tpu.vector_load %arg10[%swap3A_112] {strides = array<i32>} : memref<32768xf32, #tpu.memory_space<vmem>>, vector<16xf32>,
      tpu.vector_store %arg10[%swap3A_112], %mul3A_107 {strides = array<i32>} : memref<32768xf32, #tpu.memory_space<vmem>>, vector<16xf32>,
      %mul3A_114 = vector.broadcast %scan3A : f32 to vector<16xf32>
      %mul3A_115 = arith.mulf %parallel_loop3A_101#1, %mul3A_114 : vector<16xf32>
      %mul3A_116 = arith.constant 64 : i32
      %mul3A_117 = arith.muli %add3A_105, %mul3A_116 : i32
      %add3A_118 = arith.constant 16 : i32
      %add3A_119 = arith.addi %mul3A_117, %add3A_118 : i32
      %swap3A_120 = arith.index_cast %add3A_119 : i32 to index
      %swap3A_121 = tpu.vector_load %arg10[%swap3A_120] {strides = array<i32>} : memref<32768xf32, #tpu.memory_space<vmem>>, vector<16xf32>,
      tpu.vector_store %arg10[%swap3A_120], %mul3A_115 {strides = array<i32>} : memref<32768xf32, #tpu.memory_space<vmem>>, vector<16xf32>,
      %mul3A_122 = vector.broadcast %scan3A : f32 to vector<16xf32>
      %mul3A_123 = arith.mulf %parallel_loop3A_101#2, %mul3A_122 : vector<16xf32>
      %mul3A_124 = arith.constant 64 : i32
      %mul3A_125 = arith.muli %add3A_105, %mul3A_124 : i32
      %add3A_126 = arith.constant 32 : i32
      %add3A_127 = arith.addi %mul3A_125, %add3A_126 : i32
      %swap3A_128 = arith.index_cast %add3A_127 : i32 to index
      %swap3A_129 = tpu.vector_load %arg10[%swap3A_128] {strides = array<i32>} : memref<32768xf32, #tpu.memory_space<vmem>>, vector<16xf32>,
      tpu.vector_store %arg10[%swap3A_128], %mul3A_123 {strides = array<i32>} : memref<32768xf32, #tpu.memory_space<vmem>>, vector<16xf32>,
      %mul3A_130 = vector.broadcast %scan3A : f32 to vector<16xf32>
      %mul3A_131 = arith.mulf %parallel_loop3A_101#3, %mul3A_130 : vector<16xf32>
      %mul3A_132 = arith.constant 64 : i32
      %mul3A_133 = arith.muli %add3A_105, %mul3A_132 : i32
      %add3A_134 = arith.constant 48 : i32
      %add3A_135 = arith.addi %mul3A_133, %add3A_134 : i32
      %swap3A_136 = arith.index_cast %add3A_135 : i32 to index
      %swap3A_137 = tpu.vector_load %arg10[%swap3A_136] {strides = array<i32>} : memref<32768xf32, #tpu.memory_space<vmem>>, vector<16xf32>,
      tpu.vector_store %arg10[%swap3A_136], %mul3A_131 {strides = array<i32>} : memref<32768xf32, #tpu.memory_space<vmem>>, vector<16xf32>,
      %broadcast_in_dim3A_138 = arith.constant 0.000000e+00 : f32
      %broadcast_in_dim3A_139 = vector.broadcast %broadcast_in_dim3A_138 : f32 to vector<16xf32>
      %broadcast_in_dim3A_140 = arith.constant 0.000000e+00 : f32
      %broadcast_in_dim3A_141 = vector.broadcast %broadcast_in_dim3A_140 : f32 to vector<16xf32>
      %broadcast_in_dim3A_142 = arith.constant 0.000000e+00 : f32
      %broadcast_in_dim3A_143 = vector.broadcast %broadcast_in_dim3A_142 : f32 to vector<16xf32>
      %broadcast_in_dim3A_144 = arith.constant 0.000000e+00 : f32
      %broadcast_in_dim3A_145 = vector.broadcast %broadcast_in_dim3A_144 : f32 to vector<16xf32>
      %parallel_loop3A_146 = arith.constant 0 : i32
      %parallel_loop3A_147 = arith.constant 50 : i32
      %parallel_loop3A_148 = arith.constant 1 : i32
      %parallel_loop3A_149:4 = scf.for %parallel_loop3A_863 = %parallel_loop3A_146 to %parallel_loop3A_147 step %parallel_loop3A_148 iter_args(%parallel_loop3A_864 = %broadcast_in_dim3A_139, %parallel_loop3A_865 = %broadcast_in_dim3A_141, %parallel_loop3A_866 = %broadcast_in_dim3A_143, %parallel_loop3A_867 = %broadcast_in_dim3A_145) -> (vector<16xf32>, vector<16xf32>, vector<16xf32>, vector<16xf32>)  : i32 {
        %parallel_loop3A_868 = arith.constant 100 : i32
        %parallel_loop3A_869 = arith.addi %parallel_loop3A_868, %parallel_loop3A_863 : i32
        %parallel_loop3A_870 = arith.index_cast %parallel_loop3A_869 : i32 to index
        %parallel_loop3A_871 = arith.constant 0 : index
        %parallel_loop3A_872 = tpu.vector_load %arg6[%parallel_loop3A_870, %parallel_loop3A_871] {strides = array<i32>} : memref<200x64xf32, #tpu.memory_space<vmem>>, vector<16xf32>,
        %parallel_loop3A_873 = arith.addf %parallel_loop3A_864, %parallel_loop3A_872 : vector<16xf32>
        %parallel_loop3A_874 = arith.index_cast %parallel_loop3A_869 : i32 to index
        %parallel_loop3A_875 = arith.constant 16 : index
        %parallel_loop3A_876 = tpu.vector_load %arg6[%parallel_loop3A_874, %parallel_loop3A_875] {strides = array<i32>} : memref<200x64xf32, #tpu.memory_space<vmem>>, vector<16xf32>,
        %parallel_loop3A_877 = arith.addf %parallel_loop3A_865, %parallel_loop3A_876 : vector<16xf32>
        %parallel_loop3A_878 = arith.index_cast %parallel_loop3A_869 : i32 to index
        %parallel_loop3A_879 = arith.constant 32 : index
        %parallel_loop3A_880 = tpu.vector_load %arg6[%parallel_loop3A_878, %parallel_loop3A_879] {strides = array<i32>} : memref<200x64xf32, #tpu.memory_space<vmem>>, vector<16xf32>,
        %parallel_loop3A_881 = arith.addf %parallel_loop3A_866, %parallel_loop3A_880 : vector<16xf32>
        %parallel_loop3A_882 = arith.index_cast %parallel_loop3A_869 : i32 to index
        %parallel_loop3A_883 = arith.constant 48 : index
        %parallel_loop3A_884 = tpu.vector_load %arg6[%parallel_loop3A_882, %parallel_loop3A_883] {strides = array<i32>} : memref<200x64xf32, #tpu.memory_space<vmem>>, vector<16xf32>,
        %parallel_loop3A_885 = arith.addf %parallel_loop3A_867, %parallel_loop3A_884 : vector<16xf32>
        scf.yield %parallel_loop3A_873, %parallel_loop3A_877, %parallel_loop3A_881, %parallel_loop3A_885 : vector<16xf32>, vector<16xf32>, vector<16xf32>, vector<16xf32>
      } {sc.loop_unroll_factor = 10 : i64, sc.parallel_access}
      %mul3A_150 = arith.constant 4 : i32
      %mul3A_151 = arith.muli %add3A_40, %mul3A_150 : i32
      %add3A_152 = arith.constant 2 : i32
      %add3A_153 = arith.addi %mul3A_151, %add3A_152 : i32
      %mul3A_154 = vector.broadcast %scan3A : f32 to vector<16xf32>
      %mul3A_155 = arith.mulf %parallel_loop3A_149#0, %mul3A_154 : vector<16xf32>
      %mul3A_156 = arith.constant 64 : i32
      %mul3A_157 = arith.muli %add3A_153, %mul3A_156 : i32
      %add3A_158 = arith.constant 0 : i32
      %add3A_159 = arith.addi %mul3A_157, %add3A_158 : i32
      %swap3A_160 = arith.index_cast %add3A_159 : i32 to index
      %swap3A_161 = tpu.vector_load %arg10[%swap3A_160] {strides = array<i32>} : memref<32768xf32, #tpu.memory_space<vmem>>, vector<16xf32>,
      tpu.vector_store %arg10[%swap3A_160], %mul3A_155 {strides = array<i32>} : memref<32768xf32, #tpu.memory_space<vmem>>, vector<16xf32>,
      %mul3A_162 = vector.broadcast %scan3A : f32 to vector<16xf32>
      %mul3A_163 = arith.mulf %parallel_loop3A_149#1, %mul3A_162 : vector<16xf32>
      %mul3A_164 = arith.constant 64 : i32
      %mul3A_165 = arith.muli %add3A_153, %mul3A_164 : i32
      %add3A_166 = arith.constant 16 : i32
      %add3A_167 = arith.addi %mul3A_165, %add3A_166 : i32
      %swap3A_168 = arith.index_cast %add3A_167 : i32 to index
      %swap3A_169 = tpu.vector_load %arg10[%swap3A_168] {strides = array<i32>} : memref<32768xf32, #tpu.memory_space<vmem>>, vector<16xf32>,
      tpu.vector_store %arg10[%swap3A_168], %mul3A_163 {strides = array<i32>} : memref<32768xf32, #tpu.memory_space<vmem>>, vector<16xf32>,
      %mul3A_170 = vector.broadcast %scan3A : f32 to vector<16xf32>
      %mul3A_171 = arith.mulf %parallel_loop3A_149#2, %mul3A_170 : vector<16xf32>
      %mul3A_172 = arith.constant 64 : i32
      %mul3A_173 = arith.muli %add3A_153, %mul3A_172 : i32
      %add3A_174 = arith.constant 32 : i32
      %add3A_175 = arith.addi %mul3A_173, %add3A_174 : i32
      %swap3A_176 = arith.index_cast %add3A_175 : i32 to index
      %swap3A_177 = tpu.vector_load %arg10[%swap3A_176] {strides = array<i32>} : memref<32768xf32, #tpu.memory_space<vmem>>, vector<16xf32>,
      tpu.vector_store %arg10[%swap3A_176], %mul3A_171 {strides = array<i32>} : memref<32768xf32, #tpu.memory_space<vmem>>, vector<16xf32>,
      %mul3A_178 = vector.broadcast %scan3A : f32 to vector<16xf32>
      %mul3A_179 = arith.mulf %parallel_loop3A_149#3, %mul3A_178 : vector<16xf32>
      %mul3A_180 = arith.constant 64 : i32
      %mul3A_181 = arith.muli %add3A_153, %mul3A_180 : i32
      %add3A_182 = arith.constant 48 : i32
      %add3A_183 = arith.addi %mul3A_181, %add3A_182 : i32
      %swap3A_184 = arith.index_cast %add3A_183 : i32 to index
      %swap3A_185 = tpu.vector_load %arg10[%swap3A_184] {strides = array<i32>} : memref<32768xf32, #tpu.memory_space<vmem>>, vector<16xf32>,
      tpu.vector_store %arg10[%swap3A_184], %mul3A_179 {strides = array<i32>} : memref<32768xf32, #tpu.memory_space<vmem>>, vector<16xf32>,
      %broadcast_in_dim3A_186 = arith.constant 0.000000e+00 : f32
      %broadcast_in_dim3A_187 = vector.broadcast %broadcast_in_dim3A_186 : f32 to vector<16xf32>
      %broadcast_in_dim3A_188 = arith.constant 0.000000e+00 : f32
      %broadcast_in_dim3A_189 = vector.broadcast %broadcast_in_dim3A_188 : f32 to vector<16xf32>
      %broadcast_in_dim3A_190 = arith.constant 0.000000e+00 : f32
      %broadcast_in_dim3A_191 = vector.broadcast %broadcast_in_dim3A_190 : f32 to vector<16xf32>
      %broadcast_in_dim3A_192 = arith.constant 0.000000e+00 : f32
      %broadcast_in_dim3A_193 = vector.broadcast %broadcast_in_dim3A_192 : f32 to vector<16xf32>
      %parallel_loop3A_194 = arith.constant 0 : i32
      %parallel_loop3A_195 = arith.constant 50 : i32
      %parallel_loop3A_196 = arith.constant 1 : i32
      %parallel_loop3A_197:4 = scf.for %parallel_loop3A_863 = %parallel_loop3A_194 to %parallel_loop3A_195 step %parallel_loop3A_196 iter_args(%parallel_loop3A_864 = %broadcast_in_dim3A_187, %parallel_loop3A_865 = %broadcast_in_dim3A_189, %parallel_loop3A_866 = %broadcast_in_dim3A_191, %parallel_loop3A_867 = %broadcast_in_dim3A_193) -> (vector<16xf32>, vector<16xf32>, vector<16xf32>, vector<16xf32>)  : i32 {
        %parallel_loop3A_868 = arith.constant 150 : i32
        %parallel_loop3A_869 = arith.addi %parallel_loop3A_868, %parallel_loop3A_863 : i32
        %parallel_loop3A_870 = arith.index_cast %parallel_loop3A_869 : i32 to index
        %parallel_loop3A_871 = arith.constant 0 : index
        %parallel_loop3A_872 = tpu.vector_load %arg6[%parallel_loop3A_870, %parallel_loop3A_871] {strides = array<i32>} : memref<200x64xf32, #tpu.memory_space<vmem>>, vector<16xf32>,
        %parallel_loop3A_873 = arith.addf %parallel_loop3A_864, %parallel_loop3A_872 : vector<16xf32>
        %parallel_loop3A_874 = arith.index_cast %parallel_loop3A_869 : i32 to index
        %parallel_loop3A_875 = arith.constant 16 : index
        %parallel_loop3A_876 = tpu.vector_load %arg6[%parallel_loop3A_874, %parallel_loop3A_875] {strides = array<i32>} : memref<200x64xf32, #tpu.memory_space<vmem>>, vector<16xf32>,
        %parallel_loop3A_877 = arith.addf %parallel_loop3A_865, %parallel_loop3A_876 : vector<16xf32>
        %parallel_loop3A_878 = arith.index_cast %parallel_loop3A_869 : i32 to index
        %parallel_loop3A_879 = arith.constant 32 : index
        %parallel_loop3A_880 = tpu.vector_load %arg6[%parallel_loop3A_878, %parallel_loop3A_879] {strides = array<i32>} : memref<200x64xf32, #tpu.memory_space<vmem>>, vector<16xf32>,
        %parallel_loop3A_881 = arith.addf %parallel_loop3A_866, %parallel_loop3A_880 : vector<16xf32>
        %parallel_loop3A_882 = arith.index_cast %parallel_loop3A_869 : i32 to index
        %parallel_loop3A_883 = arith.constant 48 : index
        %parallel_loop3A_884 = tpu.vector_load %arg6[%parallel_loop3A_882, %parallel_loop3A_883] {strides = array<i32>} : memref<200x64xf32, #tpu.memory_space<vmem>>, vector<16xf32>,
        %parallel_loop3A_885 = arith.addf %parallel_loop3A_867, %parallel_loop3A_884 : vector<16xf32>
        scf.yield %parallel_loop3A_873, %parallel_loop3A_877, %parallel_loop3A_881, %parallel_loop3A_885 : vector<16xf32>, vector<16xf32>, vector<16xf32>, vector<16xf32>
      } {sc.loop_unroll_factor = 10 : i64, sc.parallel_access}
      %mul3A_198 = arith.constant 4 : i32
      %mul3A_199 = arith.muli %add3A_40, %mul3A_198 : i32
      %add3A_200 = arith.constant 3 : i32
      %add3A_201 = arith.addi %mul3A_199, %add3A_200 : i32
      %mul3A_202 = vector.broadcast %scan3A : f32 to vector<16xf32>
      %mul3A_203 = arith.mulf %parallel_loop3A_197#0, %mul3A_202 : vector<16xf32>
      %mul3A_204 = arith.constant 64 : i32
      %mul3A_205 = arith.muli %add3A_201, %mul3A_204 : i32
      %add3A_206 = arith.constant 0 : i32
      %add3A_207 = arith.addi %mul3A_205, %add3A_206 : i32
      %swap3A_208 = arith.index_cast %add3A_207 : i32 to index
      %swap3A_209 = tpu.vector_load %arg10[%swap3A_208] {strides = array<i32>} : memref<32768xf32, #tpu.memory_space<vmem>>, vector<16xf32>,
      tpu.vector_store %arg10[%swap3A_208], %mul3A_203 {strides = array<i32>} : memref<32768xf32, #tpu.memory_space<vmem>>, vector<16xf32>,
      %mul3A_210 = vector.broadcast %scan3A : f32 to vector<16xf32>
      %mul3A_211 = arith.mulf %parallel_loop3A_197#1, %mul3A_210 : vector<16xf32>
      %mul3A_212 = arith.constant 64 : i32
      %mul3A_213 = arith.muli %add3A_201, %mul3A_212 : i32
      %add3A_214 = arith.constant 16 : i32
      %add3A_215 = arith.addi %mul3A_213, %add3A_214 : i32
      %swap3A_216 = arith.index_cast %add3A_215 : i32 to index
      %swap3A_217 = tpu.vector_load %arg10[%swap3A_216] {strides = array<i32>} : memref<32768xf32, #tpu.memory_space<vmem>>, vector<16xf32>,
      tpu.vector_store %arg10[%swap3A_216], %mul3A_211 {strides = array<i32>} : memref<32768xf32, #tpu.memory_space<vmem>>, vector<16xf32>,
      %mul3A_218 = vector.broadcast %scan3A : f32 to vector<16xf32>
      %mul3A_219 = arith.mulf %parallel_loop3A_197#2, %mul3A_218 : vector<16xf32>
      %mul3A_220 = arith.constant 64 : i32
      %mul3A_221 = arith.muli %add3A_201, %mul3A_220 : i32
      %add3A_222 = arith.constant 32 : i32
      %add3A_223 = arith.addi %mul3A_221, %add3A_222 : i32
      %swap3A_224 = arith.index_cast %add3A_223 : i32 to index
      %swap3A_225 = tpu.vector_load %arg10[%swap3A_224] {strides = array<i32>} : memref<32768xf32, #tpu.memory_space<vmem>>, vector<16xf32>,
      tpu.vector_store %arg10[%swap3A_224], %mul3A_219 {strides = array<i32>} : memref<32768xf32, #tpu.memory_space<vmem>>, vector<16xf32>,
      %mul3A_226 = vector.broadcast %scan3A : f32 to vector<16xf32>
      %mul3A_227 = arith.mulf %parallel_loop3A_197#3, %mul3A_226 : vector<16xf32>
      %mul3A_228 = arith.constant 64 : i32
      %mul3A_229 = arith.muli %add3A_201, %mul3A_228 : i32
      %add3A_230 = arith.constant 48 : i32
      %add3A_231 = arith.addi %mul3A_229, %add3A_230 : i32
      %swap3A_232 = arith.index_cast %add3A_231 : i32 to index
      %swap3A_233 = tpu.vector_load %arg10[%swap3A_232] {strides = array<i32>} : memref<32768xf32, #tpu.memory_space<vmem>>, vector<16xf32>,
      tpu.vector_store %arg10[%swap3A_232], %mul3A_227 {strides = array<i32>} : memref<32768xf32, #tpu.memory_space<vmem>>, vector<16xf32>,
      %add3A_234 = arith.constant 4 : i32
      %add3A_235 = arith.addi %add3A_40, %add3A_234 : i32
      %lt3A = arith.constant 128 : i32
      %lt3A_236 = arith.cmpi slt, %add3A_235, %lt3A : i32
      %convert_element_type3A = arith.extui %lt3A_236 : i1 to i32
      %cond3A = arith.constant 0 : i32
      %cond3A_237 = arith.cmpi ne, %convert_element_type3A, %cond3A : i32
      scf.if %cond3A_237 {
        %add3A_863 = arith.constant 4 : i32
        %add3A_864 = arith.addi %add3A_40, %add3A_863 : i32
        %mul3A_865 = arith.constant 200 : i32
        %mul3A_866 = arith.muli %add3A_864, %mul3A_865 : i32
        %dma_start3A_867 = tpu.memref_slice %arg5[%mul3A_866] : memref<25600xi32, #tpu.memory_space<vmem>> -> memref<200xi32, #tpu.memory_space<vmem>>
        %dma_start3A_868 = arith.constant 0 : i32
        %dma_start3A_869 = arith.constant 0 : i32
        %dma_start3A_870 = tpu.memref_slice %arg3[%dma_start3A_868, %dma_start3A_869] : memref<1000000x64xf32, #tpu.memory_space<hbm>> -> memref<1000000x64xf32, #tpu.memory_space<hbm>>
        tpu.enqueue_indirect_dma source(%dma_start3A_870 : memref<1000000x64xf32, #tpu.memory_space<hbm>>) target(%arg6 : memref<200x64xf32, #tpu.memory_space<vmem>>) offsets(%dma_start3A_867 : memref<200xi32, #tpu.memory_space<vmem>>) semaphore(%arg11 : memref<!tpu.dma_semaphore, #tpu.memory_space<semaphore_mem>>)
      } else {
      }
      %mul3A_238 = arith.constant 4 : i32
      %mul3A_239 = arith.muli %mul3A_238, %scan3A_35 : i32
      %add3A_240 = arith.constant 1 : i32
      %add3A_241 = arith.addi %mul3A_239, %add3A_240 : i32
      %dma_wait3A_242 = arith.constant 0 : i32
      %dma_wait3A_243 = tpu.memref_slice %arg5[%dma_wait3A_242] : memref<25600xi32, #tpu.memory_space<vmem>> -> memref<200xi32, #tpu.memory_space<vmem>>
      %dma_wait3A_244 = arith.constant 0 : i32
      %dma_wait3A_245 = arith.constant 0 : i32
      %dma_wait3A_246 = tpu.memref_slice %arg3[%dma_wait3A_244, %dma_wait3A_245] : memref<1000000x64xf32, #tpu.memory_space<hbm>> -> memref<1000000x64xf32, #tpu.memory_space<hbm>>
      tpu.wait_indirect_dma semaphore(%arg12 : memref<!tpu.dma_semaphore, #tpu.memory_space<semaphore_mem>>) src(%dma_wait3A_246 : memref<1000000x64xf32, #tpu.memory_space<hbm>>) dst(%arg7 : memref<200x64xf32, #tpu.memory_space<vmem>>)
      %broadcast_in_dim3A_247 = arith.constant 0.000000e+00 : f32
      %broadcast_in_dim3A_248 = vector.broadcast %broadcast_in_dim3A_247 : f32 to vector<16xf32>
      %broadcast_in_dim3A_249 = arith.constant 0.000000e+00 : f32
      %broadcast_in_dim3A_250 = vector.broadcast %broadcast_in_dim3A_249 : f32 to vector<16xf32>
      %broadcast_in_dim3A_251 = arith.constant 0.000000e+00 : f32
      %broadcast_in_dim3A_252 = vector.broadcast %broadcast_in_dim3A_251 : f32 to vector<16xf32>
      %broadcast_in_dim3A_253 = arith.constant 0.000000e+00 : f32
      %broadcast_in_dim3A_254 = vector.broadcast %broadcast_in_dim3A_253 : f32 to vector<16xf32>
      %parallel_loop3A_255 = arith.constant 0 : i32
      %parallel_loop3A_256 = arith.constant 50 : i32
      %parallel_loop3A_257 = arith.constant 1 : i32
      %parallel_loop3A_258:4 = scf.for %parallel_loop3A_863 = %parallel_loop3A_255 to %parallel_loop3A_256 step %parallel_loop3A_257 iter_args(%parallel_loop3A_864 = %broadcast_in_dim3A_248, %parallel_loop3A_865 = %broadcast_in_dim3A_250, %parallel_loop3A_866 = %broadcast_in_dim3A_252, %parallel_loop3A_867 = %broadcast_in_dim3A_254) -> (vector<16xf32>, vector<16xf32>, vector<16xf32>, vector<16xf32>)  : i32 {
        %parallel_loop3A_868 = arith.constant 0 : i32
        %parallel_loop3A_869 = arith.addi %parallel_loop3A_868, %parallel_loop3A_863 : i32
        %parallel_loop3A_870 = arith.index_cast %parallel_loop3A_869 : i32 to index
        %parallel_loop3A_871 = arith.constant 0 : index
        %parallel_loop3A_872 = tpu.vector_load %arg7[%parallel_loop3A_870, %parallel_loop3A_871] {strides = array<i32>} : memref<200x64xf32, #tpu.memory_space<vmem>>, vector<16xf32>,
        %parallel_loop3A_873 = arith.addf %parallel_loop3A_864, %parallel_loop3A_872 : vector<16xf32>
        %parallel_loop3A_874 = arith.index_cast %parallel_loop3A_869 : i32 to index
        %parallel_loop3A_875 = arith.constant 16 : index
        %parallel_loop3A_876 = tpu.vector_load %arg7[%parallel_loop3A_874, %parallel_loop3A_875] {strides = array<i32>} : memref<200x64xf32, #tpu.memory_space<vmem>>, vector<16xf32>,
        %parallel_loop3A_877 = arith.addf %parallel_loop3A_865, %parallel_loop3A_876 : vector<16xf32>
        %parallel_loop3A_878 = arith.index_cast %parallel_loop3A_869 : i32 to index
        %parallel_loop3A_879 = arith.constant 32 : index
        %parallel_loop3A_880 = tpu.vector_load %arg7[%parallel_loop3A_878, %parallel_loop3A_879] {strides = array<i32>} : memref<200x64xf32, #tpu.memory_space<vmem>>, vector<16xf32>,
        %parallel_loop3A_881 = arith.addf %parallel_loop3A_866, %parallel_loop3A_880 : vector<16xf32>
        %parallel_loop3A_882 = arith.index_cast %parallel_loop3A_869 : i32 to index
        %parallel_loop3A_883 = arith.constant 48 : index
        %parallel_loop3A_884 = tpu.vector_load %arg7[%parallel_loop3A_882, %parallel_loop3A_883] {strides = array<i32>} : memref<200x64xf32, #tpu.memory_space<vmem>>, vector<16xf32>,
        %parallel_loop3A_885 = arith.addf %parallel_loop3A_867, %parallel_loop3A_884 : vector<16xf32>
        scf.yield %parallel_loop3A_873, %parallel_loop3A_877, %parallel_loop3A_881, %parallel_loop3A_885 : vector<16xf32>, vector<16xf32>, vector<16xf32>, vector<16xf32>
      } {sc.loop_unroll_factor = 10 : i64, sc.parallel_access}
      %mul3A_259 = arith.constant 4 : i32
      %mul3A_260 = arith.muli %add3A_241, %mul3A_259 : i32
      %add3A_261 = arith.constant 0 : i32
      %add3A_262 = arith.addi %mul3A_260, %add3A_261 : i32
      %mul3A_263 = vector.broadcast %scan3A : f32 to vector<16xf32>
      %mul3A_264 = arith.mulf %parallel_loop3A_258#0, %mul3A_263 : vector<16xf32>
      %mul3A_265 = arith.constant 64 : i32
      %mul3A_266 = arith.muli %add3A_262, %mul3A_265 : i32
      %add3A_267 = arith.constant 0 : i32
      %add3A_268 = arith.addi %mul3A_266, %add3A_267 : i32
      %swap3A_269 = arith.index_cast %add3A_268 : i32 to index
      %swap3A_270 = tpu.vector_load %arg10[%swap3A_269] {strides = array<i32>} : memref<32768xf32, #tpu.memory_space<vmem>>, vector<16xf32>,
      tpu.vector_store %arg10[%swap3A_269], %mul3A_264 {strides = array<i32>} : memref<32768xf32, #tpu.memory_space<vmem>>, vector<16xf32>,
      %mul3A_271 = vector.broadcast %scan3A : f32 to vector<16xf32>
      %mul3A_272 = arith.mulf %parallel_loop3A_258#1, %mul3A_271 : vector<16xf32>
      %mul3A_273 = arith.constant 64 : i32
      %mul3A_274 = arith.muli %add3A_262, %mul3A_273 : i32
      %add3A_275 = arith.constant 16 : i32
      %add3A_276 = arith.addi %mul3A_274, %add3A_275 : i32
      %swap3A_277 = arith.index_cast %add3A_276 : i32 to index
      %swap3A_278 = tpu.vector_load %arg10[%swap3A_277] {strides = array<i32>} : memref<32768xf32, #tpu.memory_space<vmem>>, vector<16xf32>,
      tpu.vector_store %arg10[%swap3A_277], %mul3A_272 {strides = array<i32>} : memref<32768xf32, #tpu.memory_space<vmem>>, vector<16xf32>,
      %mul3A_279 = vector.broadcast %scan3A : f32 to vector<16xf32>
      %mul3A_280 = arith.mulf %parallel_loop3A_258#2, %mul3A_279 : vector<16xf32>
      %mul3A_281 = arith.constant 64 : i32
      %mul3A_282 = arith.muli %add3A_262, %mul3A_281 : i32
      %add3A_283 = arith.constant 32 : i32
      %add3A_284 = arith.addi %mul3A_282, %add3A_283 : i32
      %swap3A_285 = arith.index_cast %add3A_284 : i32 to index
      %swap3A_286 = tpu.vector_load %arg10[%swap3A_285] {strides = array<i32>} : memref<32768xf32, #tpu.memory_space<vmem>>, vector<16xf32>,
      tpu.vector_store %arg10[%swap3A_285], %mul3A_280 {strides = array<i32>} : memref<32768xf32, #tpu.memory_space<vmem>>, vector<16xf32>,
      %mul3A_287 = vector.broadcast %scan3A : f32 to vector<16xf32>
      %mul3A_288 = arith.mulf %parallel_loop3A_258#3, %mul3A_287 : vector<16xf32>
      %mul3A_289 = arith.constant 64 : i32
      %mul3A_290 = arith.muli %add3A_262, %mul3A_289 : i32
      %add3A_291 = arith.constant 48 : i32
      %add3A_292 = arith.addi %mul3A_290, %add3A_291 : i32
      %swap3A_293 = arith.index_cast %add3A_292 : i32 to index
      %swap3A_294 = tpu.vector_load %arg10[%swap3A_293] {strides = array<i32>} : memref<32768xf32, #tpu.memory_space<vmem>>, vector<16xf32>,
      tpu.vector_store %arg10[%swap3A_293], %mul3A_288 {strides = array<i32>} : memref<32768xf32, #tpu.memory_space<vmem>>, vector<16xf32>,
      %broadcast_in_dim3A_295 = arith.constant 0.000000e+00 : f32
      %broadcast_in_dim3A_296 = vector.broadcast %broadcast_in_dim3A_295 : f32 to vector<16xf32>
      %broadcast_in_dim3A_297 = arith.constant 0.000000e+00 : f32
      %broadcast_in_dim3A_298 = vector.broadcast %broadcast_in_dim3A_297 : f32 to vector<16xf32>
      %broadcast_in_dim3A_299 = arith.constant 0.000000e+00 : f32
      %broadcast_in_dim3A_300 = vector.broadcast %broadcast_in_dim3A_299 : f32 to vector<16xf32>
      %broadcast_in_dim3A_301 = arith.constant 0.000000e+00 : f32
      %broadcast_in_dim3A_302 = vector.broadcast %broadcast_in_dim3A_301 : f32 to vector<16xf32>
      %parallel_loop3A_303 = arith.constant 0 : i32
      %parallel_loop3A_304 = arith.constant 50 : i32
      %parallel_loop3A_305 = arith.constant 1 : i32
      %parallel_loop3A_306:4 = scf.for %parallel_loop3A_863 = %parallel_loop3A_303 to %parallel_loop3A_304 step %parallel_loop3A_305 iter_args(%parallel_loop3A_864 = %broadcast_in_dim3A_296, %parallel_loop3A_865 = %broadcast_in_dim3A_298, %parallel_loop3A_866 = %broadcast_in_dim3A_300, %parallel_loop3A_867 = %broadcast_in_dim3A_302) -> (vector<16xf32>, vector<16xf32>, vector<16xf32>, vector<16xf32>)  : i32 {
        %parallel_loop3A_868 = arith.constant 50 : i32
        %parallel_loop3A_869 = arith.addi %parallel_loop3A_868, %parallel_loop3A_863 : i32
        %parallel_loop3A_870 = arith.index_cast %parallel_loop3A_869 : i32 to index
        %parallel_loop3A_871 = arith.constant 0 : index
        %parallel_loop3A_872 = tpu.vector_load %arg7[%parallel_loop3A_870, %parallel_loop3A_871] {strides = array<i32>} : memref<200x64xf32, #tpu.memory_space<vmem>>, vector<16xf32>,
        %parallel_loop3A_873 = arith.addf %parallel_loop3A_864, %parallel_loop3A_872 : vector<16xf32>
        %parallel_loop3A_874 = arith.index_cast %parallel_loop3A_869 : i32 to index
        %parallel_loop3A_875 = arith.constant 16 : index
        %parallel_loop3A_876 = tpu.vector_load %arg7[%parallel_loop3A_874, %parallel_loop3A_875] {strides = array<i32>} : memref<200x64xf32, #tpu.memory_space<vmem>>, vector<16xf32>,
        %parallel_loop3A_877 = arith.addf %parallel_loop3A_865, %parallel_loop3A_876 : vector<16xf32>
        %parallel_loop3A_878 = arith.index_cast %parallel_loop3A_869 : i32 to index
        %parallel_loop3A_879 = arith.constant 32 : index
        %parallel_loop3A_880 = tpu.vector_load %arg7[%parallel_loop3A_878, %parallel_loop3A_879] {strides = array<i32>} : memref<200x64xf32, #tpu.memory_space<vmem>>, vector<16xf32>,
        %parallel_loop3A_881 = arith.addf %parallel_loop3A_866, %parallel_loop3A_880 : vector<16xf32>
        %parallel_loop3A_882 = arith.index_cast %parallel_loop3A_869 : i32 to index
        %parallel_loop3A_883 = arith.constant 48 : index
        %parallel_loop3A_884 = tpu.vector_load %arg7[%parallel_loop3A_882, %parallel_loop3A_883] {strides = array<i32>} : memref<200x64xf32, #tpu.memory_space<vmem>>, vector<16xf32>,
        %parallel_loop3A_885 = arith.addf %parallel_loop3A_867, %parallel_loop3A_884 : vector<16xf32>
        scf.yield %parallel_loop3A_873, %parallel_loop3A_877, %parallel_loop3A_881, %parallel_loop3A_885 : vector<16xf32>, vector<16xf32>, vector<16xf32>, vector<16xf32>
      } {sc.loop_unroll_factor = 10 : i64, sc.parallel_access}
      %mul3A_307 = arith.constant 4 : i32
      %mul3A_308 = arith.muli %add3A_241, %mul3A_307 : i32
      %add3A_309 = arith.constant 1 : i32
      %add3A_310 = arith.addi %mul3A_308, %add3A_309 : i32
      %mul3A_311 = vector.broadcast %scan3A : f32 to vector<16xf32>
      %mul3A_312 = arith.mulf %parallel_loop3A_306#0, %mul3A_311 : vector<16xf32>
      %mul3A_313 = arith.constant 64 : i32
      %mul3A_314 = arith.muli %add3A_310, %mul3A_313 : i32
      %add3A_315 = arith.constant 0 : i32
      %add3A_316 = arith.addi %mul3A_314, %add3A_315 : i32
      %swap3A_317 = arith.index_cast %add3A_316 : i32 to index
      %swap3A_318 = tpu.vector_load %arg10[%swap3A_317] {strides = array<i32>} : memref<32768xf32, #tpu.memory_space<vmem>>, vector<16xf32>,
      tpu.vector_store %arg10[%swap3A_317], %mul3A_312 {strides = array<i32>} : memref<32768xf32, #tpu.memory_space<vmem>>, vector<16xf32>,
      %mul3A_319 = vector.broadcast %scan3A : f32 to vector<16xf32>
      %mul3A_320 = arith.mulf %parallel_loop3A_306#1, %mul3A_319 : vector<16xf32>
      %mul3A_321 = arith.constant 64 : i32
      %mul3A_322 = arith.muli %add3A_310, %mul3A_321 : i32
      %add3A_323 = arith.constant 16 : i32
      %add3A_324 = arith.addi %mul3A_322, %add3A_323 : i32
      %swap3A_325 = arith.index_cast %add3A_324 : i32 to index
      %swap3A_326 = tpu.vector_load %arg10[%swap3A_325] {strides = array<i32>} : memref<32768xf32, #tpu.memory_space<vmem>>, vector<16xf32>,
      tpu.vector_store %arg10[%swap3A_325], %mul3A_320 {strides = array<i32>} : memref<32768xf32, #tpu.memory_space<vmem>>, vector<16xf32>,
      %mul3A_327 = vector.broadcast %scan3A : f32 to vector<16xf32>
      %mul3A_328 = arith.mulf %parallel_loop3A_306#2, %mul3A_327 : vector<16xf32>
      %mul3A_329 = arith.constant 64 : i32
      %mul3A_330 = arith.muli %add3A_310, %mul3A_329 : i32
      %add3A_331 = arith.constant 32 : i32
      %add3A_332 = arith.addi %mul3A_330, %add3A_331 : i32
      %swap3A_333 = arith.index_cast %add3A_332 : i32 to index
      %swap3A_334 = tpu.vector_load %arg10[%swap3A_333] {strides = array<i32>} : memref<32768xf32, #tpu.memory_space<vmem>>, vector<16xf32>,
      tpu.vector_store %arg10[%swap3A_333], %mul3A_328 {strides = array<i32>} : memref<32768xf32, #tpu.memory_space<vmem>>, vector<16xf32>,
      %mul3A_335 = vector.broadcast %scan3A : f32 to vector<16xf32>
      %mul3A_336 = arith.mulf %parallel_loop3A_306#3, %mul3A_335 : vector<16xf32>
      %mul3A_337 = arith.constant 64 : i32
      %mul3A_338 = arith.muli %add3A_310, %mul3A_337 : i32
      %add3A_339 = arith.constant 48 : i32
      %add3A_340 = arith.addi %mul3A_338, %add3A_339 : i32
      %swap3A_341 = arith.index_cast %add3A_340 : i32 to index
      %swap3A_342 = tpu.vector_load %arg10[%swap3A_341] {strides = array<i32>} : memref<32768xf32, #tpu.memory_space<vmem>>, vector<16xf32>,
      tpu.vector_store %arg10[%swap3A_341], %mul3A_336 {strides = array<i32>} : memref<32768xf32, #tpu.memory_space<vmem>>, vector<16xf32>,
      %broadcast_in_dim3A_343 = arith.constant 0.000000e+00 : f32
      %broadcast_in_dim3A_344 = vector.broadcast %broadcast_in_dim3A_343 : f32 to vector<16xf32>
      %broadcast_in_dim3A_345 = arith.constant 0.000000e+00 : f32
      %broadcast_in_dim3A_346 = vector.broadcast %broadcast_in_dim3A_345 : f32 to vector<16xf32>
      %broadcast_in_dim3A_347 = arith.constant 0.000000e+00 : f32
      %broadcast_in_dim3A_348 = vector.broadcast %broadcast_in_dim3A_347 : f32 to vector<16xf32>
      %broadcast_in_dim3A_349 = arith.constant 0.000000e+00 : f32
      %broadcast_in_dim3A_350 = vector.broadcast %broadcast_in_dim3A_349 : f32 to vector<16xf32>
      %parallel_loop3A_351 = arith.constant 0 : i32
      %parallel_loop3A_352 = arith.constant 50 : i32
      %parallel_loop3A_353 = arith.constant 1 : i32
      %parallel_loop3A_354:4 = scf.for %parallel_loop3A_863 = %parallel_loop3A_351 to %parallel_loop3A_352 step %parallel_loop3A_353 iter_args(%parallel_loop3A_864 = %broadcast_in_dim3A_344, %parallel_loop3A_865 = %broadcast_in_dim3A_346, %parallel_loop3A_866 = %broadcast_in_dim3A_348, %parallel_loop3A_867 = %broadcast_in_dim3A_350) -> (vector<16xf32>, vector<16xf32>, vector<16xf32>, vector<16xf32>)  : i32 {
        %parallel_loop3A_868 = arith.constant 100 : i32
        %parallel_loop3A_869 = arith.addi %parallel_loop3A_868, %parallel_loop3A_863 : i32
        %parallel_loop3A_870 = arith.index_cast %parallel_loop3A_869 : i32 to index
        %parallel_loop3A_871 = arith.constant 0 : index
        %parallel_loop3A_872 = tpu.vector_load %arg7[%parallel_loop3A_870, %parallel_loop3A_871] {strides = array<i32>} : memref<200x64xf32, #tpu.memory_space<vmem>>, vector<16xf32>,
        %parallel_loop3A_873 = arith.addf %parallel_loop3A_864, %parallel_loop3A_872 : vector<16xf32>
        %parallel_loop3A_874 = arith.index_cast %parallel_loop3A_869 : i32 to index
        %parallel_loop3A_875 = arith.constant 16 : index
        %parallel_loop3A_876 = tpu.vector_load %arg7[%parallel_loop3A_874, %parallel_loop3A_875] {strides = array<i32>} : memref<200x64xf32, #tpu.memory_space<vmem>>, vector<16xf32>,
        %parallel_loop3A_877 = arith.addf %parallel_loop3A_865, %parallel_loop3A_876 : vector<16xf32>
        %parallel_loop3A_878 = arith.index_cast %parallel_loop3A_869 : i32 to index
        %parallel_loop3A_879 = arith.constant 32 : index
        %parallel_loop3A_880 = tpu.vector_load %arg7[%parallel_loop3A_878, %parallel_loop3A_879] {strides = array<i32>} : memref<200x64xf32, #tpu.memory_space<vmem>>, vector<16xf32>,
        %parallel_loop3A_881 = arith.addf %parallel_loop3A_866, %parallel_loop3A_880 : vector<16xf32>
        %parallel_loop3A_882 = arith.index_cast %parallel_loop3A_869 : i32 to index
        %parallel_loop3A_883 = arith.constant 48 : index
        %parallel_loop3A_884 = tpu.vector_load %arg7[%parallel_loop3A_882, %parallel_loop3A_883] {strides = array<i32>} : memref<200x64xf32, #tpu.memory_space<vmem>>, vector<16xf32>,
        %parallel_loop3A_885 = arith.addf %parallel_loop3A_867, %parallel_loop3A_884 : vector<16xf32>
        scf.yield %parallel_loop3A_873, %parallel_loop3A_877, %parallel_loop3A_881, %parallel_loop3A_885 : vector<16xf32>, vector<16xf32>, vector<16xf32>, vector<16xf32>
      } {sc.loop_unroll_factor = 10 : i64, sc.parallel_access}
      %mul3A_355 = arith.constant 4 : i32
      %mul3A_356 = arith.muli %add3A_241, %mul3A_355 : i32
      %add3A_357 = arith.constant 2 : i32
      %add3A_358 = arith.addi %mul3A_356, %add3A_357 : i32
      %mul3A_359 = vector.broadcast %scan3A : f32 to vector<16xf32>
      %mul3A_360 = arith.mulf %parallel_loop3A_354#0, %mul3A_359 : vector<16xf32>
      %mul3A_361 = arith.constant 64 : i32
      %mul3A_362 = arith.muli %add3A_358, %mul3A_361 : i32
      %add3A_363 = arith.constant 0 : i32
      %add3A_364 = arith.addi %mul3A_362, %add3A_363 : i32
      %swap3A_365 = arith.index_cast %add3A_364 : i32 to index
      %swap3A_366 = tpu.vector_load %arg10[%swap3A_365] {strides = array<i32>} : memref<32768xf32, #tpu.memory_space<vmem>>, vector<16xf32>,
      tpu.vector_store %arg10[%swap3A_365], %mul3A_360 {strides = array<i32>} : memref<32768xf32, #tpu.memory_space<vmem>>, vector<16xf32>,
      %mul3A_367 = vector.broadcast %scan3A : f32 to vector<16xf32>
      %mul3A_368 = arith.mulf %parallel_loop3A_354#1, %mul3A_367 : vector<16xf32>
      %mul3A_369 = arith.constant 64 : i32
      %mul3A_370 = arith.muli %add3A_358, %mul3A_369 : i32
      %add3A_371 = arith.constant 16 : i32
      %add3A_372 = arith.addi %mul3A_370, %add3A_371 : i32
      %swap3A_373 = arith.index_cast %add3A_372 : i32 to index
      %swap3A_374 = tpu.vector_load %arg10[%swap3A_373] {strides = array<i32>} : memref<32768xf32, #tpu.memory_space<vmem>>, vector<16xf32>,
      tpu.vector_store %arg10[%swap3A_373], %mul3A_368 {strides = array<i32>} : memref<32768xf32, #tpu.memory_space<vmem>>, vector<16xf32>,
      %mul3A_375 = vector.broadcast %scan3A : f32 to vector<16xf32>
      %mul3A_376 = arith.mulf %parallel_loop3A_354#2, %mul3A_375 : vector<16xf32>
      %mul3A_377 = arith.constant 64 : i32
      %mul3A_378 = arith.muli %add3A_358, %mul3A_377 : i32
      %add3A_379 = arith.constant 32 : i32
      %add3A_380 = arith.addi %mul3A_378, %add3A_379 : i32
      %swap3A_381 = arith.index_cast %add3A_380 : i32 to index
      %swap3A_382 = tpu.vector_load %arg10[%swap3A_381] {strides = array<i32>} : memref<32768xf32, #tpu.memory_space<vmem>>, vector<16xf32>,
      tpu.vector_store %arg10[%swap3A_381], %mul3A_376 {strides = array<i32>} : memref<32768xf32, #tpu.memory_space<vmem>>, vector<16xf32>,
      %mul3A_383 = vector.broadcast %scan3A : f32 to vector<16xf32>
      %mul3A_384 = arith.mulf %parallel_loop3A_354#3, %mul3A_383 : vector<16xf32>
      %mul3A_385 = arith.constant 64 : i32
      %mul3A_386 = arith.muli %add3A_358, %mul3A_385 : i32
      %add3A_387 = arith.constant 48 : i32
      %add3A_388 = arith.addi %mul3A_386, %add3A_387 : i32
      %swap3A_389 = arith.index_cast %add3A_388 : i32 to index
      %swap3A_390 = tpu.vector_load %arg10[%swap3A_389] {strides = array<i32>} : memref<32768xf32, #tpu.memory_space<vmem>>, vector<16xf32>,
      tpu.vector_store %arg10[%swap3A_389], %mul3A_384 {strides = array<i32>} : memref<32768xf32, #tpu.memory_space<vmem>>, vector<16xf32>,
      %broadcast_in_dim3A_391 = arith.constant 0.000000e+00 : f32
      %broadcast_in_dim3A_392 = vector.broadcast %broadcast_in_dim3A_391 : f32 to vector<16xf32>
      %broadcast_in_dim3A_393 = arith.constant 0.000000e+00 : f32
      %broadcast_in_dim3A_394 = vector.broadcast %broadcast_in_dim3A_393 : f32 to vector<16xf32>
      %broadcast_in_dim3A_395 = arith.constant 0.000000e+00 : f32
      %broadcast_in_dim3A_396 = vector.broadcast %broadcast_in_dim3A_395 : f32 to vector<16xf32>
      %broadcast_in_dim3A_397 = arith.constant 0.000000e+00 : f32
      %broadcast_in_dim3A_398 = vector.broadcast %broadcast_in_dim3A_397 : f32 to vector<16xf32>
      %parallel_loop3A_399 = arith.constant 0 : i32
      %parallel_loop3A_400 = arith.constant 50 : i32
      %parallel_loop3A_401 = arith.constant 1 : i32
      %parallel_loop3A_402:4 = scf.for %parallel_loop3A_863 = %parallel_loop3A_399 to %parallel_loop3A_400 step %parallel_loop3A_401 iter_args(%parallel_loop3A_864 = %broadcast_in_dim3A_392, %parallel_loop3A_865 = %broadcast_in_dim3A_394, %parallel_loop3A_866 = %broadcast_in_dim3A_396, %parallel_loop3A_867 = %broadcast_in_dim3A_398) -> (vector<16xf32>, vector<16xf32>, vector<16xf32>, vector<16xf32>)  : i32 {
        %parallel_loop3A_868 = arith.constant 150 : i32
        %parallel_loop3A_869 = arith.addi %parallel_loop3A_868, %parallel_loop3A_863 : i32
        %parallel_loop3A_870 = arith.index_cast %parallel_loop3A_869 : i32 to index
        %parallel_loop3A_871 = arith.constant 0 : index
        %parallel_loop3A_872 = tpu.vector_load %arg7[%parallel_loop3A_870, %parallel_loop3A_871] {strides = array<i32>} : memref<200x64xf32, #tpu.memory_space<vmem>>, vector<16xf32>,
        %parallel_loop3A_873 = arith.addf %parallel_loop3A_864, %parallel_loop3A_872 : vector<16xf32>
        %parallel_loop3A_874 = arith.index_cast %parallel_loop3A_869 : i32 to index
        %parallel_loop3A_875 = arith.constant 16 : index
        %parallel_loop3A_876 = tpu.vector_load %arg7[%parallel_loop3A_874, %parallel_loop3A_875] {strides = array<i32>} : memref<200x64xf32, #tpu.memory_space<vmem>>, vector<16xf32>,
        %parallel_loop3A_877 = arith.addf %parallel_loop3A_865, %parallel_loop3A_876 : vector<16xf32>
        %parallel_loop3A_878 = arith.index_cast %parallel_loop3A_869 : i32 to index
        %parallel_loop3A_879 = arith.constant 32 : index
        %parallel_loop3A_880 = tpu.vector_load %arg7[%parallel_loop3A_878, %parallel_loop3A_879] {strides = array<i32>} : memref<200x64xf32, #tpu.memory_space<vmem>>, vector<16xf32>,
        %parallel_loop3A_881 = arith.addf %parallel_loop3A_866, %parallel_loop3A_880 : vector<16xf32>
        %parallel_loop3A_882 = arith.index_cast %parallel_loop3A_869 : i32 to index
        %parallel_loop3A_883 = arith.constant 48 : index
        %parallel_loop3A_884 = tpu.vector_load %arg7[%parallel_loop3A_882, %parallel_loop3A_883] {strides = array<i32>} : memref<200x64xf32, #tpu.memory_space<vmem>>, vector<16xf32>,
        %parallel_loop3A_885 = arith.addf %parallel_loop3A_867, %parallel_loop3A_884 : vector<16xf32>
        scf.yield %parallel_loop3A_873, %parallel_loop3A_877, %parallel_loop3A_881, %parallel_loop3A_885 : vector<16xf32>, vector<16xf32>, vector<16xf32>, vector<16xf32>
      } {sc.loop_unroll_factor = 10 : i64, sc.parallel_access}
      %mul3A_403 = arith.constant 4 : i32
      %mul3A_404 = arith.muli %add3A_241, %mul3A_403 : i32
      %add3A_405 = arith.constant 3 : i32
      %add3A_406 = arith.addi %mul3A_404, %add3A_405 : i32
      %mul3A_407 = vector.broadcast %scan3A : f32 to vector<16xf32>
      %mul3A_408 = arith.mulf %parallel_loop3A_402#0, %mul3A_407 : vector<16xf32>
      %mul3A_409 = arith.constant 64 : i32
      %mul3A_410 = arith.muli %add3A_406, %mul3A_409 : i32
      %add3A_411 = arith.constant 0 : i32
      %add3A_412 = arith.addi %mul3A_410, %add3A_411 : i32
      %swap3A_413 = arith.index_cast %add3A_412 : i32 to index
      %swap3A_414 = tpu.vector_load %arg10[%swap3A_413] {strides = array<i32>} : memref<32768xf32, #tpu.memory_space<vmem>>, vector<16xf32>,
      tpu.vector_store %arg10[%swap3A_413], %mul3A_408 {strides = array<i32>} : memref<32768xf32, #tpu.memory_space<vmem>>, vector<16xf32>,
      %mul3A_415 = vector.broadcast %scan3A : f32 to vector<16xf32>
      %mul3A_416 = arith.mulf %parallel_loop3A_402#1, %mul3A_415 : vector<16xf32>
      %mul3A_417 = arith.constant 64 : i32
      %mul3A_418 = arith.muli %add3A_406, %mul3A_417 : i32
      %add3A_419 = arith.constant 16 : i32
      %add3A_420 = arith.addi %mul3A_418, %add3A_419 : i32
      %swap3A_421 = arith.index_cast %add3A_420 : i32 to index
      %swap3A_422 = tpu.vector_load %arg10[%swap3A_421] {strides = array<i32>} : memref<32768xf32, #tpu.memory_space<vmem>>, vector<16xf32>,
      tpu.vector_store %arg10[%swap3A_421], %mul3A_416 {strides = array<i32>} : memref<32768xf32, #tpu.memory_space<vmem>>, vector<16xf32>,
      %mul3A_423 = vector.broadcast %scan3A : f32 to vector<16xf32>
      %mul3A_424 = arith.mulf %parallel_loop3A_402#2, %mul3A_423 : vector<16xf32>
      %mul3A_425 = arith.constant 64 : i32
      %mul3A_426 = arith.muli %add3A_406, %mul3A_425 : i32
      %add3A_427 = arith.constant 32 : i32
      %add3A_428 = arith.addi %mul3A_426, %add3A_427 : i32
      %swap3A_429 = arith.index_cast %add3A_428 : i32 to index
      %swap3A_430 = tpu.vector_load %arg10[%swap3A_429] {strides = array<i32>} : memref<32768xf32, #tpu.memory_space<vmem>>, vector<16xf32>,
      tpu.vector_store %arg10[%swap3A_429], %mul3A_424 {strides = array<i32>} : memref<32768xf32, #tpu.memory_space<vmem>>, vector<16xf32>,
      %mul3A_431 = vector.broadcast %scan3A : f32 to vector<16xf32>
      %mul3A_432 = arith.mulf %parallel_loop3A_402#3, %mul3A_431 : vector<16xf32>
      %mul3A_433 = arith.constant 64 : i32
      %mul3A_434 = arith.muli %add3A_406, %mul3A_433 : i32
      %add3A_435 = arith.constant 48 : i32
      %add3A_436 = arith.addi %mul3A_434, %add3A_435 : i32
      %swap3A_437 = arith.index_cast %add3A_436 : i32 to index
      %swap3A_438 = tpu.vector_load %arg10[%swap3A_437] {strides = array<i32>} : memref<32768xf32, #tpu.memory_space<vmem>>, vector<16xf32>,
      tpu.vector_store %arg10[%swap3A_437], %mul3A_432 {strides = array<i32>} : memref<32768xf32, #tpu.memory_space<vmem>>, vector<16xf32>,
      %add3A_439 = arith.constant 4 : i32
      %add3A_440 = arith.addi %add3A_241, %add3A_439 : i32
      %lt3A_441 = arith.constant 128 : i32
      %lt3A_442 = arith.cmpi slt, %add3A_440, %lt3A_441 : i32
      %convert_element_type3A_443 = arith.extui %lt3A_442 : i1 to i32
      %cond3A_444 = arith.constant 0 : i32
      %cond3A_445 = arith.cmpi ne, %convert_element_type3A_443, %cond3A_444 : i32
      scf.if %cond3A_445 {
        %add3A_863 = arith.constant 4 : i32
        %add3A_864 = arith.addi %add3A_241, %add3A_863 : i32
        %mul3A_865 = arith.constant 200 : i32
        %mul3A_866 = arith.muli %add3A_864, %mul3A_865 : i32
        %dma_start3A_867 = tpu.memref_slice %arg5[%mul3A_866] : memref<25600xi32, #tpu.memory_space<vmem>> -> memref<200xi32, #tpu.memory_space<vmem>>
        %dma_start3A_868 = arith.constant 0 : i32
        %dma_start3A_869 = arith.constant 0 : i32
        %dma_start3A_870 = tpu.memref_slice %arg3[%dma_start3A_868, %dma_start3A_869] : memref<1000000x64xf32, #tpu.memory_space<hbm>> -> memref<1000000x64xf32, #tpu.memory_space<hbm>>
        tpu.enqueue_indirect_dma source(%dma_start3A_870 : memref<1000000x64xf32, #tpu.memory_space<hbm>>) target(%arg7 : memref<200x64xf32, #tpu.memory_space<vmem>>) offsets(%dma_start3A_867 : memref<200xi32, #tpu.memory_space<vmem>>) semaphore(%arg12 : memref<!tpu.dma_semaphore, #tpu.memory_space<semaphore_mem>>)
      } else {
      }
      %mul3A_446 = arith.constant 4 : i32
      %mul3A_447 = arith.muli %mul3A_446, %scan3A_35 : i32
      %add3A_448 = arith.constant 2 : i32
      %add3A_449 = arith.addi %mul3A_447, %add3A_448 : i32
      %dma_wait3A_450 = arith.constant 0 : i32
      %dma_wait3A_451 = tpu.memref_slice %arg5[%dma_wait3A_450] : memref<25600xi32, #tpu.memory_space<vmem>> -> memref<200xi32, #tpu.memory_space<vmem>>
      %dma_wait3A_452 = arith.constant 0 : i32
      %dma_wait3A_453 = arith.constant 0 : i32
      %dma_wait3A_454 = tpu.memref_slice %arg3[%dma_wait3A_452, %dma_wait3A_453] : memref<1000000x64xf32, #tpu.memory_space<hbm>> -> memref<1000000x64xf32, #tpu.memory_space<hbm>>
      tpu.wait_indirect_dma semaphore(%arg13 : memref<!tpu.dma_semaphore, #tpu.memory_space<semaphore_mem>>) src(%dma_wait3A_454 : memref<1000000x64xf32, #tpu.memory_space<hbm>>) dst(%arg8 : memref<200x64xf32, #tpu.memory_space<vmem>>)
      %broadcast_in_dim3A_455 = arith.constant 0.000000e+00 : f32
      %broadcast_in_dim3A_456 = vector.broadcast %broadcast_in_dim3A_455 : f32 to vector<16xf32>
      %broadcast_in_dim3A_457 = arith.constant 0.000000e+00 : f32
      %broadcast_in_dim3A_458 = vector.broadcast %broadcast_in_dim3A_457 : f32 to vector<16xf32>
      %broadcast_in_dim3A_459 = arith.constant 0.000000e+00 : f32
      %broadcast_in_dim3A_460 = vector.broadcast %broadcast_in_dim3A_459 : f32 to vector<16xf32>
      %broadcast_in_dim3A_461 = arith.constant 0.000000e+00 : f32
      %broadcast_in_dim3A_462 = vector.broadcast %broadcast_in_dim3A_461 : f32 to vector<16xf32>
      %parallel_loop3A_463 = arith.constant 0 : i32
      %parallel_loop3A_464 = arith.constant 50 : i32
      %parallel_loop3A_465 = arith.constant 1 : i32
      %parallel_loop3A_466:4 = scf.for %parallel_loop3A_863 = %parallel_loop3A_463 to %parallel_loop3A_464 step %parallel_loop3A_465 iter_args(%parallel_loop3A_864 = %broadcast_in_dim3A_456, %parallel_loop3A_865 = %broadcast_in_dim3A_458, %parallel_loop3A_866 = %broadcast_in_dim3A_460, %parallel_loop3A_867 = %broadcast_in_dim3A_462) -> (vector<16xf32>, vector<16xf32>, vector<16xf32>, vector<16xf32>)  : i32 {
        %parallel_loop3A_868 = arith.constant 0 : i32
        %parallel_loop3A_869 = arith.addi %parallel_loop3A_868, %parallel_loop3A_863 : i32
        %parallel_loop3A_870 = arith.index_cast %parallel_loop3A_869 : i32 to index
        %parallel_loop3A_871 = arith.constant 0 : index
        %parallel_loop3A_872 = tpu.vector_load %arg8[%parallel_loop3A_870, %parallel_loop3A_871] {strides = array<i32>} : memref<200x64xf32, #tpu.memory_space<vmem>>, vector<16xf32>,
        %parallel_loop3A_873 = arith.addf %parallel_loop3A_864, %parallel_loop3A_872 : vector<16xf32>
        %parallel_loop3A_874 = arith.index_cast %parallel_loop3A_869 : i32 to index
        %parallel_loop3A_875 = arith.constant 16 : index
        %parallel_loop3A_876 = tpu.vector_load %arg8[%parallel_loop3A_874, %parallel_loop3A_875] {strides = array<i32>} : memref<200x64xf32, #tpu.memory_space<vmem>>, vector<16xf32>,
        %parallel_loop3A_877 = arith.addf %parallel_loop3A_865, %parallel_loop3A_876 : vector<16xf32>
        %parallel_loop3A_878 = arith.index_cast %parallel_loop3A_869 : i32 to index
        %parallel_loop3A_879 = arith.constant 32 : index
        %parallel_loop3A_880 = tpu.vector_load %arg8[%parallel_loop3A_878, %parallel_loop3A_879] {strides = array<i32>} : memref<200x64xf32, #tpu.memory_space<vmem>>, vector<16xf32>,
        %parallel_loop3A_881 = arith.addf %parallel_loop3A_866, %parallel_loop3A_880 : vector<16xf32>
        %parallel_loop3A_882 = arith.index_cast %parallel_loop3A_869 : i32 to index
        %parallel_loop3A_883 = arith.constant 48 : index
        %parallel_loop3A_884 = tpu.vector_load %arg8[%parallel_loop3A_882, %parallel_loop3A_883] {strides = array<i32>} : memref<200x64xf32, #tpu.memory_space<vmem>>, vector<16xf32>,
        %parallel_loop3A_885 = arith.addf %parallel_loop3A_867, %parallel_loop3A_884 : vector<16xf32>
        scf.yield %parallel_loop3A_873, %parallel_loop3A_877, %parallel_loop3A_881, %parallel_loop3A_885 : vector<16xf32>, vector<16xf32>, vector<16xf32>, vector<16xf32>
      } {sc.loop_unroll_factor = 10 : i64, sc.parallel_access}
      %mul3A_467 = arith.constant 4 : i32
      %mul3A_468 = arith.muli %add3A_449, %mul3A_467 : i32
      %add3A_469 = arith.constant 0 : i32
      %add3A_470 = arith.addi %mul3A_468, %add3A_469 : i32
      %mul3A_471 = vector.broadcast %scan3A : f32 to vector<16xf32>
      %mul3A_472 = arith.mulf %parallel_loop3A_466#0, %mul3A_471 : vector<16xf32>
      %mul3A_473 = arith.constant 64 : i32
      %mul3A_474 = arith.muli %add3A_470, %mul3A_473 : i32
      %add3A_475 = arith.constant 0 : i32
      %add3A_476 = arith.addi %mul3A_474, %add3A_475 : i32
      %swap3A_477 = arith.index_cast %add3A_476 : i32 to index
      %swap3A_478 = tpu.vector_load %arg10[%swap3A_477] {strides = array<i32>} : memref<32768xf32, #tpu.memory_space<vmem>>, vector<16xf32>,
      tpu.vector_store %arg10[%swap3A_477], %mul3A_472 {strides = array<i32>} : memref<32768xf32, #tpu.memory_space<vmem>>, vector<16xf32>,
      %mul3A_479 = vector.broadcast %scan3A : f32 to vector<16xf32>
      %mul3A_480 = arith.mulf %parallel_loop3A_466#1, %mul3A_479 : vector<16xf32>
      %mul3A_481 = arith.constant 64 : i32
      %mul3A_482 = arith.muli %add3A_470, %mul3A_481 : i32
      %add3A_483 = arith.constant 16 : i32
      %add3A_484 = arith.addi %mul3A_482, %add3A_483 : i32
      %swap3A_485 = arith.index_cast %add3A_484 : i32 to index
      %swap3A_486 = tpu.vector_load %arg10[%swap3A_485] {strides = array<i32>} : memref<32768xf32, #tpu.memory_space<vmem>>, vector<16xf32>,
      tpu.vector_store %arg10[%swap3A_485], %mul3A_480 {strides = array<i32>} : memref<32768xf32, #tpu.memory_space<vmem>>, vector<16xf32>,
      %mul3A_487 = vector.broadcast %scan3A : f32 to vector<16xf32>
      %mul3A_488 = arith.mulf %parallel_loop3A_466#2, %mul3A_487 : vector<16xf32>
      %mul3A_489 = arith.constant 64 : i32
      %mul3A_490 = arith.muli %add3A_470, %mul3A_489 : i32
      %add3A_491 = arith.constant 32 : i32
      %add3A_492 = arith.addi %mul3A_490, %add3A_491 : i32
      %swap3A_493 = arith.index_cast %add3A_492 : i32 to index
      %swap3A_494 = tpu.vector_load %arg10[%swap3A_493] {strides = array<i32>} : memref<32768xf32, #tpu.memory_space<vmem>>, vector<16xf32>,
      tpu.vector_store %arg10[%swap3A_493], %mul3A_488 {strides = array<i32>} : memref<32768xf32, #tpu.memory_space<vmem>>, vector<16xf32>,
      %mul3A_495 = vector.broadcast %scan3A : f32 to vector<16xf32>
      %mul3A_496 = arith.mulf %parallel_loop3A_466#3, %mul3A_495 : vector<16xf32>
      %mul3A_497 = arith.constant 64 : i32
      %mul3A_498 = arith.muli %add3A_470, %mul3A_497 : i32
      %add3A_499 = arith.constant 48 : i32
      %add3A_500 = arith.addi %mul3A_498, %add3A_499 : i32
      %swap3A_501 = arith.index_cast %add3A_500 : i32 to index
      %swap3A_502 = tpu.vector_load %arg10[%swap3A_501] {strides = array<i32>} : memref<32768xf32, #tpu.memory_space<vmem>>, vector<16xf32>,
      tpu.vector_store %arg10[%swap3A_501], %mul3A_496 {strides = array<i32>} : memref<32768xf32, #tpu.memory_space<vmem>>, vector<16xf32>,
      %broadcast_in_dim3A_503 = arith.constant 0.000000e+00 : f32
      %broadcast_in_dim3A_504 = vector.broadcast %broadcast_in_dim3A_503 : f32 to vector<16xf32>
      %broadcast_in_dim3A_505 = arith.constant 0.000000e+00 : f32
      %broadcast_in_dim3A_506 = vector.broadcast %broadcast_in_dim3A_505 : f32 to vector<16xf32>
      %broadcast_in_dim3A_507 = arith.constant 0.000000e+00 : f32
      %broadcast_in_dim3A_508 = vector.broadcast %broadcast_in_dim3A_507 : f32 to vector<16xf32>
      %broadcast_in_dim3A_509 = arith.constant 0.000000e+00 : f32
      %broadcast_in_dim3A_510 = vector.broadcast %broadcast_in_dim3A_509 : f32 to vector<16xf32>
      %parallel_loop3A_511 = arith.constant 0 : i32
      %parallel_loop3A_512 = arith.constant 50 : i32
      %parallel_loop3A_513 = arith.constant 1 : i32
      %parallel_loop3A_514:4 = scf.for %parallel_loop3A_863 = %parallel_loop3A_511 to %parallel_loop3A_512 step %parallel_loop3A_513 iter_args(%parallel_loop3A_864 = %broadcast_in_dim3A_504, %parallel_loop3A_865 = %broadcast_in_dim3A_506, %parallel_loop3A_866 = %broadcast_in_dim3A_508, %parallel_loop3A_867 = %broadcast_in_dim3A_510) -> (vector<16xf32>, vector<16xf32>, vector<16xf32>, vector<16xf32>)  : i32 {
        %parallel_loop3A_868 = arith.constant 50 : i32
        %parallel_loop3A_869 = arith.addi %parallel_loop3A_868, %parallel_loop3A_863 : i32
        %parallel_loop3A_870 = arith.index_cast %parallel_loop3A_869 : i32 to index
        %parallel_loop3A_871 = arith.constant 0 : index
        %parallel_loop3A_872 = tpu.vector_load %arg8[%parallel_loop3A_870, %parallel_loop3A_871] {strides = array<i32>} : memref<200x64xf32, #tpu.memory_space<vmem>>, vector<16xf32>,
        %parallel_loop3A_873 = arith.addf %parallel_loop3A_864, %parallel_loop3A_872 : vector<16xf32>
        %parallel_loop3A_874 = arith.index_cast %parallel_loop3A_869 : i32 to index
        %parallel_loop3A_875 = arith.constant 16 : index
        %parallel_loop3A_876 = tpu.vector_load %arg8[%parallel_loop3A_874, %parallel_loop3A_875] {strides = array<i32>} : memref<200x64xf32, #tpu.memory_space<vmem>>, vector<16xf32>,
        %parallel_loop3A_877 = arith.addf %parallel_loop3A_865, %parallel_loop3A_876 : vector<16xf32>
        %parallel_loop3A_878 = arith.index_cast %parallel_loop3A_869 : i32 to index
        %parallel_loop3A_879 = arith.constant 32 : index
        %parallel_loop3A_880 = tpu.vector_load %arg8[%parallel_loop3A_878, %parallel_loop3A_879] {strides = array<i32>} : memref<200x64xf32, #tpu.memory_space<vmem>>, vector<16xf32>,
        %parallel_loop3A_881 = arith.addf %parallel_loop3A_866, %parallel_loop3A_880 : vector<16xf32>
        %parallel_loop3A_882 = arith.index_cast %parallel_loop3A_869 : i32 to index
        %parallel_loop3A_883 = arith.constant 48 : index
        %parallel_loop3A_884 = tpu.vector_load %arg8[%parallel_loop3A_882, %parallel_loop3A_883] {strides = array<i32>} : memref<200x64xf32, #tpu.memory_space<vmem>>, vector<16xf32>,
        %parallel_loop3A_885 = arith.addf %parallel_loop3A_867, %parallel_loop3A_884 : vector<16xf32>
        scf.yield %parallel_loop3A_873, %parallel_loop3A_877, %parallel_loop3A_881, %parallel_loop3A_885 : vector<16xf32>, vector<16xf32>, vector<16xf32>, vector<16xf32>
      } {sc.loop_unroll_factor = 10 : i64, sc.parallel_access}
      %mul3A_515 = arith.constant 4 : i32
      %mul3A_516 = arith.muli %add3A_449, %mul3A_515 : i32
      %add3A_517 = arith.constant 1 : i32
      %add3A_518 = arith.addi %mul3A_516, %add3A_517 : i32
      %mul3A_519 = vector.broadcast %scan3A : f32 to vector<16xf32>
      %mul3A_520 = arith.mulf %parallel_loop3A_514#0, %mul3A_519 : vector<16xf32>
      %mul3A_521 = arith.constant 64 : i32
      %mul3A_522 = arith.muli %add3A_518, %mul3A_521 : i32
      %add3A_523 = arith.constant 0 : i32
      %add3A_524 = arith.addi %mul3A_522, %add3A_523 : i32
      %swap3A_525 = arith.index_cast %add3A_524 : i32 to index
      %swap3A_526 = tpu.vector_load %arg10[%swap3A_525] {strides = array<i32>} : memref<32768xf32, #tpu.memory_space<vmem>>, vector<16xf32>,
      tpu.vector_store %arg10[%swap3A_525], %mul3A_520 {strides = array<i32>} : memref<32768xf32, #tpu.memory_space<vmem>>, vector<16xf32>,
      %mul3A_527 = vector.broadcast %scan3A : f32 to vector<16xf32>
      %mul3A_528 = arith.mulf %parallel_loop3A_514#1, %mul3A_527 : vector<16xf32>
      %mul3A_529 = arith.constant 64 : i32
      %mul3A_530 = arith.muli %add3A_518, %mul3A_529 : i32
      %add3A_531 = arith.constant 16 : i32
      %add3A_532 = arith.addi %mul3A_530, %add3A_531 : i32
      %swap3A_533 = arith.index_cast %add3A_532 : i32 to index
      %swap3A_534 = tpu.vector_load %arg10[%swap3A_533] {strides = array<i32>} : memref<32768xf32, #tpu.memory_space<vmem>>, vector<16xf32>,
      tpu.vector_store %arg10[%swap3A_533], %mul3A_528 {strides = array<i32>} : memref<32768xf32, #tpu.memory_space<vmem>>, vector<16xf32>,
      %mul3A_535 = vector.broadcast %scan3A : f32 to vector<16xf32>
      %mul3A_536 = arith.mulf %parallel_loop3A_514#2, %mul3A_535 : vector<16xf32>
      %mul3A_537 = arith.constant 64 : i32
      %mul3A_538 = arith.muli %add3A_518, %mul3A_537 : i32
      %add3A_539 = arith.constant 32 : i32
      %add3A_540 = arith.addi %mul3A_538, %add3A_539 : i32
      %swap3A_541 = arith.index_cast %add3A_540 : i32 to index
      %swap3A_542 = tpu.vector_load %arg10[%swap3A_541] {strides = array<i32>} : memref<32768xf32, #tpu.memory_space<vmem>>, vector<16xf32>,
      tpu.vector_store %arg10[%swap3A_541], %mul3A_536 {strides = array<i32>} : memref<32768xf32, #tpu.memory_space<vmem>>, vector<16xf32>,
      %mul3A_543 = vector.broadcast %scan3A : f32 to vector<16xf32>
      %mul3A_544 = arith.mulf %parallel_loop3A_514#3, %mul3A_543 : vector<16xf32>
      %mul3A_545 = arith.constant 64 : i32
      %mul3A_546 = arith.muli %add3A_518, %mul3A_545 : i32
      %add3A_547 = arith.constant 48 : i32
      %add3A_548 = arith.addi %mul3A_546, %add3A_547 : i32
      %swap3A_549 = arith.index_cast %add3A_548 : i32 to index
      %swap3A_550 = tpu.vector_load %arg10[%swap3A_549] {strides = array<i32>} : memref<32768xf32, #tpu.memory_space<vmem>>, vector<16xf32>,
      tpu.vector_store %arg10[%swap3A_549], %mul3A_544 {strides = array<i32>} : memref<32768xf32, #tpu.memory_space<vmem>>, vector<16xf32>,
      %broadcast_in_dim3A_551 = arith.constant 0.000000e+00 : f32
      %broadcast_in_dim3A_552 = vector.broadcast %broadcast_in_dim3A_551 : f32 to vector<16xf32>
      %broadcast_in_dim3A_553 = arith.constant 0.000000e+00 : f32
      %broadcast_in_dim3A_554 = vector.broadcast %broadcast_in_dim3A_553 : f32 to vector<16xf32>
      %broadcast_in_dim3A_555 = arith.constant 0.000000e+00 : f32
      %broadcast_in_dim3A_556 = vector.broadcast %broadcast_in_dim3A_555 : f32 to vector<16xf32>
      %broadcast_in_dim3A_557 = arith.constant 0.000000e+00 : f32
      %broadcast_in_dim3A_558 = vector.broadcast %broadcast_in_dim3A_557 : f32 to vector<16xf32>
      %parallel_loop3A_559 = arith.constant 0 : i32
      %parallel_loop3A_560 = arith.constant 50 : i32
      %parallel_loop3A_561 = arith.constant 1 : i32
      %parallel_loop3A_562:4 = scf.for %parallel_loop3A_863 = %parallel_loop3A_559 to %parallel_loop3A_560 step %parallel_loop3A_561 iter_args(%parallel_loop3A_864 = %broadcast_in_dim3A_552, %parallel_loop3A_865 = %broadcast_in_dim3A_554, %parallel_loop3A_866 = %broadcast_in_dim3A_556, %parallel_loop3A_867 = %broadcast_in_dim3A_558) -> (vector<16xf32>, vector<16xf32>, vector<16xf32>, vector<16xf32>)  : i32 {
        %parallel_loop3A_868 = arith.constant 100 : i32
        %parallel_loop3A_869 = arith.addi %parallel_loop3A_868, %parallel_loop3A_863 : i32
        %parallel_loop3A_870 = arith.index_cast %parallel_loop3A_869 : i32 to index
        %parallel_loop3A_871 = arith.constant 0 : index
        %parallel_loop3A_872 = tpu.vector_load %arg8[%parallel_loop3A_870, %parallel_loop3A_871] {strides = array<i32>} : memref<200x64xf32, #tpu.memory_space<vmem>>, vector<16xf32>,
        %parallel_loop3A_873 = arith.addf %parallel_loop3A_864, %parallel_loop3A_872 : vector<16xf32>
        %parallel_loop3A_874 = arith.index_cast %parallel_loop3A_869 : i32 to index
        %parallel_loop3A_875 = arith.constant 16 : index
        %parallel_loop3A_876 = tpu.vector_load %arg8[%parallel_loop3A_874, %parallel_loop3A_875] {strides = array<i32>} : memref<200x64xf32, #tpu.memory_space<vmem>>, vector<16xf32>,
        %parallel_loop3A_877 = arith.addf %parallel_loop3A_865, %parallel_loop3A_876 : vector<16xf32>
        %parallel_loop3A_878 = arith.index_cast %parallel_loop3A_869 : i32 to index
        %parallel_loop3A_879 = arith.constant 32 : index
        %parallel_loop3A_880 = tpu.vector_load %arg8[%parallel_loop3A_878, %parallel_loop3A_879] {strides = array<i32>} : memref<200x64xf32, #tpu.memory_space<vmem>>, vector<16xf32>,
        %parallel_loop3A_881 = arith.addf %parallel_loop3A_866, %parallel_loop3A_880 : vector<16xf32>
        %parallel_loop3A_882 = arith.index_cast %parallel_loop3A_869 : i32 to index
        %parallel_loop3A_883 = arith.constant 48 : index
        %parallel_loop3A_884 = tpu.vector_load %arg8[%parallel_loop3A_882, %parallel_loop3A_883] {strides = array<i32>} : memref<200x64xf32, #tpu.memory_space<vmem>>, vector<16xf32>,
        %parallel_loop3A_885 = arith.addf %parallel_loop3A_867, %parallel_loop3A_884 : vector<16xf32>
        scf.yield %parallel_loop3A_873, %parallel_loop3A_877, %parallel_loop3A_881, %parallel_loop3A_885 : vector<16xf32>, vector<16xf32>, vector<16xf32>, vector<16xf32>
      } {sc.loop_unroll_factor = 10 : i64, sc.parallel_access}
      %mul3A_563 = arith.constant 4 : i32
      %mul3A_564 = arith.muli %add3A_449, %mul3A_563 : i32
      %add3A_565 = arith.constant 2 : i32
      %add3A_566 = arith.addi %mul3A_564, %add3A_565 : i32
      %mul3A_567 = vector.broadcast %scan3A : f32 to vector<16xf32>
      %mul3A_568 = arith.mulf %parallel_loop3A_562#0, %mul3A_567 : vector<16xf32>
      %mul3A_569 = arith.constant 64 : i32
      %mul3A_570 = arith.muli %add3A_566, %mul3A_569 : i32
      %add3A_571 = arith.constant 0 : i32
      %add3A_572 = arith.addi %mul3A_570, %add3A_571 : i32
      %swap3A_573 = arith.index_cast %add3A_572 : i32 to index
      %swap3A_574 = tpu.vector_load %arg10[%swap3A_573] {strides = array<i32>} : memref<32768xf32, #tpu.memory_space<vmem>>, vector<16xf32>,
      tpu.vector_store %arg10[%swap3A_573], %mul3A_568 {strides = array<i32>} : memref<32768xf32, #tpu.memory_space<vmem>>, vector<16xf32>,
      %mul3A_575 = vector.broadcast %scan3A : f32 to vector<16xf32>
      %mul3A_576 = arith.mulf %parallel_loop3A_562#1, %mul3A_575 : vector<16xf32>
      %mul3A_577 = arith.constant 64 : i32
      %mul3A_578 = arith.muli %add3A_566, %mul3A_577 : i32
      %add3A_579 = arith.constant 16 : i32
      %add3A_580 = arith.addi %mul3A_578, %add3A_579 : i32
      %swap3A_581 = arith.index_cast %add3A_580 : i32 to index
      %swap3A_582 = tpu.vector_load %arg10[%swap3A_581] {strides = array<i32>} : memref<32768xf32, #tpu.memory_space<vmem>>, vector<16xf32>,
      tpu.vector_store %arg10[%swap3A_581], %mul3A_576 {strides = array<i32>} : memref<32768xf32, #tpu.memory_space<vmem>>, vector<16xf32>,
      %mul3A_583 = vector.broadcast %scan3A : f32 to vector<16xf32>
      %mul3A_584 = arith.mulf %parallel_loop3A_562#2, %mul3A_583 : vector<16xf32>
      %mul3A_585 = arith.constant 64 : i32
      %mul3A_586 = arith.muli %add3A_566, %mul3A_585 : i32
      %add3A_587 = arith.constant 32 : i32
      %add3A_588 = arith.addi %mul3A_586, %add3A_587 : i32
      %swap3A_589 = arith.index_cast %add3A_588 : i32 to index
      %swap3A_590 = tpu.vector_load %arg10[%swap3A_589] {strides = array<i32>} : memref<32768xf32, #tpu.memory_space<vmem>>, vector<16xf32>,
      tpu.vector_store %arg10[%swap3A_589], %mul3A_584 {strides = array<i32>} : memref<32768xf32, #tpu.memory_space<vmem>>, vector<16xf32>,
      %mul3A_591 = vector.broadcast %scan3A : f32 to vector<16xf32>
      %mul3A_592 = arith.mulf %parallel_loop3A_562#3, %mul3A_591 : vector<16xf32>
      %mul3A_593 = arith.constant 64 : i32
      %mul3A_594 = arith.muli %add3A_566, %mul3A_593 : i32
      %add3A_595 = arith.constant 48 : i32
      %add3A_596 = arith.addi %mul3A_594, %add3A_595 : i32
      %swap3A_597 = arith.index_cast %add3A_596 : i32 to index
      %swap3A_598 = tpu.vector_load %arg10[%swap3A_597] {strides = array<i32>} : memref<32768xf32, #tpu.memory_space<vmem>>, vector<16xf32>,
      tpu.vector_store %arg10[%swap3A_597], %mul3A_592 {strides = array<i32>} : memref<32768xf32, #tpu.memory_space<vmem>>, vector<16xf32>,
      %broadcast_in_dim3A_599 = arith.constant 0.000000e+00 : f32
      %broadcast_in_dim3A_600 = vector.broadcast %broadcast_in_dim3A_599 : f32 to vector<16xf32>
      %broadcast_in_dim3A_601 = arith.constant 0.000000e+00 : f32
      %broadcast_in_dim3A_602 = vector.broadcast %broadcast_in_dim3A_601 : f32 to vector<16xf32>
      %broadcast_in_dim3A_603 = arith.constant 0.000000e+00 : f32
      %broadcast_in_dim3A_604 = vector.broadcast %broadcast_in_dim3A_603 : f32 to vector<16xf32>
      %broadcast_in_dim3A_605 = arith.constant 0.000000e+00 : f32
      %broadcast_in_dim3A_606 = vector.broadcast %broadcast_in_dim3A_605 : f32 to vector<16xf32>
      %parallel_loop3A_607 = arith.constant 0 : i32
      %parallel_loop3A_608 = arith.constant 50 : i32
      %parallel_loop3A_609 = arith.constant 1 : i32
      %parallel_loop3A_610:4 = scf.for %parallel_loop3A_863 = %parallel_loop3A_607 to %parallel_loop3A_608 step %parallel_loop3A_609 iter_args(%parallel_loop3A_864 = %broadcast_in_dim3A_600, %parallel_loop3A_865 = %broadcast_in_dim3A_602, %parallel_loop3A_866 = %broadcast_in_dim3A_604, %parallel_loop3A_867 = %broadcast_in_dim3A_606) -> (vector<16xf32>, vector<16xf32>, vector<16xf32>, vector<16xf32>)  : i32 {
        %parallel_loop3A_868 = arith.constant 150 : i32
        %parallel_loop3A_869 = arith.addi %parallel_loop3A_868, %parallel_loop3A_863 : i32
        %parallel_loop3A_870 = arith.index_cast %parallel_loop3A_869 : i32 to index
        %parallel_loop3A_871 = arith.constant 0 : index
        %parallel_loop3A_872 = tpu.vector_load %arg8[%parallel_loop3A_870, %parallel_loop3A_871] {strides = array<i32>} : memref<200x64xf32, #tpu.memory_space<vmem>>, vector<16xf32>,
        %parallel_loop3A_873 = arith.addf %parallel_loop3A_864, %parallel_loop3A_872 : vector<16xf32>
        %parallel_loop3A_874 = arith.index_cast %parallel_loop3A_869 : i32 to index
        %parallel_loop3A_875 = arith.constant 16 : index
        %parallel_loop3A_876 = tpu.vector_load %arg8[%parallel_loop3A_874, %parallel_loop3A_875] {strides = array<i32>} : memref<200x64xf32, #tpu.memory_space<vmem>>, vector<16xf32>,
        %parallel_loop3A_877 = arith.addf %parallel_loop3A_865, %parallel_loop3A_876 : vector<16xf32>
        %parallel_loop3A_878 = arith.index_cast %parallel_loop3A_869 : i32 to index
        %parallel_loop3A_879 = arith.constant 32 : index
        %parallel_loop3A_880 = tpu.vector_load %arg8[%parallel_loop3A_878, %parallel_loop3A_879] {strides = array<i32>} : memref<200x64xf32, #tpu.memory_space<vmem>>, vector<16xf32>,
        %parallel_loop3A_881 = arith.addf %parallel_loop3A_866, %parallel_loop3A_880 : vector<16xf32>
        %parallel_loop3A_882 = arith.index_cast %parallel_loop3A_869 : i32 to index
        %parallel_loop3A_883 = arith.constant 48 : index
        %parallel_loop3A_884 = tpu.vector_load %arg8[%parallel_loop3A_882, %parallel_loop3A_883] {strides = array<i32>} : memref<200x64xf32, #tpu.memory_space<vmem>>, vector<16xf32>,
        %parallel_loop3A_885 = arith.addf %parallel_loop3A_867, %parallel_loop3A_884 : vector<16xf32>
        scf.yield %parallel_loop3A_873, %parallel_loop3A_877, %parallel_loop3A_881, %parallel_loop3A_885 : vector<16xf32>, vector<16xf32>, vector<16xf32>, vector<16xf32>
      } {sc.loop_unroll_factor = 10 : i64, sc.parallel_access}
      %mul3A_611 = arith.constant 4 : i32
      %mul3A_612 = arith.muli %add3A_449, %mul3A_611 : i32
      %add3A_613 = arith.constant 3 : i32
      %add3A_614 = arith.addi %mul3A_612, %add3A_613 : i32
      %mul3A_615 = vector.broadcast %scan3A : f32 to vector<16xf32>
      %mul3A_616 = arith.mulf %parallel_loop3A_610#0, %mul3A_615 : vector<16xf32>
      %mul3A_617 = arith.constant 64 : i32
      %mul3A_618 = arith.muli %add3A_614, %mul3A_617 : i32
      %add3A_619 = arith.constant 0 : i32
      %add3A_620 = arith.addi %mul3A_618, %add3A_619 : i32
      %swap3A_621 = arith.index_cast %add3A_620 : i32 to index
      %swap3A_622 = tpu.vector_load %arg10[%swap3A_621] {strides = array<i32>} : memref<32768xf32, #tpu.memory_space<vmem>>, vector<16xf32>,
      tpu.vector_store %arg10[%swap3A_621], %mul3A_616 {strides = array<i32>} : memref<32768xf32, #tpu.memory_space<vmem>>, vector<16xf32>,
      %mul3A_623 = vector.broadcast %scan3A : f32 to vector<16xf32>
      %mul3A_624 = arith.mulf %parallel_loop3A_610#1, %mul3A_623 : vector<16xf32>
      %mul3A_625 = arith.constant 64 : i32
      %mul3A_626 = arith.muli %add3A_614, %mul3A_625 : i32
      %add3A_627 = arith.constant 16 : i32
      %add3A_628 = arith.addi %mul3A_626, %add3A_627 : i32
      %swap3A_629 = arith.index_cast %add3A_628 : i32 to index
      %swap3A_630 = tpu.vector_load %arg10[%swap3A_629] {strides = array<i32>} : memref<32768xf32, #tpu.memory_space<vmem>>, vector<16xf32>,
      tpu.vector_store %arg10[%swap3A_629], %mul3A_624 {strides = array<i32>} : memref<32768xf32, #tpu.memory_space<vmem>>, vector<16xf32>,
      %mul3A_631 = vector.broadcast %scan3A : f32 to vector<16xf32>
      %mul3A_632 = arith.mulf %parallel_loop3A_610#2, %mul3A_631 : vector<16xf32>
      %mul3A_633 = arith.constant 64 : i32
      %mul3A_634 = arith.muli %add3A_614, %mul3A_633 : i32
      %add3A_635 = arith.constant 32 : i32
      %add3A_636 = arith.addi %mul3A_634, %add3A_635 : i32
      %swap3A_637 = arith.index_cast %add3A_636 : i32 to index
      %swap3A_638 = tpu.vector_load %arg10[%swap3A_637] {strides = array<i32>} : memref<32768xf32, #tpu.memory_space<vmem>>, vector<16xf32>,
      tpu.vector_store %arg10[%swap3A_637], %mul3A_632 {strides = array<i32>} : memref<32768xf32, #tpu.memory_space<vmem>>, vector<16xf32>,
      %mul3A_639 = vector.broadcast %scan3A : f32 to vector<16xf32>
      %mul3A_640 = arith.mulf %parallel_loop3A_610#3, %mul3A_639 : vector<16xf32>
      %mul3A_641 = arith.constant 64 : i32
      %mul3A_642 = arith.muli %add3A_614, %mul3A_641 : i32
      %add3A_643 = arith.constant 48 : i32
      %add3A_644 = arith.addi %mul3A_642, %add3A_643 : i32
      %swap3A_645 = arith.index_cast %add3A_644 : i32 to index
      %swap3A_646 = tpu.vector_load %arg10[%swap3A_645] {strides = array<i32>} : memref<32768xf32, #tpu.memory_space<vmem>>, vector<16xf32>,
      tpu.vector_store %arg10[%swap3A_645], %mul3A_640 {strides = array<i32>} : memref<32768xf32, #tpu.memory_space<vmem>>, vector<16xf32>,
      %add3A_647 = arith.constant 4 : i32
      %add3A_648 = arith.addi %add3A_449, %add3A_647 : i32
      %lt3A_649 = arith.constant 128 : i32
      %lt3A_650 = arith.cmpi slt, %add3A_648, %lt3A_649 : i32
      %convert_element_type3A_651 = arith.extui %lt3A_650 : i1 to i32
      %cond3A_652 = arith.constant 0 : i32
      %cond3A_653 = arith.cmpi ne, %convert_element_type3A_651, %cond3A_652 : i32
      scf.if %cond3A_653 {
        %add3A_863 = arith.constant 4 : i32
        %add3A_864 = arith.addi %add3A_449, %add3A_863 : i32
        %mul3A_865 = arith.constant 200 : i32
        %mul3A_866 = arith.muli %add3A_864, %mul3A_865 : i32
        %dma_start3A_867 = tpu.memref_slice %arg5[%mul3A_866] : memref<25600xi32, #tpu.memory_space<vmem>> -> memref<200xi32, #tpu.memory_space<vmem>>
        %dma_start3A_868 = arith.constant 0 : i32
        %dma_start3A_869 = arith.constant 0 : i32
        %dma_start3A_870 = tpu.memref_slice %arg3[%dma_start3A_868, %dma_start3A_869] : memref<1000000x64xf32, #tpu.memory_space<hbm>> -> memref<1000000x64xf32, #tpu.memory_space<hbm>>
        tpu.enqueue_indirect_dma source(%dma_start3A_870 : memref<1000000x64xf32, #tpu.memory_space<hbm>>) target(%arg8 : memref<200x64xf32, #tpu.memory_space<vmem>>) offsets(%dma_start3A_867 : memref<200xi32, #tpu.memory_space<vmem>>) semaphore(%arg13 : memref<!tpu.dma_semaphore, #tpu.memory_space<semaphore_mem>>)
      } else {
      }
      %mul3A_654 = arith.constant 4 : i32
      %mul3A_655 = arith.muli %mul3A_654, %scan3A_35 : i32
      %add3A_656 = arith.constant 3 : i32
      %add3A_657 = arith.addi %mul3A_655, %add3A_656 : i32
      %dma_wait3A_658 = arith.constant 0 : i32
      %dma_wait3A_659 = tpu.memref_slice %arg5[%dma_wait3A_658] : memref<25600xi32, #tpu.memory_space<vmem>> -> memref<200xi32, #tpu.memory_space<vmem>>
      %dma_wait3A_660 = arith.constant 0 : i32
      %dma_wait3A_661 = arith.constant 0 : i32
      %dma_wait3A_662 = tpu.memref_slice %arg3[%dma_wait3A_660, %dma_wait3A_661] : memref<1000000x64xf32, #tpu.memory_space<hbm>> -> memref<1000000x64xf32, #tpu.memory_space<hbm>>
      tpu.wait_indirect_dma semaphore(%arg14 : memref<!tpu.dma_semaphore, #tpu.memory_space<semaphore_mem>>) src(%dma_wait3A_662 : memref<1000000x64xf32, #tpu.memory_space<hbm>>) dst(%arg9 : memref<200x64xf32, #tpu.memory_space<vmem>>)
      %broadcast_in_dim3A_663 = arith.constant 0.000000e+00 : f32
      %broadcast_in_dim3A_664 = vector.broadcast %broadcast_in_dim3A_663 : f32 to vector<16xf32>
      %broadcast_in_dim3A_665 = arith.constant 0.000000e+00 : f32
      %broadcast_in_dim3A_666 = vector.broadcast %broadcast_in_dim3A_665 : f32 to vector<16xf32>
      %broadcast_in_dim3A_667 = arith.constant 0.000000e+00 : f32
      %broadcast_in_dim3A_668 = vector.broadcast %broadcast_in_dim3A_667 : f32 to vector<16xf32>
      %broadcast_in_dim3A_669 = arith.constant 0.000000e+00 : f32
      %broadcast_in_dim3A_670 = vector.broadcast %broadcast_in_dim3A_669 : f32 to vector<16xf32>
      %parallel_loop3A_671 = arith.constant 0 : i32
      %parallel_loop3A_672 = arith.constant 50 : i32
      %parallel_loop3A_673 = arith.constant 1 : i32
      %parallel_loop3A_674:4 = scf.for %parallel_loop3A_863 = %parallel_loop3A_671 to %parallel_loop3A_672 step %parallel_loop3A_673 iter_args(%parallel_loop3A_864 = %broadcast_in_dim3A_664, %parallel_loop3A_865 = %broadcast_in_dim3A_666, %parallel_loop3A_866 = %broadcast_in_dim3A_668, %parallel_loop3A_867 = %broadcast_in_dim3A_670) -> (vector<16xf32>, vector<16xf32>, vector<16xf32>, vector<16xf32>)  : i32 {
        %parallel_loop3A_868 = arith.constant 0 : i32
        %parallel_loop3A_869 = arith.addi %parallel_loop3A_868, %parallel_loop3A_863 : i32
        %parallel_loop3A_870 = arith.index_cast %parallel_loop3A_869 : i32 to index
        %parallel_loop3A_871 = arith.constant 0 : index
        %parallel_loop3A_872 = tpu.vector_load %arg9[%parallel_loop3A_870, %parallel_loop3A_871] {strides = array<i32>} : memref<200x64xf32, #tpu.memory_space<vmem>>, vector<16xf32>,
        %parallel_loop3A_873 = arith.addf %parallel_loop3A_864, %parallel_loop3A_872 : vector<16xf32>
        %parallel_loop3A_874 = arith.index_cast %parallel_loop3A_869 : i32 to index
        %parallel_loop3A_875 = arith.constant 16 : index
        %parallel_loop3A_876 = tpu.vector_load %arg9[%parallel_loop3A_874, %parallel_loop3A_875] {strides = array<i32>} : memref<200x64xf32, #tpu.memory_space<vmem>>, vector<16xf32>,
        %parallel_loop3A_877 = arith.addf %parallel_loop3A_865, %parallel_loop3A_876 : vector<16xf32>
        %parallel_loop3A_878 = arith.index_cast %parallel_loop3A_869 : i32 to index
        %parallel_loop3A_879 = arith.constant 32 : index
        %parallel_loop3A_880 = tpu.vector_load %arg9[%parallel_loop3A_878, %parallel_loop3A_879] {strides = array<i32>} : memref<200x64xf32, #tpu.memory_space<vmem>>, vector<16xf32>,
        %parallel_loop3A_881 = arith.addf %parallel_loop3A_866, %parallel_loop3A_880 : vector<16xf32>
        %parallel_loop3A_882 = arith.index_cast %parallel_loop3A_869 : i32 to index
        %parallel_loop3A_883 = arith.constant 48 : index
        %parallel_loop3A_884 = tpu.vector_load %arg9[%parallel_loop3A_882, %parallel_loop3A_883] {strides = array<i32>} : memref<200x64xf32, #tpu.memory_space<vmem>>, vector<16xf32>,
        %parallel_loop3A_885 = arith.addf %parallel_loop3A_867, %parallel_loop3A_884 : vector<16xf32>
        scf.yield %parallel_loop3A_873, %parallel_loop3A_877, %parallel_loop3A_881, %parallel_loop3A_885 : vector<16xf32>, vector<16xf32>, vector<16xf32>, vector<16xf32>
      } {sc.loop_unroll_factor = 10 : i64, sc.parallel_access}
      %mul3A_675 = arith.constant 4 : i32
      %mul3A_676 = arith.muli %add3A_657, %mul3A_675 : i32
      %add3A_677 = arith.constant 0 : i32
      %add3A_678 = arith.addi %mul3A_676, %add3A_677 : i32
      %mul3A_679 = vector.broadcast %scan3A : f32 to vector<16xf32>
      %mul3A_680 = arith.mulf %parallel_loop3A_674#0, %mul3A_679 : vector<16xf32>
      %mul3A_681 = arith.constant 64 : i32
      %mul3A_682 = arith.muli %add3A_678, %mul3A_681 : i32
      %add3A_683 = arith.constant 0 : i32
      %add3A_684 = arith.addi %mul3A_682, %add3A_683 : i32
      %swap3A_685 = arith.index_cast %add3A_684 : i32 to index
      %swap3A_686 = tpu.vector_load %arg10[%swap3A_685] {strides = array<i32>} : memref<32768xf32, #tpu.memory_space<vmem>>, vector<16xf32>,
      tpu.vector_store %arg10[%swap3A_685], %mul3A_680 {strides = array<i32>} : memref<32768xf32, #tpu.memory_space<vmem>>, vector<16xf32>,
      %mul3A_687 = vector.broadcast %scan3A : f32 to vector<16xf32>
      %mul3A_688 = arith.mulf %parallel_loop3A_674#1, %mul3A_687 : vector<16xf32>
      %mul3A_689 = arith.constant 64 : i32
      %mul3A_690 = arith.muli %add3A_678, %mul3A_689 : i32
      %add3A_691 = arith.constant 16 : i32
      %add3A_692 = arith.addi %mul3A_690, %add3A_691 : i32
      %swap3A_693 = arith.index_cast %add3A_692 : i32 to index
      %swap3A_694 = tpu.vector_load %arg10[%swap3A_693] {strides = array<i32>} : memref<32768xf32, #tpu.memory_space<vmem>>, vector<16xf32>,
      tpu.vector_store %arg10[%swap3A_693], %mul3A_688 {strides = array<i32>} : memref<32768xf32, #tpu.memory_space<vmem>>, vector<16xf32>,
      %mul3A_695 = vector.broadcast %scan3A : f32 to vector<16xf32>
      %mul3A_696 = arith.mulf %parallel_loop3A_674#2, %mul3A_695 : vector<16xf32>
      %mul3A_697 = arith.constant 64 : i32
      %mul3A_698 = arith.muli %add3A_678, %mul3A_697 : i32
      %add3A_699 = arith.constant 32 : i32
      %add3A_700 = arith.addi %mul3A_698, %add3A_699 : i32
      %swap3A_701 = arith.index_cast %add3A_700 : i32 to index
      %swap3A_702 = tpu.vector_load %arg10[%swap3A_701] {strides = array<i32>} : memref<32768xf32, #tpu.memory_space<vmem>>, vector<16xf32>,
      tpu.vector_store %arg10[%swap3A_701], %mul3A_696 {strides = array<i32>} : memref<32768xf32, #tpu.memory_space<vmem>>, vector<16xf32>,
      %mul3A_703 = vector.broadcast %scan3A : f32 to vector<16xf32>
      %mul3A_704 = arith.mulf %parallel_loop3A_674#3, %mul3A_703 : vector<16xf32>
      %mul3A_705 = arith.constant 64 : i32
      %mul3A_706 = arith.muli %add3A_678, %mul3A_705 : i32
      %add3A_707 = arith.constant 48 : i32
      %add3A_708 = arith.addi %mul3A_706, %add3A_707 : i32
      %swap3A_709 = arith.index_cast %add3A_708 : i32 to index
      %swap3A_710 = tpu.vector_load %arg10[%swap3A_709] {strides = array<i32>} : memref<32768xf32, #tpu.memory_space<vmem>>, vector<16xf32>,
      tpu.vector_store %arg10[%swap3A_709], %mul3A_704 {strides = array<i32>} : memref<32768xf32, #tpu.memory_space<vmem>>, vector<16xf32>,
      %broadcast_in_dim3A_711 = arith.constant 0.000000e+00 : f32
      %broadcast_in_dim3A_712 = vector.broadcast %broadcast_in_dim3A_711 : f32 to vector<16xf32>
      %broadcast_in_dim3A_713 = arith.constant 0.000000e+00 : f32
      %broadcast_in_dim3A_714 = vector.broadcast %broadcast_in_dim3A_713 : f32 to vector<16xf32>
      %broadcast_in_dim3A_715 = arith.constant 0.000000e+00 : f32
      %broadcast_in_dim3A_716 = vector.broadcast %broadcast_in_dim3A_715 : f32 to vector<16xf32>
      %broadcast_in_dim3A_717 = arith.constant 0.000000e+00 : f32
      %broadcast_in_dim3A_718 = vector.broadcast %broadcast_in_dim3A_717 : f32 to vector<16xf32>
      %parallel_loop3A_719 = arith.constant 0 : i32
      %parallel_loop3A_720 = arith.constant 50 : i32
      %parallel_loop3A_721 = arith.constant 1 : i32
      %parallel_loop3A_722:4 = scf.for %parallel_loop3A_863 = %parallel_loop3A_719 to %parallel_loop3A_720 step %parallel_loop3A_721 iter_args(%parallel_loop3A_864 = %broadcast_in_dim3A_712, %parallel_loop3A_865 = %broadcast_in_dim3A_714, %parallel_loop3A_866 = %broadcast_in_dim3A_716, %parallel_loop3A_867 = %broadcast_in_dim3A_718) -> (vector<16xf32>, vector<16xf32>, vector<16xf32>, vector<16xf32>)  : i32 {
        %parallel_loop3A_868 = arith.constant 50 : i32
        %parallel_loop3A_869 = arith.addi %parallel_loop3A_868, %parallel_loop3A_863 : i32
        %parallel_loop3A_870 = arith.index_cast %parallel_loop3A_869 : i32 to index
        %parallel_loop3A_871 = arith.constant 0 : index
        %parallel_loop3A_872 = tpu.vector_load %arg9[%parallel_loop3A_870, %parallel_loop3A_871] {strides = array<i32>} : memref<200x64xf32, #tpu.memory_space<vmem>>, vector<16xf32>,
        %parallel_loop3A_873 = arith.addf %parallel_loop3A_864, %parallel_loop3A_872 : vector<16xf32>
        %parallel_loop3A_874 = arith.index_cast %parallel_loop3A_869 : i32 to index
        %parallel_loop3A_875 = arith.constant 16 : index
        %parallel_loop3A_876 = tpu.vector_load %arg9[%parallel_loop3A_874, %parallel_loop3A_875] {strides = array<i32>} : memref<200x64xf32, #tpu.memory_space<vmem>>, vector<16xf32>,
        %parallel_loop3A_877 = arith.addf %parallel_loop3A_865, %parallel_loop3A_876 : vector<16xf32>
        %parallel_loop3A_878 = arith.index_cast %parallel_loop3A_869 : i32 to index
        %parallel_loop3A_879 = arith.constant 32 : index
        %parallel_loop3A_880 = tpu.vector_load %arg9[%parallel_loop3A_878, %parallel_loop3A_879] {strides = array<i32>} : memref<200x64xf32, #tpu.memory_space<vmem>>, vector<16xf32>,
        %parallel_loop3A_881 = arith.addf %parallel_loop3A_866, %parallel_loop3A_880 : vector<16xf32>
        %parallel_loop3A_882 = arith.index_cast %parallel_loop3A_869 : i32 to index
        %parallel_loop3A_883 = arith.constant 48 : index
        %parallel_loop3A_884 = tpu.vector_load %arg9[%parallel_loop3A_882, %parallel_loop3A_883] {strides = array<i32>} : memref<200x64xf32, #tpu.memory_space<vmem>>, vector<16xf32>,
        %parallel_loop3A_885 = arith.addf %parallel_loop3A_867, %parallel_loop3A_884 : vector<16xf32>
        scf.yield %parallel_loop3A_873, %parallel_loop3A_877, %parallel_loop3A_881, %parallel_loop3A_885 : vector<16xf32>, vector<16xf32>, vector<16xf32>, vector<16xf32>
      } {sc.loop_unroll_factor = 10 : i64, sc.parallel_access}
      %mul3A_723 = arith.constant 4 : i32
      %mul3A_724 = arith.muli %add3A_657, %mul3A_723 : i32
      %add3A_725 = arith.constant 1 : i32
      %add3A_726 = arith.addi %mul3A_724, %add3A_725 : i32
      %mul3A_727 = vector.broadcast %scan3A : f32 to vector<16xf32>
      %mul3A_728 = arith.mulf %parallel_loop3A_722#0, %mul3A_727 : vector<16xf32>
      %mul3A_729 = arith.constant 64 : i32
      %mul3A_730 = arith.muli %add3A_726, %mul3A_729 : i32
      %add3A_731 = arith.constant 0 : i32
      %add3A_732 = arith.addi %mul3A_730, %add3A_731 : i32
      %swap3A_733 = arith.index_cast %add3A_732 : i32 to index
      %swap3A_734 = tpu.vector_load %arg10[%swap3A_733] {strides = array<i32>} : memref<32768xf32, #tpu.memory_space<vmem>>, vector<16xf32>,
      tpu.vector_store %arg10[%swap3A_733], %mul3A_728 {strides = array<i32>} : memref<32768xf32, #tpu.memory_space<vmem>>, vector<16xf32>,
      %mul3A_735 = vector.broadcast %scan3A : f32 to vector<16xf32>
      %mul3A_736 = arith.mulf %parallel_loop3A_722#1, %mul3A_735 : vector<16xf32>
      %mul3A_737 = arith.constant 64 : i32
      %mul3A_738 = arith.muli %add3A_726, %mul3A_737 : i32
      %add3A_739 = arith.constant 16 : i32
      %add3A_740 = arith.addi %mul3A_738, %add3A_739 : i32
      %swap3A_741 = arith.index_cast %add3A_740 : i32 to index
      %swap3A_742 = tpu.vector_load %arg10[%swap3A_741] {strides = array<i32>} : memref<32768xf32, #tpu.memory_space<vmem>>, vector<16xf32>,
      tpu.vector_store %arg10[%swap3A_741], %mul3A_736 {strides = array<i32>} : memref<32768xf32, #tpu.memory_space<vmem>>, vector<16xf32>,
      %mul3A_743 = vector.broadcast %scan3A : f32 to vector<16xf32>
      %mul3A_744 = arith.mulf %parallel_loop3A_722#2, %mul3A_743 : vector<16xf32>
      %mul3A_745 = arith.constant 64 : i32
      %mul3A_746 = arith.muli %add3A_726, %mul3A_745 : i32
      %add3A_747 = arith.constant 32 : i32
      %add3A_748 = arith.addi %mul3A_746, %add3A_747 : i32
      %swap3A_749 = arith.index_cast %add3A_748 : i32 to index
      %swap3A_750 = tpu.vector_load %arg10[%swap3A_749] {strides = array<i32>} : memref<32768xf32, #tpu.memory_space<vmem>>, vector<16xf32>,
      tpu.vector_store %arg10[%swap3A_749], %mul3A_744 {strides = array<i32>} : memref<32768xf32, #tpu.memory_space<vmem>>, vector<16xf32>,
      %mul3A_751 = vector.broadcast %scan3A : f32 to vector<16xf32>
      %mul3A_752 = arith.mulf %parallel_loop3A_722#3, %mul3A_751 : vector<16xf32>
      %mul3A_753 = arith.constant 64 : i32
      %mul3A_754 = arith.muli %add3A_726, %mul3A_753 : i32
      %add3A_755 = arith.constant 48 : i32
      %add3A_756 = arith.addi %mul3A_754, %add3A_755 : i32
      %swap3A_757 = arith.index_cast %add3A_756 : i32 to index
      %swap3A_758 = tpu.vector_load %arg10[%swap3A_757] {strides = array<i32>} : memref<32768xf32, #tpu.memory_space<vmem>>, vector<16xf32>,
      tpu.vector_store %arg10[%swap3A_757], %mul3A_752 {strides = array<i32>} : memref<32768xf32, #tpu.memory_space<vmem>>, vector<16xf32>,
      %broadcast_in_dim3A_759 = arith.constant 0.000000e+00 : f32
      %broadcast_in_dim3A_760 = vector.broadcast %broadcast_in_dim3A_759 : f32 to vector<16xf32>
      %broadcast_in_dim3A_761 = arith.constant 0.000000e+00 : f32
      %broadcast_in_dim3A_762 = vector.broadcast %broadcast_in_dim3A_761 : f32 to vector<16xf32>
      %broadcast_in_dim3A_763 = arith.constant 0.000000e+00 : f32
      %broadcast_in_dim3A_764 = vector.broadcast %broadcast_in_dim3A_763 : f32 to vector<16xf32>
      %broadcast_in_dim3A_765 = arith.constant 0.000000e+00 : f32
      %broadcast_in_dim3A_766 = vector.broadcast %broadcast_in_dim3A_765 : f32 to vector<16xf32>
      %parallel_loop3A_767 = arith.constant 0 : i32
      %parallel_loop3A_768 = arith.constant 50 : i32
      %parallel_loop3A_769 = arith.constant 1 : i32
      %parallel_loop3A_770:4 = scf.for %parallel_loop3A_863 = %parallel_loop3A_767 to %parallel_loop3A_768 step %parallel_loop3A_769 iter_args(%parallel_loop3A_864 = %broadcast_in_dim3A_760, %parallel_loop3A_865 = %broadcast_in_dim3A_762, %parallel_loop3A_866 = %broadcast_in_dim3A_764, %parallel_loop3A_867 = %broadcast_in_dim3A_766) -> (vector<16xf32>, vector<16xf32>, vector<16xf32>, vector<16xf32>)  : i32 {
        %parallel_loop3A_868 = arith.constant 100 : i32
        %parallel_loop3A_869 = arith.addi %parallel_loop3A_868, %parallel_loop3A_863 : i32
        %parallel_loop3A_870 = arith.index_cast %parallel_loop3A_869 : i32 to index
        %parallel_loop3A_871 = arith.constant 0 : index
        %parallel_loop3A_872 = tpu.vector_load %arg9[%parallel_loop3A_870, %parallel_loop3A_871] {strides = array<i32>} : memref<200x64xf32, #tpu.memory_space<vmem>>, vector<16xf32>,
        %parallel_loop3A_873 = arith.addf %parallel_loop3A_864, %parallel_loop3A_872 : vector<16xf32>
        %parallel_loop3A_874 = arith.index_cast %parallel_loop3A_869 : i32 to index
        %parallel_loop3A_875 = arith.constant 16 : index
        %parallel_loop3A_876 = tpu.vector_load %arg9[%parallel_loop3A_874, %parallel_loop3A_875] {strides = array<i32>} : memref<200x64xf32, #tpu.memory_space<vmem>>, vector<16xf32>,
        %parallel_loop3A_877 = arith.addf %parallel_loop3A_865, %parallel_loop3A_876 : vector<16xf32>
        %parallel_loop3A_878 = arith.index_cast %parallel_loop3A_869 : i32 to index
        %parallel_loop3A_879 = arith.constant 32 : index
        %parallel_loop3A_880 = tpu.vector_load %arg9[%parallel_loop3A_878, %parallel_loop3A_879] {strides = array<i32>} : memref<200x64xf32, #tpu.memory_space<vmem>>, vector<16xf32>,
        %parallel_loop3A_881 = arith.addf %parallel_loop3A_866, %parallel_loop3A_880 : vector<16xf32>
        %parallel_loop3A_882 = arith.index_cast %parallel_loop3A_869 : i32 to index
        %parallel_loop3A_883 = arith.constant 48 : index
        %parallel_loop3A_884 = tpu.vector_load %arg9[%parallel_loop3A_882, %parallel_loop3A_883] {strides = array<i32>} : memref<200x64xf32, #tpu.memory_space<vmem>>, vector<16xf32>,
        %parallel_loop3A_885 = arith.addf %parallel_loop3A_867, %parallel_loop3A_884 : vector<16xf32>
        scf.yield %parallel_loop3A_873, %parallel_loop3A_877, %parallel_loop3A_881, %parallel_loop3A_885 : vector<16xf32>, vector<16xf32>, vector<16xf32>, vector<16xf32>
      } {sc.loop_unroll_factor = 10 : i64, sc.parallel_access}
      %mul3A_771 = arith.constant 4 : i32
      %mul3A_772 = arith.muli %add3A_657, %mul3A_771 : i32
      %add3A_773 = arith.constant 2 : i32
      %add3A_774 = arith.addi %mul3A_772, %add3A_773 : i32
      %mul3A_775 = vector.broadcast %scan3A : f32 to vector<16xf32>
      %mul3A_776 = arith.mulf %parallel_loop3A_770#0, %mul3A_775 : vector<16xf32>
      %mul3A_777 = arith.constant 64 : i32
      %mul3A_778 = arith.muli %add3A_774, %mul3A_777 : i32
      %add3A_779 = arith.constant 0 : i32
      %add3A_780 = arith.addi %mul3A_778, %add3A_779 : i32
      %swap3A_781 = arith.index_cast %add3A_780 : i32 to index
      %swap3A_782 = tpu.vector_load %arg10[%swap3A_781] {strides = array<i32>} : memref<32768xf32, #tpu.memory_space<vmem>>, vector<16xf32>,
      tpu.vector_store %arg10[%swap3A_781], %mul3A_776 {strides = array<i32>} : memref<32768xf32, #tpu.memory_space<vmem>>, vector<16xf32>,
      %mul3A_783 = vector.broadcast %scan3A : f32 to vector<16xf32>
      %mul3A_784 = arith.mulf %parallel_loop3A_770#1, %mul3A_783 : vector<16xf32>
      %mul3A_785 = arith.constant 64 : i32
      %mul3A_786 = arith.muli %add3A_774, %mul3A_785 : i32
      %add3A_787 = arith.constant 16 : i32
      %add3A_788 = arith.addi %mul3A_786, %add3A_787 : i32
      %swap3A_789 = arith.index_cast %add3A_788 : i32 to index
      %swap3A_790 = tpu.vector_load %arg10[%swap3A_789] {strides = array<i32>} : memref<32768xf32, #tpu.memory_space<vmem>>, vector<16xf32>,
      tpu.vector_store %arg10[%swap3A_789], %mul3A_784 {strides = array<i32>} : memref<32768xf32, #tpu.memory_space<vmem>>, vector<16xf32>,
      %mul3A_791 = vector.broadcast %scan3A : f32 to vector<16xf32>
      %mul3A_792 = arith.mulf %parallel_loop3A_770#2, %mul3A_791 : vector<16xf32>
      %mul3A_793 = arith.constant 64 : i32
      %mul3A_794 = arith.muli %add3A_774, %mul3A_793 : i32
      %add3A_795 = arith.constant 32 : i32
      %add3A_796 = arith.addi %mul3A_794, %add3A_795 : i32
      %swap3A_797 = arith.index_cast %add3A_796 : i32 to index
      %swap3A_798 = tpu.vector_load %arg10[%swap3A_797] {strides = array<i32>} : memref<32768xf32, #tpu.memory_space<vmem>>, vector<16xf32>,
      tpu.vector_store %arg10[%swap3A_797], %mul3A_792 {strides = array<i32>} : memref<32768xf32, #tpu.memory_space<vmem>>, vector<16xf32>,
      %mul3A_799 = vector.broadcast %scan3A : f32 to vector<16xf32>
      %mul3A_800 = arith.mulf %parallel_loop3A_770#3, %mul3A_799 : vector<16xf32>
      %mul3A_801 = arith.constant 64 : i32
      %mul3A_802 = arith.muli %add3A_774, %mul3A_801 : i32
      %add3A_803 = arith.constant 48 : i32
      %add3A_804 = arith.addi %mul3A_802, %add3A_803 : i32
      %swap3A_805 = arith.index_cast %add3A_804 : i32 to index
      %swap3A_806 = tpu.vector_load %arg10[%swap3A_805] {strides = array<i32>} : memref<32768xf32, #tpu.memory_space<vmem>>, vector<16xf32>,
      tpu.vector_store %arg10[%swap3A_805], %mul3A_800 {strides = array<i32>} : memref<32768xf32, #tpu.memory_space<vmem>>, vector<16xf32>,
      %broadcast_in_dim3A_807 = arith.constant 0.000000e+00 : f32
      %broadcast_in_dim3A_808 = vector.broadcast %broadcast_in_dim3A_807 : f32 to vector<16xf32>
      %broadcast_in_dim3A_809 = arith.constant 0.000000e+00 : f32
      %broadcast_in_dim3A_810 = vector.broadcast %broadcast_in_dim3A_809 : f32 to vector<16xf32>
      %broadcast_in_dim3A_811 = arith.constant 0.000000e+00 : f32
      %broadcast_in_dim3A_812 = vector.broadcast %broadcast_in_dim3A_811 : f32 to vector<16xf32>
      %broadcast_in_dim3A_813 = arith.constant 0.000000e+00 : f32
      %broadcast_in_dim3A_814 = vector.broadcast %broadcast_in_dim3A_813 : f32 to vector<16xf32>
      %parallel_loop3A_815 = arith.constant 0 : i32
      %parallel_loop3A_816 = arith.constant 50 : i32
      %parallel_loop3A_817 = arith.constant 1 : i32
      %parallel_loop3A_818:4 = scf.for %parallel_loop3A_863 = %parallel_loop3A_815 to %parallel_loop3A_816 step %parallel_loop3A_817 iter_args(%parallel_loop3A_864 = %broadcast_in_dim3A_808, %parallel_loop3A_865 = %broadcast_in_dim3A_810, %parallel_loop3A_866 = %broadcast_in_dim3A_812, %parallel_loop3A_867 = %broadcast_in_dim3A_814) -> (vector<16xf32>, vector<16xf32>, vector<16xf32>, vector<16xf32>)  : i32 {
        %parallel_loop3A_868 = arith.constant 150 : i32
        %parallel_loop3A_869 = arith.addi %parallel_loop3A_868, %parallel_loop3A_863 : i32
        %parallel_loop3A_870 = arith.index_cast %parallel_loop3A_869 : i32 to index
        %parallel_loop3A_871 = arith.constant 0 : index
        %parallel_loop3A_872 = tpu.vector_load %arg9[%parallel_loop3A_870, %parallel_loop3A_871] {strides = array<i32>} : memref<200x64xf32, #tpu.memory_space<vmem>>, vector<16xf32>,
        %parallel_loop3A_873 = arith.addf %parallel_loop3A_864, %parallel_loop3A_872 : vector<16xf32>
        %parallel_loop3A_874 = arith.index_cast %parallel_loop3A_869 : i32 to index
        %parallel_loop3A_875 = arith.constant 16 : index
        %parallel_loop3A_876 = tpu.vector_load %arg9[%parallel_loop3A_874, %parallel_loop3A_875] {strides = array<i32>} : memref<200x64xf32, #tpu.memory_space<vmem>>, vector<16xf32>,
        %parallel_loop3A_877 = arith.addf %parallel_loop3A_865, %parallel_loop3A_876 : vector<16xf32>
        %parallel_loop3A_878 = arith.index_cast %parallel_loop3A_869 : i32 to index
        %parallel_loop3A_879 = arith.constant 32 : index
        %parallel_loop3A_880 = tpu.vector_load %arg9[%parallel_loop3A_878, %parallel_loop3A_879] {strides = array<i32>} : memref<200x64xf32, #tpu.memory_space<vmem>>, vector<16xf32>,
        %parallel_loop3A_881 = arith.addf %parallel_loop3A_866, %parallel_loop3A_880 : vector<16xf32>
        %parallel_loop3A_882 = arith.index_cast %parallel_loop3A_869 : i32 to index
        %parallel_loop3A_883 = arith.constant 48 : index
        %parallel_loop3A_884 = tpu.vector_load %arg9[%parallel_loop3A_882, %parallel_loop3A_883] {strides = array<i32>} : memref<200x64xf32, #tpu.memory_space<vmem>>, vector<16xf32>,
        %parallel_loop3A_885 = arith.addf %parallel_loop3A_867, %parallel_loop3A_884 : vector<16xf32>
        scf.yield %parallel_loop3A_873, %parallel_loop3A_877, %parallel_loop3A_881, %parallel_loop3A_885 : vector<16xf32>, vector<16xf32>, vector<16xf32>, vector<16xf32>
      } {sc.loop_unroll_factor = 10 : i64, sc.parallel_access}
      %mul3A_819 = arith.constant 4 : i32
      %mul3A_820 = arith.muli %add3A_657, %mul3A_819 : i32
      %add3A_821 = arith.constant 3 : i32
      %add3A_822 = arith.addi %mul3A_820, %add3A_821 : i32
      %mul3A_823 = vector.broadcast %scan3A : f32 to vector<16xf32>
      %mul3A_824 = arith.mulf %parallel_loop3A_818#0, %mul3A_823 : vector<16xf32>
      %mul3A_825 = arith.constant 64 : i32
      %mul3A_826 = arith.muli %add3A_822, %mul3A_825 : i32
      %add3A_827 = arith.constant 0 : i32
      %add3A_828 = arith.addi %mul3A_826, %add3A_827 : i32
      %swap3A_829 = arith.index_cast %add3A_828 : i32 to index
      %swap3A_830 = tpu.vector_load %arg10[%swap3A_829] {strides = array<i32>} : memref<32768xf32, #tpu.memory_space<vmem>>, vector<16xf32>,
      tpu.vector_store %arg10[%swap3A_829], %mul3A_824 {strides = array<i32>} : memref<32768xf32, #tpu.memory_space<vmem>>, vector<16xf32>,
      %mul3A_831 = vector.broadcast %scan3A : f32 to vector<16xf32>
      %mul3A_832 = arith.mulf %parallel_loop3A_818#1, %mul3A_831 : vector<16xf32>
      %mul3A_833 = arith.constant 64 : i32
      %mul3A_834 = arith.muli %add3A_822, %mul3A_833 : i32
      %add3A_835 = arith.constant 16 : i32
      %add3A_836 = arith.addi %mul3A_834, %add3A_835 : i32
      %swap3A_837 = arith.index_cast %add3A_836 : i32 to index
      %swap3A_838 = tpu.vector_load %arg10[%swap3A_837] {strides = array<i32>} : memref<32768xf32, #tpu.memory_space<vmem>>, vector<16xf32>,
      tpu.vector_store %arg10[%swap3A_837], %mul3A_832 {strides = array<i32>} : memref<32768xf32, #tpu.memory_space<vmem>>, vector<16xf32>,
      %mul3A_839 = vector.broadcast %scan3A : f32 to vector<16xf32>
      %mul3A_840 = arith.mulf %parallel_loop3A_818#2, %mul3A_839 : vector<16xf32>
      %mul3A_841 = arith.constant 64 : i32
      %mul3A_842 = arith.muli %add3A_822, %mul3A_841 : i32
      %add3A_843 = arith.constant 32 : i32
      %add3A_844 = arith.addi %mul3A_842, %add3A_843 : i32
      %swap3A_845 = arith.index_cast %add3A_844 : i32 to index
      %swap3A_846 = tpu.vector_load %arg10[%swap3A_845] {strides = array<i32>} : memref<32768xf32, #tpu.memory_space<vmem>>, vector<16xf32>,
      tpu.vector_store %arg10[%swap3A_845], %mul3A_840 {strides = array<i32>} : memref<32768xf32, #tpu.memory_space<vmem>>, vector<16xf32>,
      %mul3A_847 = vector.broadcast %scan3A : f32 to vector<16xf32>
      %mul3A_848 = arith.mulf %parallel_loop3A_818#3, %mul3A_847 : vector<16xf32>
      %mul3A_849 = arith.constant 64 : i32
      %mul3A_850 = arith.muli %add3A_822, %mul3A_849 : i32
      %add3A_851 = arith.constant 48 : i32
      %add3A_852 = arith.addi %mul3A_850, %add3A_851 : i32
      %swap3A_853 = arith.index_cast %add3A_852 : i32 to index
      %swap3A_854 = tpu.vector_load %arg10[%swap3A_853] {strides = array<i32>} : memref<32768xf32, #tpu.memory_space<vmem>>, vector<16xf32>,
      tpu.vector_store %arg10[%swap3A_853], %mul3A_848 {strides = array<i32>} : memref<32768xf32, #tpu.memory_space<vmem>>, vector<16xf32>,
      %add3A_855 = arith.constant 4 : i32
      %add3A_856 = arith.addi %add3A_657, %add3A_855 : i32
      %lt3A_857 = arith.constant 128 : i32
      %lt3A_858 = arith.cmpi slt, %add3A_856, %lt3A_857 : i32
      %convert_element_type3A_859 = arith.extui %lt3A_858 : i1 to i32
      %cond3A_860 = arith.constant 0 : i32
      %cond3A_861 = arith.cmpi ne, %convert_element_type3A_859, %cond3A_860 : i32
      scf.if %cond3A_861 {
        %add3A_863 = arith.constant 4 : i32
        %add3A_864 = arith.addi %add3A_657, %add3A_863 : i32
        %mul3A_865 = arith.constant 200 : i32
        %mul3A_866 = arith.muli %add3A_864, %mul3A_865 : i32
        %dma_start3A_867 = tpu.memref_slice %arg5[%mul3A_866] : memref<25600xi32, #tpu.memory_space<vmem>> -> memref<200xi32, #tpu.memory_space<vmem>>
        %dma_start3A_868 = arith.constant 0 : i32
        %dma_start3A_869 = arith.constant 0 : i32
        %dma_start3A_870 = tpu.memref_slice %arg3[%dma_start3A_868, %dma_start3A_869] : memref<1000000x64xf32, #tpu.memory_space<hbm>> -> memref<1000000x64xf32, #tpu.memory_space<hbm>>
        tpu.enqueue_indirect_dma source(%dma_start3A_870 : memref<1000000x64xf32, #tpu.memory_space<hbm>>) target(%arg9 : memref<200x64xf32, #tpu.memory_space<vmem>>) offsets(%dma_start3A_867 : memref<200xi32, #tpu.memory_space<vmem>>) semaphore(%arg14 : memref<!tpu.dma_semaphore, #tpu.memory_space<semaphore_mem>>)
      } else {
      }
      %scan3A_862 = arith.constant 0 : i32
      scf.yield %scan3A_862 : i32
    }
    %scan3A_30 = arith.constant 32 : i32
    %mul3A_31 = arith.constant 512 : i32
    %mul3A_32 = arith.muli %add3A, %mul3A_31 : i32
    %mul3A_33 = arith.constant 64 : i32
    %mul3A_34 = arith.muli %mul3A_32, %mul3A_33 : i32
    "tpu.region"() ({
      %run_scoped3A = tpu.sem_alloc : memref<!tpu.dma_semaphore, #tpu.memory_space<semaphore_mem>>
      %dma_start3A_35 = tpu.memref_slice %arg4[%mul3A_34] : memref<1048576xf32, #tpu.memory_space<hbm>> -> memref<32768xf32, #tpu.memory_space<hbm>>
      %dma_start3A_36 = tpu.memref_slice %arg4[%mul3A_34] : memref<1048576xf32, #tpu.memory_space<hbm>> -> memref<32768xf32, #tpu.memory_space<hbm>>
      tpu.enqueue_dma source(%arg10 : memref<32768xf32, #tpu.memory_space<vmem>>) target(%dma_start3A_36 : memref<32768xf32, #tpu.memory_space<hbm>>) target_semaphore(%run_scoped3A : memref<!tpu.dma_semaphore, #tpu.memory_space<semaphore_mem>>)
      %dma_wait3A = tpu.memref_slice %arg4[%mul3A_34] : memref<1048576xf32, #tpu.memory_space<hbm>> -> memref<32768xf32, #tpu.memory_space<hbm>>
      %dma_wait3A_37 = tpu.memref_slice %arg4[%mul3A_34] : memref<1048576xf32, #tpu.memory_space<hbm>> -> memref<32768xf32, #tpu.memory_space<hbm>>
      tpu.wait_dma2 semaphore(%run_scoped3A : memref<!tpu.dma_semaphore, #tpu.memory_space<semaphore_mem>>) src(%arg10 : memref<32768xf32, #tpu.memory_space<vmem>>) dst(%dma_wait3A_37 : memref<32768xf32, #tpu.memory_space<hbm>>)
      tpu.yield
    }) : () -> ()
    return
  }
}

</mosaic_0001>

<sc_bundles>
// kernel: kernel.3.cloned.1.call-start
scs
__scs_entry_jumppad:
0x0: {  	(pc) =	sbr.rel $0x88, $3  }
0x1: {  	(tag) =	ssettag $0x0;
	lr =	simm.s32 $0x1  }
0x2: {  	[smem:$0x3F9F] =	sst lr;
	_ =	strace $0xD0000000  }
0x3: {  	_ = 	snop  }
0x4: {  	_ = 	snop  }
0x5: {  	_ = 	snop  }
0x6: {  	_ = 	snop  }
0x7: {  	_ = 	snop  }
__scs_overlays_trampoline_lowered:
0x8: {  	[smem:$0x3FAE] =	sst s0  }
0x9: {  	[smem:$0x3FAF] =	sst s1  }
0xa: {  	[smem:$0x3FB0] =	sst s2  }
0xb: {  	[smem:$0x3FB1] =	sst s3  }
0xc: {  	[smem:$0x3FB2] =	sst s4  }
0xd: {  	[smem:$0x3FB3] =	sst s5  }
0xe: {  	[smem:$0x3FB4] =	sst s6  }
0xf: {  	[smem:$0x3FB5] =	sst s7  }
0x10: {  	[smem:$0x3FB6] =	sst s8  }
0x11: {  	[smem:$0x3FB7] =	sst s9;
	s0 =	simm.s32 @!p0 $0x0  }
0x12: {  	s1 =	sld [smem:$0x3F9D];
	s0 =	simm.s32 @p0 $0x1  }
0x13: {  	[smem:$0x3FB8] =	sst s0;
	s0 =	simm.s32 @!p1 $0x0  }
0x14: {  	s2 =	sld [smem:$0x3F9C];
	s0 =	simm.s32 @p1 $0x1  }
0x15: {  	[smem:$0x3FB9] =	sst s0;
	s0 =	simm.s32 @!p2 $0x0  }
0x16: {  	s3 =	sld [smem:$0x3FDB];
	s0 =	simm.s32 @p2 $0x1  }
0x17: {  	s4 =	simm.s32 $0x1BF5;
	[smem:$0x3FBB] =	sst s0  }
0x18: {  	s0 =	sld [smem:$0x3F9E];
	_ =	swait.ge [sflag:s4], $0x0  }
0x19: {  	s7 =	sld [smem:$0x3F9F]  }
0x1a: {  	s8 =	sadd.s32 $0xFFFFE003, lr  }
0x1b: {  	s9 =	sadd.s32 $0xFFFFFEF7, lr;
	s5 =	simm.s32 $0xFFFFFFFF;
	p2 =	slt.u32 s8, $0xFFFFF086  }
0x1c: {  	p1 =	slt.u32 s9, $0xF7A;
	s5 =	simm.s32 @!p2 $0x0  }
0x1d: {  	s5 =	simm.s32 @p1 $0x1;
	p0 =	seq.s32 s7, s2  }
0x1e: {  	s7 =	smul.u32 @!p0 $0xF7A, s2;
	p2 =	seq.s32 @!p0 s5, $0x0  }
0x1f: {  	s9 =	smul.u32 $0xF7A, s1;
	s8 =	simm.s32 @!p0 $0x1BF5;
	p2 =	por !p2, p0  }
0x20: {  	[sflag:s8] =	ssyncset.s32 @!p0 $0xFFFFF086;
	s6 =	sadd.s32 @!p0 s3, s7;
	s7 =	simm.s32 @!p0 $0x108  }
0x21: {  	s3 =	sadd.s32 s3, s9;
	s6 =	sadd.s32 @!p0 $0x88, s6;
	s7 =	simm.s32 @p2 $0x1082  }
0x22: {  	[simem:s7], [sflag:s8] =	dma.local @!p0 [hbm:s6], $0xF7A  }
0x23: {  	s9 =	sor.u32 $0xD0000000, s2;
	s6 =	simm.s32 $0x108;
	_ =	swait.ge @!p0 [sflag:s8], $0x0  }
0x24: {  	s3 =	sadd.s32 $0x88, s3;
	s6 =	simm.s32 @!p1 $0x1082;
	[sflag:s4] =	ssyncset.s32 $0xFFFFF086  }
0x25: {  	[simem:s6], [sflag:s4] =	dma.local [hbm:s3], $0xF7A  }
0x26: {  	[smem:$0x3F9F] =	sst s1;
	(tag) =	ssettag s2;
	_ =	strace s9  }
0x27: {  	s1 =	sld [smem:$0x3FAF]  }
0x28: {  	s2 =	sld [smem:$0x3FB0]  }
0x29: {  	s4 =	sld [smem:$0x3FB2]  }
0x2a: {  	p0 =	seq.s32 s5, $0x0;
	s5 =	sld [smem:$0x3FB3]  }
0x2b: {  	s6 =	sld [smem:$0x3FB4]  }
0x2c: {  	s7 =	sld [smem:$0x3FB5]  }
0x2d: {  	s3 =	simm.s32 $0x108;
	s8 =	sld [smem:$0x3FB6]  }
0x2e: {  	s3 =	simm.s32 @!p0 $0x1082;
	s9 =	sld [smem:$0x3FB7]  }
0x2f: {  	lr =	sadd.s32 s0, s3;
	s0 =	sld [smem:$0x3FAE]  }
0x30: {  	s3 =	sld [smem:$0x3FB1]  }
0x31: {  	[smem:$0x3FBA] =	sst s10  }
0x32: {  	s10 =	sld [smem:$0x3FB8];
	_ =	sdelay $0x3  }
0x33: {  	p0 =	seq.s32 s10, $0x1;
	s10 =	sld [smem:$0x3FBA];
	_ =	sdelay $0x3  }
0x34: {  	[smem:$0x3FBA] =	sst s10  }
0x35: {  	s10 =	sld [smem:$0x3FB9];
	_ =	sdelay $0x3  }
0x36: {  	p1 =	seq.s32 s10, $0x1;
	s10 =	sld [smem:$0x3FBA];
	_ =	sdelay $0x3  }
0x37: {  	[smem:$0x3FBA] =	sst s10  }
0x38: {  	s10 =	sld [smem:$0x3FBB]  }
0x39: {  	_ = 	snop;
	(pc) =	sbr.ind lr, $3  }
0x3a: {  	_ = 	snop  }
0x3b: {  	_ = 	snop  }
0x3c: {  	p2 =	seq.s32 s10, $0x1;
	s10 =	sld [smem:$0x3FBA]  }
0x3d: {  	_ =	shalt  }
0x3e: {  	_ =	shalt  }
0x3f: {  	_ =	shalt  }
0x40: {  	_ =	shalt  }
0x41: {  	_ =	shalt  }
0x42: {  	_ =	shalt  }
0x43: {  	_ =	shalt  }
0x44: {  	_ =	shalt  }
0x45: {  	_ =	shalt  }
0x46: {  	_ =	shalt  }
0x47: {  	_ =	shalt  }
0x48: {  	_ =	shalt  }
0x49: {  	_ =	shalt  }
0x4a: {  	_ =	shalt  }
0x4b: {  	_ =	shalt  }
0x4c: {  	_ =	shalt  }
0x4d: {  	_ =	shalt  }
0x4e: {  	_ =	shalt  }
0x4f: {  	_ =	shalt  }
0x50: {  	_ =	shalt  }
0x51: {  	_ =	shalt  }
0x52: {  	_ =	shalt  }
0x53: {  	_ =	shalt  }
0x54: {  	_ =	shalt  }
0x55: {  	_ =	shalt  }
0x56: {  	_ =	shalt  }
0x57: {  	_ =	shalt  }
0x58: {  	_ =	shalt  }
0x59: {  	_ =	shalt  }
0x5a: {  	_ =	shalt  }
0x5b: {  	_ =	shalt  }
0x5c: {  	_ =	shalt  }
0x5d: {  	_ =	shalt  }
0x5e: {  	_ =	shalt  }
0x5f: {  	_ =	shalt  }
0x60: {  	_ =	shalt  }
0x61: {  	_ =	shalt  }
0x62: {  	_ =	shalt  }
0x63: {  	_ =	shalt  }
0x64: {  	_ =	shalt  }
0x65: {  	_ =	shalt  }
0x66: {  	_ =	shalt  }
0x67: {  	_ =	shalt  }
0x68: {  	_ =	shalt  }
0x69: {  	_ =	shalt  }
0x6a: {  	_ =	shalt  }
0x6b: {  	_ =	shalt  }
0x6c: {  	_ =	shalt  }
0x6d: {  	_ =	shalt  }
0x6e: {  	_ =	shalt  }
0x6f: {  	_ =	shalt  }
0x70: {  	_ =	shalt  }
0x71: {  	_ =	shalt  }
0x72: {  	_ =	shalt  }
0x73: {  	_ =	shalt  }
0x74: {  	_ =	shalt  }
0x75: {  	_ =	shalt  }
0x76: {  	_ =	shalt  }
0x77: {  	_ =	shalt  }
0x78: {  	_ =	shalt  }
0x79: {  	_ =	shalt  }
0x7a: {  	_ =	shalt  }
0x7b: {  	_ =	shalt  }
0x7c: {  	_ =	shalt  }
0x7d: {  	_ =	shalt  }
0x7e: {  	_ =	shalt  }
0x7f: {  	_ =	shalt  }
0x80: {  	_ =	shalt  }
0x81: {  	_ =	shalt  }
0x82: {  	_ =	shalt  }
0x83: {  	_ =	shalt  }
0x84: {  	_ =	shalt  }
0x85: {  	_ =	shalt  }
0x86: {  	_ =	shalt  }
0x87: {  	_ =	shalt  }
.Lfunc_end0:
.L_simem_size_0:
called_computation_lowered:
.L_overlay_start_0:
0x88: {  	s2 =	sld [smem:$0x3FD9]  }
0x89: {  	s3 =	sld [smem:$0x3FFE];
	_ =	sdelay $0x1  }
0x8a: {  	s1 =	srdreg.scid  }
0x8b: {  	s0 =	sand.u32 $0x1, s1  }
0x8c: {  	s17 =	sshll.u32 s0, $0xA;
	s2 =	sadd.s32 s3, s2  }
0x8d: {  	s2 =	sadd.s32 s2, s17  }
0x8e: {  	[smem:$0x3FC6] =	sst s2  }
0x8f: {  	_ = 	snop  }
0x90: {  	s2 =	sld [smem:$0x3FD0];
	(tm) =	ssettm $0x1  }
0x91: {  	s18 =	sld [smem:$0x3FFB];
	_ =	sdelay $0x3  }
0x92: {  	_ =	strace s18  }
0x93: {  	s3 =	sld [smem:$0x3FFC];
	_ =	sdelay $0x3  }
0x94: {  	_ =	strace s3  }
0x95: {  	s3 =	sld [smem:$0x3FFD];
	_ =	sdelay $0x3  }
0x96: {  	_ =	strace s3  }
0x97: {  	_ =	strace $0x8FFFFFFF  }
0x98: {  	s19 =	sld [smem:$0x3FDB];
	_ =	sdelay $0x1  }
0x99: {  	s4 =	simm.s32 $_scs_section_size  }
0x9a: {  	s5 =	simm.s32 $_size__tile_overlayer_lowered;
	s6 =	simm.s32 $_tile_overlayer_lowered  }
0x9b: {  	s22 =	simm.s32 $0x1BFF;
	s21 =	sshll.u32 s6, $0x1;
	s3 =	sadd.s32 s4, s19  }
0x9c: {  	s7 =	simm.s32 $0x0;
	s20 =	sshll.u32 s5, $0x1;
	s5 =	sadd.s32 s21, s3  }
0x9d: {  	[timem:s7], [sflag:s22] =	dma.local [hbm:s5], s20  }
0x9e: {  	_ =	swait.ge [sflag:s22], s20  }
0x9f: {  	s4 =	ssub.s32 $0x0, s20;
	[sflag:s22] =	ssyncset.done $0x0  }
0xa0: {  	[sflag:s22] =	ssyncadd.s32 s4;
	_ =	sdelay $0x1  }
0xa1: {  	s23 =	simm.s32 $0x1B8B  }
0xa2: {  	_ =	swait.ge [sflag:s23], $0x1  }
0xa3: {  	[sflag:s23] =	ssyncset.done $0x0  }
0xa4: {  	s25 =	simm.s32 $0x1B8E;
	s24 =	sld [smem:$0x3FFE];
	[sflag:s23] =	ssyncadd.s32 $0xFFFFFFFF  }
0xa5: {  	s26 =	simm.s32 $execute0_lowered;
	[smem:$0x3FD2] =	sst s25  }
0xa6: {  	s5 =	sshll.u32 s26, $0x1;
	_ =	strace $0x80000046;
	[dreg:$0x1] =	wrdreg $0xFFFFFFFF  }
0xa7: {  	s28 =	simm.s32 $_size_execute0_lowered;
	s3 =	sadd.s32 s3, s5;
	[dreg:$0x0] =	wrdreg $0x0  }
0xa8: {  	s5 =	sshll.u32 s28, $0x1;
	[dreg:$0x2] =	wrdreg s3  }
0xa9: {  	[dreg:$0x3] =	wrdreg s5  }
0xaa: {  	[dreg:$0x4] =	wrdreg $0xC0  }
0xab: {  	_ =	task [dreg:s7], $0x5FFFF  }
0xac: {  	[dreg:$0x1] =	wrdreg $0xFFFFFFFF  }
0xad: {  	[dreg:$0x0] =	wrdreg $0x60  }
0xae: {  	[dreg:$0x2] =	wrdreg s24  }
0xaf: {  	[dreg:$0x3] =	wrdreg s2  }
0xb0: {  	[dreg:$0x4] =	wrdreg $0x9  }
0xb1: {  	_ =	task.clear_ibuf [dreg:s7], $0x5FFFF;
	_ =	strace $0x90000046  }
0xb2: {  	s29 =	simm.s32 $0x9;
	_ =	strace $0x80000048  }
0xb3: {  	_ =	swait.ge [sflag:s29], $0x1  }
0xb4: {  	[sflag:s29] =	ssyncadd.s32 $0xFFFFFFFF  }
0xb5: {  	_ =	strace $0x90000048  }
0xb6: {  	_ =	sfence  }
0xb7: {  	s30 =	sld [smem:$0x0];
	_ =	sdelay $0x2  }
0xb8: {  	s31 =	sshll.u32 s1, $0xD;
	s1 =	sshrl.u32 s1, $0x2  }
0xb9: {  	s3 =	sand.u32 $0x4000, s31;
	s1 =	sadd.s32 s1, s30  }
0xba: {  	s0 =	sor.u32 s3, s0;
	s1 =	sshll.u32 s1, $0x11  }
0xbb: {  	s0 =	sor.u32 s1, s0  }
0xbc: {  	s0 =	sadd.s32 $0x8F2B, s0  }
0xbd: {  	[sflag:s0] =	ssyncadd.remote.s32 $0x1  }
0xbe: {  	_ =	sfence.sel $0xFFFF  }
0xbf: {  	[dreg:$0x0] =	wrdreg $0xFFFFFFFF;
	(pc) =	sbr.abs _section_cstart, $3  }
0xc0: {  	[dreg:$0x1] =	wrdreg $0xFFFFFFFF  }
0xc1: {  	_ =	task.clear_ibuf [dreg:s7], $0x2FFFF;
	_ =	strace $0x9FFFFFFF  }
0xc2: {  	(tm) =	ssettm $0x7FFFFFFF  }
0xc3: {  	_ =	shalt  }
tec
execute0_lowered:
.L_overlay_start_1:
0x0: {  	(tag) =	ssettag $0x1  }
0x1: {  	s1 =	srdreg.scid  }
0x2: {  	s0 =	stileid.u32;
	s3 =	rddreg [dreg:$0x0]  }
0x3: {  	s5 =	rddreg [dreg:$0x1];
	s2 =	simm.s32 $0x0;
	s9 =	simm.s32 $0x6400  }
0x4: {  	s10 =	simm.s32 $0x9600;
	s11 =	simm.s32 $0x190;
	s12 =	simm.s32 $0xC800  }
0x5: {  	s13 =	simm.s32 $0x258;
	s14 =	simm.s32 $0xFA00;
	s15 =	simm.s32 $0x1  }
0x6: {  	s16 =	simm.s32 $0x2;
	s17 =	simm.s32 $0x3;
	s18 =	simm.s32 $0x4  }
0x7: {  	s19 =	simm.s32 $0x12C00;
	s4 =	sand.u32 $0x1, s1;
	s1 =	rddreg [dreg:$0x2]  }
0x8: {  	s20 =	simm.s32 $0x0;
	s31 =	sshll.u32 s0, $0x1;
	[smem:$0x7FF] =	sst s2  }
.Ltmp0:
0x9: {  	s6 =	sor.u32 s4, s31;
	s4 =	ssub.s32 $0x2, s4;
	(pc) =	sbr.rel .LBB2_1-.Ltmp0, $4  }
0xa: {  	s7 =	smul.u32 $0xC80, s6;
	s8 =	sshrl.u32 s4, $0x1;
	s6 =	sshll.u32 s6, $0xC  }
0xb: {  	_ =	strace $0x80000047;
	s8 =	ssub.s32 s4, s8;
	s5 =	sadd.s32 s5, s6  }
0xc: {  	s7 =	sadd.s32 s7, s3;
	s3 =	sadd.s32 $0xF42A00, s3;
	s6 =	smax.u32 s8, $0x1  }
0xd: {  	s8 =	simm.s32 $0xC8;
	s4 =	sadd.s32 $0x600, s7;
	s7 =	simm.s32 $0x5  }
.LBB2_36:
0xe: {  	s20 =	sadd.s32 $0x1, s20  }
0xf: {  	p0 =	sne.s32 s20, s6  }
.Ltmp1:
0x10: {  	_ = 	snop;
	(pc) =	sbr.rel @!p0 .LBB2_37-.Ltmp1, $4  }
0x11: {  	[hbm4b:s5+s2] =	stream.linear.scatter [tilespmem:s19], [sflag:$0x5], $0x8000, $0x38;
	[tilespmem:$0x1AC00] =	vst v63  }
0x12: {  	_ =	swait.ge [sflag:s7], $0x8000  }
0x13: {  	[sflag:s7] =	ssyncset.done $0x0  }
0x14: {  	[sflag:s7] =	ssyncadd.s32 $0xFFFF8000  }
.LBB2_1:
0x15: {  	[tilespmem:s2], [sflag:$0x5] =	stream.linear.gather [hbm4b:s4+s2], $0x6400, $0x38;
	[tilespmem:$0x1AC00] =	vst v63  }
0x16: {  	_ =	swait.ge [sflag:s7], $0x6400  }
0x17: {  	[sflag:s7] =	ssyncset.done $0x0  }
0x18: {  	[sflag:s7] =	ssyncadd.s32 $0xFFFF9C00  }
0x19: {  	[tilespmem:s9], [sflag:$0x1] =	stream.indirect.gather [hbm4b:s3+s8], $0x40, s2, s8, $0xb8;
	[tilespmem:$0x1AC00] =	vst v63  }
0x1a: {  	_ = 	snop  }
0x1b: {  	[tilespmem:s10], [sflag:$0x2] =	stream.indirect.gather [hbm4b:s3+s8], $0x40, s8, s8, $0xb8;
	[tilespmem:$0x1AC00] =	vst v63  }
0x1c: {  	_ = 	snop  }
0x1d: {  	[tilespmem:s12], [sflag:$0x3] =	stream.indirect.gather [hbm4b:s3+s8], $0x40, s11, s8, $0xb8;
	[tilespmem:$0x1AC00] =	vst v63  }
0x1e: {  	s21 =	simm.s32 $0x0  }
0x1f: {  	[tilespmem:s14], [sflag:$0x4] =	stream.indirect.gather [hbm4b:s3+s8], $0x40, s13, s8, $0xb8;
	[tilespmem:$0x1AC00] =	vst v63  }
.LBB2_2:
0x20: {  	_ =	swait.ge [sflag:s15], $0x3200  }
0x21: {  	[sflag:s15] =	ssyncset.done $0x0  }
0x22: {  	s23 =	simm.s32 $0x6540;
	[sflag:s15] =	ssyncadd.s32 $0xFFFFCE00  }
0x23: {  	v0 =	vld [tilespmem:s23+$0x100]  }
0x24: {  	v1 =	vld [tilespmem:s23+$0x110]  }
0x25: {  	v2 =	vld [tilespmem:s23+$0xC0]  }
0x26: {  	v3 =	vld [tilespmem:s23+$0xD0]  }
0x27: {  	v9 =	vld [tilespmem:s23+$0x80]  }
0x28: {  	v12 =	vld [tilespmem:s23+$0x90]  }
0x29: {  	v7 =	vld [tilespmem:s23+$0x40]  }
0x2a: {  	v8 =	vld [tilespmem:s23+$0x50]  }
0x2b: {  	v5 =	vld [tilespmem:s23+$0x0]  }
0x2c: {  	v6 =	vld [tilespmem:s23+$0x10]  }
0x2d: {  	v4 =	vld [tilespmem:s23+$0xFFFFFFC0]  }
0x2e: {  	v10 =	vld [tilespmem:s23+$0xFFFFFFD0]  }
0x2f: {  	v11 =	vld [tilespmem:s23+$0xFFFFFF80]  }
0x30: {  	v13 =	vld [tilespmem:s23+$0xFFFFFF90]  }
0x31: {  	v14 =	vld [tilespmem:s23+$0xFFFFFF40]  }
0x32: {  	v15 =	vld [tilespmem:s23+$0xFFFFFF50]  }
0x33: {  	v16 =	vld [tilespmem:s23+$0xFFFFFF00]  }
0x34: {  	v17 =	vld [tilespmem:s23+$0xFFFFFF10]  }
0x35: {  	v18 =	vld [tilespmem:s23+$0xFFFFFEC0]  }
0x36: {  	v19 =	vld [tilespmem:s23+$0xFFFFFED0]  }
0x37: {  	v20 =	vld [tilespmem:s23+$0xFFFFFEE0]  }
0x38: {  	v21 =	vld [tilespmem:s23+$0xFFFFFEF0]  }
0x39: {  	v22 =	vld [tilespmem:s23+$0xFFFFFF20]  }
0x3a: {  	v23 =	vld [tilespmem:s23+$0xFFFFFF30]  }
0x3b: {  	v24 =	vimm.f32 $0.0e+00;
	v25 =	vld [tilespmem:s23+$0xFFFFFF60]  }
0x3c: {  	v26 =	vld [tilespmem:s23+$0xFFFFFF70];
	v18 =	vadd.f32 v18, v24;
	v19 =	vadd.f32 v19, v24  }
0x3d: {  	v51 =	vld [tilespmem:s23+$0xFFFFFFA0];
	v20 =	vadd.f32 v20, v24;
	v21 =	vadd.f32 v21, v24  }
0x3e: {  	v52 =	vld [tilespmem:s23+$0xFFFFFFB0];
	v16 =	vadd.f32 v16, v18;
	v17 =	vadd.f32 v17, v19  }
0x3f: {  	v55 =	vld [tilespmem:s23+$0xFFFFFFE0];
	v53 =	vadd.f32 v22, v20;
	v54 =	vadd.f32 v23, v21  }
0x40: {  	v56 =	vld [tilespmem:s23+$0xFFFFFFF0];
	v14 =	vadd.f32 v14, v16;
	v15 =	vadd.f32 v15, v17  }
0x41: {  	v59 =	vld [tilespmem:s23+$0x20];
	v57 =	vadd.f32 v25, v53;
	v58 =	vadd.f32 v26, v54  }
0x42: {  	v11 =	vadd.f32 v11, v14;
	v13 =	vadd.f32 v13, v15;
	v14 =	vld [tilespmem:s23+$0x30]  }
0x43: {  	v61 =	vld [tilespmem:s23+$0x60];
	v15 =	vadd.f32 v51, v57;
	v60 =	vadd.f32 v52, v58  }
0x44: {  	v11 =	vadd.f32 v4, v11;
	v10 =	vadd.f32 v10, v13;
	v13 =	vld [tilespmem:s23+$0x70]  }
0x45: {  	v15 =	vadd.f32 v55, v15;
	v16 =	vadd.f32 v56, v60;
	v4 =	vld [tilespmem:s23+$0xA0]  }
0x46: {  	v11 =	vadd.f32 v5, v11;
	v10 =	vadd.f32 v6, v10;
	v6 =	vld [tilespmem:s23+$0xB0]  }
0x47: {  	v15 =	vadd.f32 v59, v15;
	v5 =	vld [tilespmem:s23+$0xE0];
	v14 =	vadd.f32 v14, v16  }
0x48: {  	v62 =	vadd.f32 v7, v11;
	v63 =	vadd.f32 v8, v10;
	v8 =	vld [tilespmem:s23+$0xF0]  }
0x49: {  	v11 =	vadd.f32 v61, v15;
	v7 =	vld [tilespmem:s23+$0x120];
	v10 =	vadd.f32 v13, v14  }
0x4a: {  	s22 =	simm.s32 $0x0;
	v13 =	vadd.f32 v9, v62;
	v12 =	vadd.f32 v12, v63;
	v9 =	vld [tilespmem:s23+$0x130];
	s23 =	simm.s32 $0x67C0  }
.LBB2_3:
0x4b: {  	v14 =	vld [tilespmem:s23+$0x100];
	v4 =	vadd.f32 v4, v11;
	v6 =	vadd.f32 v6, v10  }
0x4c: {  	v10 =	vld [tilespmem:s23+$0x110];
	v11 =	vadd.f32 v2, v13;
	v12 =	vadd.f32 v3, v12  }
0x4d: {  	v2 =	vld [tilespmem:s23+$0xC0];
	v4 =	vadd.f32 v5, v4;
	v5 =	vadd.f32 v8, v6  }
0x4e: {  	v3 =	vld [tilespmem:s23+$0xD0];
	v6 =	vadd.f32 v0, v11;
	v8 =	vadd.f32 v1, v12  }
0x4f: {  	v12 =	vld [tilespmem:s23+$0x80];
	v4 =	vadd.f32 v7, v4;
	v5 =	vadd.f32 v9, v5  }
0x50: {  	v9 =	vld [tilespmem:s23+$0x90];
	v0 =	vmov v14  }
0x51: {  	v7 =	vld [tilespmem:s23+$0x40];
	v1 =	vmov v10  }
0x52: {  	v10 =	vld [tilespmem:s23+$0x50]  }
0x53: {  	v11 =	vld [tilespmem:s23+$0x0]  }
0x54: {  	v13 =	vld [tilespmem:s23+$0x10]  }
0x55: {  	v14 =	vld [tilespmem:s23+$0xFFFFFFC0]  }
0x56: {  	v15 =	vld [tilespmem:s23+$0xFFFFFFD0]  }
0x57: {  	v16 =	vld [tilespmem:s23+$0xFFFFFF80]  }
0x58: {  	v17 =	vld [tilespmem:s23+$0xFFFFFF90]  }
0x59: {  	v18 =	vld [tilespmem:s23+$0xFFFFFF40]  }
0x5a: {  	v19 =	vld [tilespmem:s23+$0xFFFFFF50]  }
0x5b: {  	v20 =	vld [tilespmem:s23+$0xFFFFFF00]  }
0x5c: {  	v21 =	vld [tilespmem:s23+$0xFFFFFF10]  }
0x5d: {  	v22 =	vld [tilespmem:s23+$0xFFFFFEC0]  }
0x5e: {  	v23 =	vld [tilespmem:s23+$0xFFFFFED0]  }
0x5f: {  	v24 =	vld [tilespmem:s23+$0xFFFFFEE0]  }
0x60: {  	s22 =	sadd.s32 $0xA, s22;
	v25 =	vld [tilespmem:s23+$0xFFFFFEF0]  }
0x61: {  	p0 =	slt.u32 s22, $0x28;
	v26 =	vld [tilespmem:s23+$0xFFFFFF20]  }
0x62: {  	v27 =	vld [tilespmem:s23+$0xFFFFFF30]  }
0x63: {  	v28 =	vld [tilespmem:s23+$0xFFFFFF60]  }
0x64: {  	v6 =	vadd.f32 v22, v6;
	v8 =	vadd.f32 v23, v8;
	v22 =	vld [tilespmem:s23+$0xFFFFFF70]  }
0x65: {  	v4 =	vadd.f32 v24, v4;
	v5 =	vadd.f32 v25, v5;
	v23 =	vld [tilespmem:s23+$0xFFFFFFA0]  }
0x66: {  	v6 =	vadd.f32 v20, v6;
	v8 =	vadd.f32 v21, v8;
	v20 =	vld [tilespmem:s23+$0xFFFFFFB0]  }
0x67: {  	v4 =	vadd.f32 v26, v4;
	v5 =	vadd.f32 v27, v5;
	v21 =	vld [tilespmem:s23+$0xFFFFFFE0]  }
0x68: {  	v6 =	vadd.f32 v18, v6;
	v8 =	vadd.f32 v19, v8;
	v18 =	vld [tilespmem:s23+$0xFFFFFFF0]  }
0x69: {  	v4 =	vadd.f32 v28, v4;
	v5 =	vadd.f32 v22, v5;
	v19 =	vld [tilespmem:s23+$0x20]  }
0x6a: {  	v6 =	vadd.f32 v16, v6;
	v8 =	vadd.f32 v17, v8;
	v16 =	vld [tilespmem:s23+$0x30]  }
0x6b: {  	v4 =	vadd.f32 v23, v4;
	v5 =	vadd.f32 v20, v5;
	v17 =	vld [tilespmem:s23+$0x60]  }
0x6c: {  	v6 =	vadd.f32 v14, v6;
	v8 =	vadd.f32 v15, v8;
	v14 =	vld [tilespmem:s23+$0x70]  }
0x6d: {  	v15 =	vadd.f32 v21, v4;
	v5 =	vadd.f32 v18, v5;
	v4 =	vld [tilespmem:s23+$0xA0]  }
.Ltmp2:
0x6e: {  	v11 =	vadd.f32 v11, v6;
	v8 =	vadd.f32 v13, v8;
	v6 =	vld [tilespmem:s23+$0xB0];
	(pc) =	sbr.rel @p0 .LBB2_3-.Ltmp2, $4  }
0x6f: {  	v13 =	vadd.f32 v19, v15;
	v15 =	vadd.f32 v16, v5;
	v5 =	vld [tilespmem:s23+$0xE0]  }
0x70: {  	v16 =	vadd.f32 v7, v11;
	v18 =	vadd.f32 v10, v8;
	v8 =	vld [tilespmem:s23+$0xF0]  }
0x71: {  	v11 =	vadd.f32 v17, v13;
	v10 =	vadd.f32 v14, v15;
	v7 =	vld [tilespmem:s23+$0x120]  }
0x72: {  	v13 =	vadd.f32 v12, v16;
	v12 =	vadd.f32 v9, v18;
	v9 =	vld [tilespmem:s23+$0x130];
	s23 =	sadd.s32 $0x280, s23  }
0x73: {  	_ = 	snop  }
0x74: {  	v4 =	vadd.f32 v4, v11;
	v2 =	vadd.f32 v2, v13  }
0x75: {  	v6 =	vadd.f32 v6, v10;
	v3 =	vadd.f32 v3, v12  }
0x76: {  	v4 =	vadd.f32 v5, v4;
	v0 =	vadd.f32 v0, v2  }
0x77: {  	v2 =	vadd.f32 v8, v6;
	v1 =	vadd.f32 v1, v3  }
0x78: {  	s22 =	sshll.u32 s21, $0xA;
	v3 =	vadd.f32 v7, v4;
	v0 =	vmul.f32 $1.999999960e-02, v0  }
0x79: {  	s22 =	sand.u32 $0x3FFFFC00, s22;
	v2 =	vadd.f32 v9, v2;
	v1 =	vmul.f32 $1.999999960e-02, v1  }
0x7a: {  	[tilespmem:s22+$0x12C00] =	vst v0;
	v0 =	vmul.f32 $1.999999960e-02, v3  }
0x7b: {  	[tilespmem:s22+$0x12C10] =	vst v1;
	v1 =	vmul.f32 $1.999999960e-02, v2  }
0x7c: {  	[tilespmem:s22+$0x12C20] =	vst v0  }
0x7d: {  	s24 =	simm.s32 $0x72F0;
	[tilespmem:s22+$0x12C30] =	vst v1  }
0x7e: {  	v0 =	vld [tilespmem:s24+$0xFFFFFFD0]  }
0x7f: {  	v1 =	vld [tilespmem:s24+$0xFFFFFFE0]  }
0x80: {  	v2 =	vld [tilespmem:s24+$0xFFFFFF90]  }
0x81: {  	v3 =	vld [tilespmem:s24+$0xFFFFFFA0]  }
0x82: {  	v9 =	vld [tilespmem:s24+$0xFFFFFF50]  }
0x83: {  	v12 =	vld [tilespmem:s24+$0xFFFFFF60]  }
0x84: {  	v7 =	vld [tilespmem:s24+$0xFFFFFF10]  }
0x85: {  	v8 =	vld [tilespmem:s24+$0xFFFFFF20]  }
0x86: {  	v5 =	vld [tilespmem:s24+$0xFFFFFED0]  }
0x87: {  	v6 =	vld [tilespmem:s24+$0xFFFFFEE0]  }
0x88: {  	v4 =	vld [tilespmem:s24+$0xFFFFFE90]  }
0x89: {  	v10 =	vld [tilespmem:s24+$0xFFFFFEA0]  }
0x8a: {  	v11 =	vld [tilespmem:s24+$0xFFFFFE50]  }
0x8b: {  	v13 =	vld [tilespmem:s24+$0xFFFFFE60]  }
0x8c: {  	v14 =	vld [tilespmem:s24+$0xFFFFFE10]  }
0x8d: {  	v15 =	vld [tilespmem:s24+$0xFFFFFE20]  }
0x8e: {  	v16 =	vld [tilespmem:s24+$0xFFFFFDD0]  }
0x8f: {  	v17 =	vld [tilespmem:s24+$0xFFFFFDE0]  }
0x90: {  	v18 =	vld [tilespmem:s24+$0xFFFFFD90]  }
0x91: {  	v19 =	vld [tilespmem:s24+$0xFFFFFDA0]  }
0x92: {  	v20 =	vld [tilespmem:s24+$0xFFFFFDB0]  }
0x93: {  	v21 =	vld [tilespmem:s24+$0xFFFFFDC0]  }
0x94: {  	v22 =	vld [tilespmem:s24+$0xFFFFFDF0]  }
0x95: {  	v23 =	vld [tilespmem:s24+$0xFFFFFE00]  }
0x96: {  	v24 =	vimm.f32 $0.0e+00;
	v25 =	vld [tilespmem:s24+$0xFFFFFE30]  }
0x97: {  	v26 =	vld [tilespmem:s24+$0xFFFFFE40];
	v18 =	vadd.f32 v18, v24;
	v19 =	vadd.f32 v19, v24  }
0x98: {  	v51 =	vld [tilespmem:s24+$0xFFFFFE70];
	v20 =	vadd.f32 v20, v24;
	v21 =	vadd.f32 v21, v24  }
0x99: {  	v52 =	vld [tilespmem:s24+$0xFFFFFE80];
	v16 =	vadd.f32 v16, v18;
	v17 =	vadd.f32 v17, v19  }
0x9a: {  	v55 =	vld [tilespmem:s24+$0xFFFFFEB0];
	v53 =	vadd.f32 v22, v20;
	v54 =	vadd.f32 v23, v21  }
0x9b: {  	v56 =	vld [tilespmem:s24+$0xFFFFFEC0];
	v14 =	vadd.f32 v14, v16;
	v15 =	vadd.f32 v15, v17  }
0x9c: {  	v59 =	vld [tilespmem:s24+$0xFFFFFEF0];
	v57 =	vadd.f32 v25, v53;
	v58 =	vadd.f32 v26, v54  }
0x9d: {  	v11 =	vadd.f32 v11, v14;
	v13 =	vadd.f32 v13, v15;
	v14 =	vld [tilespmem:s24+$0xFFFFFF00]  }
0x9e: {  	v61 =	vld [tilespmem:s24+$0xFFFFFF30];
	v15 =	vadd.f32 v51, v57;
	v60 =	vadd.f32 v52, v58  }
0x9f: {  	v11 =	vadd.f32 v4, v11;
	v10 =	vadd.f32 v10, v13;
	v13 =	vld [tilespmem:s24+$0xFFFFFF40]  }
0xa0: {  	v15 =	vadd.f32 v55, v15;
	v16 =	vadd.f32 v56, v60;
	v4 =	vld [tilespmem:s24+$0xFFFFFF70]  }
0xa1: {  	v11 =	vadd.f32 v5, v11;
	v10 =	vadd.f32 v6, v10;
	v6 =	vld [tilespmem:s24+$0xFFFFFF80]  }
0xa2: {  	v15 =	vadd.f32 v59, v15;
	v5 =	vld [tilespmem:s24+$0xFFFFFFB0];
	v14 =	vadd.f32 v14, v16  }
0xa3: {  	v62 =	vadd.f32 v7, v11;
	v63 =	vadd.f32 v8, v10;
	v8 =	vld [tilespmem:s24+$0xFFFFFFC0]  }
0xa4: {  	v11 =	vadd.f32 v61, v15;
	v7 =	vld [tilespmem:s24+$0xFFFFFFF0];
	v10 =	vadd.f32 v13, v14  }
0xa5: {  	s23 =	simm.s32 $0x0;
	v13 =	vadd.f32 v9, v62;
	v12 =	vadd.f32 v12, v63;
	v9 =	vld [tilespmem:s24+$0x0];
	s24 =	simm.s32 $0x7570  }
.LBB2_5:
0xa6: {  	v14 =	vld [tilespmem:s24+$0xFFFFFFD0];
	v4 =	vadd.f32 v4, v11;
	v6 =	vadd.f32 v6, v10  }
0xa7: {  	v10 =	vld [tilespmem:s24+$0xFFFFFFE0];
	v11 =	vadd.f32 v2, v13;
	v12 =	vadd.f32 v3, v12  }
0xa8: {  	v2 =	vld [tilespmem:s24+$0xFFFFFF90];
	v4 =	vadd.f32 v5, v4;
	v5 =	vadd.f32 v8, v6  }
0xa9: {  	v3 =	vld [tilespmem:s24+$0xFFFFFFA0];
	v6 =	vadd.f32 v0, v11;
	v8 =	vadd.f32 v1, v12  }
0xaa: {  	v12 =	vld [tilespmem:s24+$0xFFFFFF50];
	v4 =	vadd.f32 v7, v4;
	v5 =	vadd.f32 v9, v5  }
0xab: {  	v9 =	vld [tilespmem:s24+$0xFFFFFF60];
	v0 =	vmov v14  }
0xac: {  	v7 =	vld [tilespmem:s24+$0xFFFFFF10];
	v1 =	vmov v10  }
0xad: {  	v10 =	vld [tilespmem:s24+$0xFFFFFF20]  }
0xae: {  	v11 =	vld [tilespmem:s24+$0xFFFFFED0]  }
0xaf: {  	v13 =	vld [tilespmem:s24+$0xFFFFFEE0]  }
0xb0: {  	v14 =	vld [tilespmem:s24+$0xFFFFFE90]  }
0xb1: {  	v15 =	vld [tilespmem:s24+$0xFFFFFEA0]  }
0xb2: {  	v16 =	vld [tilespmem:s24+$0xFFFFFE50]  }
0xb3: {  	v17 =	vld [tilespmem:s24+$0xFFFFFE60]  }
0xb4: {  	v18 =	vld [tilespmem:s24+$0xFFFFFE10]  }
0xb5: {  	v19 =	vld [tilespmem:s24+$0xFFFFFE20]  }
0xb6: {  	v20 =	vld [tilespmem:s24+$0xFFFFFDD0]  }
0xb7: {  	v21 =	vld [tilespmem:s24+$0xFFFFFDE0]  }
0xb8: {  	v22 =	vld [tilespmem:s24+$0xFFFFFD90]  }
0xb9: {  	v23 =	vld [tilespmem:s24+$0xFFFFFDA0]  }
0xba: {  	v24 =	vld [tilespmem:s24+$0xFFFFFDB0]  }
0xbb: {  	s23 =	sadd.s32 $0xA, s23;
	v25 =	vld [tilespmem:s24+$0xFFFFFDC0]  }
0xbc: {  	p0 =	slt.u32 s23, $0x28;
	v26 =	vld [tilespmem:s24+$0xFFFFFDF0]  }
0xbd: {  	v27 =	vld [tilespmem:s24+$0xFFFFFE00]  }
0xbe: {  	v28 =	vld [tilespmem:s24+$0xFFFFFE30]  }
0xbf: {  	v6 =	vadd.f32 v22, v6;
	v8 =	vadd.f32 v23, v8;
	v22 =	vld [tilespmem:s24+$0xFFFFFE40]  }
0xc0: {  	v4 =	vadd.f32 v24, v4;
	v5 =	vadd.f32 v25, v5;
	v23 =	vld [tilespmem:s24+$0xFFFFFE70]  }
0xc1: {  	v6 =	vadd.f32 v20, v6;
	v8 =	vadd.f32 v21, v8;
	v20 =	vld [tilespmem:s24+$0xFFFFFE80]  }
0xc2: {  	v4 =	vadd.f32 v26, v4;
	v5 =	vadd.f32 v27, v5;
	v21 =	vld [tilespmem:s24+$0xFFFFFEB0]  }
0xc3: {  	v6 =	vadd.f32 v18, v6;
	v8 =	vadd.f32 v19, v8;
	v18 =	vld [tilespmem:s24+$0xFFFFFEC0]  }
0xc4: {  	v4 =	vadd.f32 v28, v4;
	v5 =	vadd.f32 v22, v5;
	v19 =	vld [tilespmem:s24+$0xFFFFFEF0]  }
0xc5: {  	v6 =	vadd.f32 v16, v6;
	v8 =	vadd.f32 v17, v8;
	v16 =	vld [tilespmem:s24+$0xFFFFFF00]  }
0xc6: {  	v4 =	vadd.f32 v23, v4;
	v5 =	vadd.f32 v20, v5;
	v17 =	vld [tilespmem:s24+$0xFFFFFF30]  }
0xc7: {  	v6 =	vadd.f32 v14, v6;
	v8 =	vadd.f32 v15, v8;
	v14 =	vld [tilespmem:s24+$0xFFFFFF40]  }
0xc8: {  	v15 =	vadd.f32 v21, v4;
	v5 =	vadd.f32 v18, v5;
	v4 =	vld [tilespmem:s24+$0xFFFFFF70]  }
.Ltmp3:
0xc9: {  	v11 =	vadd.f32 v11, v6;
	v8 =	vadd.f32 v13, v8;
	v6 =	vld [tilespmem:s24+$0xFFFFFF80];
	(pc) =	sbr.rel @p0 .LBB2_5-.Ltmp3, $4  }
0xca: {  	v13 =	vadd.f32 v19, v15;
	v15 =	vadd.f32 v16, v5;
	v5 =	vld [tilespmem:s24+$0xFFFFFFB0]  }
0xcb: {  	v16 =	vadd.f32 v7, v11;
	v18 =	vadd.f32 v10, v8;
	v8 =	vld [tilespmem:s24+$0xFFFFFFC0]  }
0xcc: {  	v11 =	vadd.f32 v17, v13;
	v10 =	vadd.f32 v14, v15;
	v7 =	vld [tilespmem:s24+$0xFFFFFFF0]  }
0xcd: {  	v13 =	vadd.f32 v12, v16;
	v12 =	vadd.f32 v9, v18;
	v9 =	vld [tilespmem:s24+$0x0];
	s24 =	sadd.s32 $0x280, s24  }
0xce: {  	_ = 	snop  }
0xcf: {  	v4 =	vadd.f32 v4, v11;
	v2 =	vadd.f32 v2, v13  }
0xd0: {  	v6 =	vadd.f32 v6, v10;
	v3 =	vadd.f32 v3, v12  }
0xd1: {  	v4 =	vadd.f32 v5, v4;
	v0 =	vadd.f32 v0, v2  }
0xd2: {  	v2 =	vadd.f32 v8, v6;
	v1 =	vadd.f32 v1, v3  }
0xd3: {  	v3 =	vadd.f32 v7, v4;
	v0 =	vmul.f32 $1.999999960e-02, v0  }
0xd4: {  	v2 =	vadd.f32 v9, v2;
	v1 =	vmul.f32 $1.999999960e-02, v1  }
0xd5: {  	[tilespmem:s22+$0x12C40] =	vst v0;
	v0 =	vmul.f32 $1.999999960e-02, v3  }
0xd6: {  	[tilespmem:s22+$0x12C50] =	vst v1;
	v1 =	vmul.f32 $1.999999960e-02, v2  }
0xd7: {  	[tilespmem:s22+$0x12C60] =	vst v0  }
0xd8: {  	s24 =	simm.s32 $0x7F70;
	[tilespmem:s22+$0x12C70] =	vst v1  }
0xd9: {  	v0 =	vld [tilespmem:s24+$0xFFFFFFD0]  }
0xda: {  	v1 =	vld [tilespmem:s24+$0xFFFFFFE0]  }
0xdb: {  	v2 =	vld [tilespmem:s24+$0xFFFFFF90]  }
0xdc: {  	v3 =	vld [tilespmem:s24+$0xFFFFFFA0]  }
0xdd: {  	v9 =	vld [tilespmem:s24+$0xFFFFFF50]  }
0xde: {  	v12 =	vld [tilespmem:s24+$0xFFFFFF60]  }
0xdf: {  	v7 =	vld [tilespmem:s24+$0xFFFFFF10]  }
0xe0: {  	v8 =	vld [tilespmem:s24+$0xFFFFFF20]  }
0xe1: {  	v5 =	vld [tilespmem:s24+$0xFFFFFED0]  }
0xe2: {  	v6 =	vld [tilespmem:s24+$0xFFFFFEE0]  }
0xe3: {  	v4 =	vld [tilespmem:s24+$0xFFFFFE90]  }
0xe4: {  	v10 =	vld [tilespmem:s24+$0xFFFFFEA0]  }
0xe5: {  	v11 =	vld [tilespmem:s24+$0xFFFFFE50]  }
0xe6: {  	v13 =	vld [tilespmem:s24+$0xFFFFFE60]  }
0xe7: {  	v14 =	vld [tilespmem:s24+$0xFFFFFE10]  }
0xe8: {  	v15 =	vld [tilespmem:s24+$0xFFFFFE20]  }
0xe9: {  	v16 =	vld [tilespmem:s24+$0xFFFFFDD0]  }
0xea: {  	v17 =	vld [tilespmem:s24+$0xFFFFFDE0]  }
0xeb: {  	v18 =	vld [tilespmem:s24+$0xFFFFFD90]  }
0xec: {  	v19 =	vld [tilespmem:s24+$0xFFFFFDA0]  }
0xed: {  	v20 =	vld [tilespmem:s24+$0xFFFFFDB0]  }
0xee: {  	v21 =	vld [tilespmem:s24+$0xFFFFFDC0]  }
0xef: {  	v22 =	vld [tilespmem:s24+$0xFFFFFDF0]  }
0xf0: {  	v23 =	vld [tilespmem:s24+$0xFFFFFE00]  }
0xf1: {  	v24 =	vimm.f32 $0.0e+00;
	v25 =	vld [tilespmem:s24+$0xFFFFFE30]  }
0xf2: {  	v26 =	vld [tilespmem:s24+$0xFFFFFE40];
	v18 =	vadd.f32 v18, v24;
	v19 =	vadd.f32 v19, v24  }
0xf3: {  	v51 =	vld [tilespmem:s24+$0xFFFFFE70];
	v20 =	vadd.f32 v20, v24;
	v21 =	vadd.f32 v21, v24  }
0xf4: {  	v52 =	vld [tilespmem:s24+$0xFFFFFE80];
	v16 =	vadd.f32 v16, v18;
	v17 =	vadd.f32 v17, v19  }
0xf5: {  	v55 =	vld [tilespmem:s24+$0xFFFFFEB0];
	v53 =	vadd.f32 v22, v20;
	v54 =	vadd.f32 v23, v21  }
0xf6: {  	v56 =	vld [tilespmem:s24+$0xFFFFFEC0];
	v14 =	vadd.f32 v14, v16;
	v15 =	vadd.f32 v15, v17  }
0xf7: {  	v59 =	vld [tilespmem:s24+$0xFFFFFEF0];
	v57 =	vadd.f32 v25, v53;
	v58 =	vadd.f32 v26, v54  }
0xf8: {  	v11 =	vadd.f32 v11, v14;
	v13 =	vadd.f32 v13, v15;
	v14 =	vld [tilespmem:s24+$0xFFFFFF00]  }
0xf9: {  	v61 =	vld [tilespmem:s24+$0xFFFFFF30];
	v15 =	vadd.f32 v51, v57;
	v60 =	vadd.f32 v52, v58  }
0xfa: {  	v11 =	vadd.f32 v4, v11;
	v10 =	vadd.f32 v10, v13;
	v13 =	vld [tilespmem:s24+$0xFFFFFF40]  }
0xfb: {  	v15 =	vadd.f32 v55, v15;
	v16 =	vadd.f32 v56, v60;
	v4 =	vld [tilespmem:s24+$0xFFFFFF70]  }
0xfc: {  	v11 =	vadd.f32 v5, v11;
	v10 =	vadd.f32 v6, v10;
	v6 =	vld [tilespmem:s24+$0xFFFFFF80]  }
0xfd: {  	v15 =	vadd.f32 v59, v15;
	v5 =	vld [tilespmem:s24+$0xFFFFFFB0];
	v14 =	vadd.f32 v14, v16  }
0xfe: {  	v62 =	vadd.f32 v7, v11;
	v63 =	vadd.f32 v8, v10;
	v8 =	vld [tilespmem:s24+$0xFFFFFFC0]  }
0xff: {  	v11 =	vadd.f32 v61, v15;
	v7 =	vld [tilespmem:s24+$0xFFFFFFF0];
	v10 =	vadd.f32 v13, v14  }
0x100: {  	s23 =	simm.s32 $0x0;
	v13 =	vadd.f32 v9, v62;
	v12 =	vadd.f32 v12, v63;
	v9 =	vld [tilespmem:s24+$0x0];
	s24 =	simm.s32 $0x81F0  }
.LBB2_7:
0x101: {  	v14 =	vld [tilespmem:s24+$0xFFFFFFD0];
	v4 =	vadd.f32 v4, v11;
	v6 =	vadd.f32 v6, v10  }
0x102: {  	v10 =	vld [tilespmem:s24+$0xFFFFFFE0];
	v11 =	vadd.f32 v2, v13;
	v12 =	vadd.f32 v3, v12  }
0x103: {  	v2 =	vld [tilespmem:s24+$0xFFFFFF90];
	v4 =	vadd.f32 v5, v4;
	v5 =	vadd.f32 v8, v6  }
0x104: {  	v3 =	vld [tilespmem:s24+$0xFFFFFFA0];
	v6 =	vadd.f32 v0, v11;
	v8 =	vadd.f32 v1, v12  }
0x105: {  	v12 =	vld [tilespmem:s24+$0xFFFFFF50];
	v4 =	vadd.f32 v7, v4;
	v5 =	vadd.f32 v9, v5  }
0x106: {  	v9 =	vld [tilespmem:s24+$0xFFFFFF60];
	v0 =	vmov v14  }
0x107: {  	v7 =	vld [tilespmem:s24+$0xFFFFFF10];
	v1 =	vmov v10  }
0x108: {  	v10 =	vld [tilespmem:s24+$0xFFFFFF20]  }
0x109: {  	v11 =	vld [tilespmem:s24+$0xFFFFFED0]  }
0x10a: {  	v13 =	vld [tilespmem:s24+$0xFFFFFEE0]  }
0x10b: {  	v14 =	vld [tilespmem:s24+$0xFFFFFE90]  }
0x10c: {  	v15 =	vld [tilespmem:s24+$0xFFFFFEA0]  }
0x10d: {  	v16 =	vld [tilespmem:s24+$0xFFFFFE50]  }
0x10e: {  	v17 =	vld [tilespmem:s24+$0xFFFFFE60]  }
0x10f: {  	v18 =	vld [tilespmem:s24+$0xFFFFFE10]  }
0x110: {  	v19 =	vld [tilespmem:s24+$0xFFFFFE20]  }
0x111: {  	v20 =	vld [tilespmem:s24+$0xFFFFFDD0]  }
0x112: {  	v21 =	vld [tilespmem:s24+$0xFFFFFDE0]  }
0x113: {  	v22 =	vld [tilespmem:s24+$0xFFFFFD90]  }
0x114: {  	v23 =	vld [tilespmem:s24+$0xFFFFFDA0]  }
0x115: {  	v24 =	vld [tilespmem:s24+$0xFFFFFDB0]  }
0x116: {  	s23 =	sadd.s32 $0xA, s23;
	v25 =	vld [tilespmem:s24+$0xFFFFFDC0]  }
0x117: {  	p0 =	slt.u32 s23, $0x28;
	v26 =	vld [tilespmem:s24+$0xFFFFFDF0]  }
0x118: {  	v27 =	vld [tilespmem:s24+$0xFFFFFE00]  }
0x119: {  	v28 =	vld [tilespmem:s24+$0xFFFFFE30]  }
0x11a: {  	v6 =	vadd.f32 v22, v6;
	v8 =	vadd.f32 v23, v8;
	v22 =	vld [tilespmem:s24+$0xFFFFFE40]  }
0x11b: {  	v4 =	vadd.f32 v24, v4;
	v5 =	vadd.f32 v25, v5;
	v23 =	vld [tilespmem:s24+$0xFFFFFE70]  }
0x11c: {  	v6 =	vadd.f32 v20, v6;
	v8 =	vadd.f32 v21, v8;
	v20 =	vld [tilespmem:s24+$0xFFFFFE80]  }
0x11d: {  	v4 =	vadd.f32 v26, v4;
	v5 =	vadd.f32 v27, v5;
	v21 =	vld [tilespmem:s24+$0xFFFFFEB0]  }
0x11e: {  	v6 =	vadd.f32 v18, v6;
	v8 =	vadd.f32 v19, v8;
	v18 =	vld [tilespmem:s24+$0xFFFFFEC0]  }
0x11f: {  	v4 =	vadd.f32 v28, v4;
	v5 =	vadd.f32 v22, v5;
	v19 =	vld [tilespmem:s24+$0xFFFFFEF0]  }
0x120: {  	v6 =	vadd.f32 v16, v6;
	v8 =	vadd.f32 v17, v8;
	v16 =	vld [tilespmem:s24+$0xFFFFFF00]  }
0x121: {  	v4 =	vadd.f32 v23, v4;
	v5 =	vadd.f32 v20, v5;
	v17 =	vld [tilespmem:s24+$0xFFFFFF30]  }
0x122: {  	v6 =	vadd.f32 v14, v6;
	v8 =	vadd.f32 v15, v8;
	v14 =	vld [tilespmem:s24+$0xFFFFFF40]  }
0x123: {  	v15 =	vadd.f32 v21, v4;
	v5 =	vadd.f32 v18, v5;
	v4 =	vld [tilespmem:s24+$0xFFFFFF70]  }
.Ltmp4:
0x124: {  	v11 =	vadd.f32 v11, v6;
	v8 =	vadd.f32 v13, v8;
	v6 =	vld [tilespmem:s24+$0xFFFFFF80];
	(pc) =	sbr.rel @p0 .LBB2_7-.Ltmp4, $4  }
0x125: {  	v13 =	vadd.f32 v19, v15;
	v15 =	vadd.f32 v16, v5;
	v5 =	vld [tilespmem:s24+$0xFFFFFFB0]  }
0x126: {  	v16 =	vadd.f32 v7, v11;
	v18 =	vadd.f32 v10, v8;
	v8 =	vld [tilespmem:s24+$0xFFFFFFC0]  }
0x127: {  	v11 =	vadd.f32 v17, v13;
	v10 =	vadd.f32 v14, v15;
	v7 =	vld [tilespmem:s24+$0xFFFFFFF0]  }
0x128: {  	v13 =	vadd.f32 v12, v16;
	v12 =	vadd.f32 v9, v18;
	v9 =	vld [tilespmem:s24+$0x0];
	s24 =	sadd.s32 $0x280, s24  }
0x129: {  	_ = 	snop  }
0x12a: {  	v4 =	vadd.f32 v4, v11;
	v2 =	vadd.f32 v2, v13  }
0x12b: {  	v6 =	vadd.f32 v6, v10;
	v3 =	vadd.f32 v3, v12  }
0x12c: {  	v4 =	vadd.f32 v5, v4;
	v0 =	vadd.f32 v0, v2  }
0x12d: {  	v2 =	vadd.f32 v8, v6;
	v1 =	vadd.f32 v1, v3  }
0x12e: {  	v3 =	vadd.f32 v7, v4;
	v0 =	vmul.f32 $1.999999960e-02, v0  }
0x12f: {  	v2 =	vadd.f32 v9, v2;
	v1 =	vmul.f32 $1.999999960e-02, v1  }
0x130: {  	[tilespmem:s22+$0x12C80] =	vst v0;
	v0 =	vmul.f32 $1.999999960e-02, v3  }
0x131: {  	[tilespmem:s22+$0x12C90] =	vst v1;
	v1 =	vmul.f32 $1.999999960e-02, v2  }
0x132: {  	[tilespmem:s22+$0x12CA0] =	vst v0  }
0x133: {  	s24 =	simm.s32 $0x8BF0;
	[tilespmem:s22+$0x12CB0] =	vst v1  }
0x134: {  	v0 =	vld [tilespmem:s24+$0xFFFFFFD0]  }
0x135: {  	v1 =	vld [tilespmem:s24+$0xFFFFFFE0]  }
0x136: {  	v2 =	vld [tilespmem:s24+$0xFFFFFF90]  }
0x137: {  	v3 =	vld [tilespmem:s24+$0xFFFFFFA0]  }
0x138: {  	v9 =	vld [tilespmem:s24+$0xFFFFFF50]  }
0x139: {  	v12 =	vld [tilespmem:s24+$0xFFFFFF60]  }
0x13a: {  	v7 =	vld [tilespmem:s24+$0xFFFFFF10]  }
0x13b: {  	v8 =	vld [tilespmem:s24+$0xFFFFFF20]  }
0x13c: {  	v5 =	vld [tilespmem:s24+$0xFFFFFED0]  }
0x13d: {  	v6 =	vld [tilespmem:s24+$0xFFFFFEE0]  }
0x13e: {  	v4 =	vld [tilespmem:s24+$0xFFFFFE90]  }
0x13f: {  	v10 =	vld [tilespmem:s24+$0xFFFFFEA0]  }
0x140: {  	v11 =	vld [tilespmem:s24+$0xFFFFFE50]  }
0x141: {  	v13 =	vld [tilespmem:s24+$0xFFFFFE60]  }
0x142: {  	v14 =	vld [tilespmem:s24+$0xFFFFFE10]  }
0x143: {  	v15 =	vld [tilespmem:s24+$0xFFFFFE20]  }
0x144: {  	v16 =	vld [tilespmem:s24+$0xFFFFFDD0]  }
0x145: {  	v17 =	vld [tilespmem:s24+$0xFFFFFDE0]  }
0x146: {  	v18 =	vld [tilespmem:s24+$0xFFFFFD90]  }
0x147: {  	v19 =	vld [tilespmem:s24+$0xFFFFFDA0]  }
0x148: {  	v20 =	vld [tilespmem:s24+$0xFFFFFDB0]  }
0x149: {  	v21 =	vld [tilespmem:s24+$0xFFFFFDC0]  }
0x14a: {  	v22 =	vld [tilespmem:s24+$0xFFFFFDF0]  }
0x14b: {  	v23 =	vld [tilespmem:s24+$0xFFFFFE00]  }
0x14c: {  	v24 =	vimm.f32 $0.0e+00;
	v25 =	vld [tilespmem:s24+$0xFFFFFE30]  }
0x14d: {  	v26 =	vld [tilespmem:s24+$0xFFFFFE40];
	v18 =	vadd.f32 v18, v24;
	v19 =	vadd.f32 v19, v24  }
0x14e: {  	v51 =	vld [tilespmem:s24+$0xFFFFFE70];
	v20 =	vadd.f32 v20, v24;
	v21 =	vadd.f32 v21, v24  }
0x14f: {  	v52 =	vld [tilespmem:s24+$0xFFFFFE80];
	v16 =	vadd.f32 v16, v18;
	v17 =	vadd.f32 v17, v19  }
0x150: {  	v55 =	vld [tilespmem:s24+$0xFFFFFEB0];
	v53 =	vadd.f32 v22, v20;
	v54 =	vadd.f32 v23, v21  }
0x151: {  	v56 =	vld [tilespmem:s24+$0xFFFFFEC0];
	v14 =	vadd.f32 v14, v16;
	v15 =	vadd.f32 v15, v17  }
0x152: {  	v59 =	vld [tilespmem:s24+$0xFFFFFEF0];
	v57 =	vadd.f32 v25, v53;
	v58 =	vadd.f32 v26, v54  }
0x153: {  	v11 =	vadd.f32 v11, v14;
	v13 =	vadd.f32 v13, v15;
	v14 =	vld [tilespmem:s24+$0xFFFFFF00]  }
0x154: {  	v61 =	vld [tilespmem:s24+$0xFFFFFF30];
	v15 =	vadd.f32 v51, v57;
	v60 =	vadd.f32 v52, v58  }
0x155: {  	v11 =	vadd.f32 v4, v11;
	v10 =	vadd.f32 v10, v13;
	v13 =	vld [tilespmem:s24+$0xFFFFFF40]  }
0x156: {  	v15 =	vadd.f32 v55, v15;
	v16 =	vadd.f32 v56, v60;
	v4 =	vld [tilespmem:s24+$0xFFFFFF70]  }
0x157: {  	v11 =	vadd.f32 v5, v11;
	v10 =	vadd.f32 v6, v10;
	v6 =	vld [tilespmem:s24+$0xFFFFFF80]  }
0x158: {  	v15 =	vadd.f32 v59, v15;
	v5 =	vld [tilespmem:s24+$0xFFFFFFB0];
	v14 =	vadd.f32 v14, v16  }
0x159: {  	v62 =	vadd.f32 v7, v11;
	v63 =	vadd.f32 v8, v10;
	v8 =	vld [tilespmem:s24+$0xFFFFFFC0]  }
0x15a: {  	v11 =	vadd.f32 v61, v15;
	v7 =	vld [tilespmem:s24+$0xFFFFFFF0];
	v10 =	vadd.f32 v13, v14  }
0x15b: {  	s23 =	simm.s32 $0x0;
	v13 =	vadd.f32 v9, v62;
	v12 =	vadd.f32 v12, v63;
	v9 =	vld [tilespmem:s24+$0x0];
	s24 =	simm.s32 $0x8E70  }
.LBB2_9:
0x15c: {  	v14 =	vld [tilespmem:s24+$0xFFFFFFD0];
	v4 =	vadd.f32 v4, v11;
	v6 =	vadd.f32 v6, v10  }
0x15d: {  	v10 =	vld [tilespmem:s24+$0xFFFFFFE0];
	v11 =	vadd.f32 v2, v13;
	v12 =	vadd.f32 v3, v12  }
0x15e: {  	v2 =	vld [tilespmem:s24+$0xFFFFFF90];
	v4 =	vadd.f32 v5, v4;
	v5 =	vadd.f32 v8, v6  }
0x15f: {  	v3 =	vld [tilespmem:s24+$0xFFFFFFA0];
	v6 =	vadd.f32 v0, v11;
	v8 =	vadd.f32 v1, v12  }
0x160: {  	v12 =	vld [tilespmem:s24+$0xFFFFFF50];
	v4 =	vadd.f32 v7, v4;
	v5 =	vadd.f32 v9, v5  }
0x161: {  	v9 =	vld [tilespmem:s24+$0xFFFFFF60];
	v0 =	vmov v14  }
0x162: {  	v7 =	vld [tilespmem:s24+$0xFFFFFF10];
	v1 =	vmov v10  }
0x163: {  	v10 =	vld [tilespmem:s24+$0xFFFFFF20]  }
0x164: {  	v11 =	vld [tilespmem:s24+$0xFFFFFED0]  }
0x165: {  	v13 =	vld [tilespmem:s24+$0xFFFFFEE0]  }
0x166: {  	v14 =	vld [tilespmem:s24+$0xFFFFFE90]  }
0x167: {  	v15 =	vld [tilespmem:s24+$0xFFFFFEA0]  }
0x168: {  	v16 =	vld [tilespmem:s24+$0xFFFFFE50]  }
0x169: {  	v17 =	vld [tilespmem:s24+$0xFFFFFE60]  }
0x16a: {  	v18 =	vld [tilespmem:s24+$0xFFFFFE10]  }
0x16b: {  	v19 =	vld [tilespmem:s24+$0xFFFFFE20]  }
0x16c: {  	v20 =	vld [tilespmem:s24+$0xFFFFFDD0]  }
0x16d: {  	v21 =	vld [tilespmem:s24+$0xFFFFFDE0]  }
0x16e: {  	v22 =	vld [tilespmem:s24+$0xFFFFFD90]  }
0x16f: {  	v23 =	vld [tilespmem:s24+$0xFFFFFDA0]  }
0x170: {  	v24 =	vld [tilespmem:s24+$0xFFFFFDB0]  }
0x171: {  	s23 =	sadd.s32 $0xA, s23;
	v25 =	vld [tilespmem:s24+$0xFFFFFDC0]  }
0x172: {  	p0 =	slt.u32 s23, $0x28;
	v26 =	vld [tilespmem:s24+$0xFFFFFDF0]  }
0x173: {  	v27 =	vld [tilespmem:s24+$0xFFFFFE00]  }
0x174: {  	v28 =	vld [tilespmem:s24+$0xFFFFFE30]  }
0x175: {  	v6 =	vadd.f32 v22, v6;
	v8 =	vadd.f32 v23, v8;
	v22 =	vld [tilespmem:s24+$0xFFFFFE40]  }
0x176: {  	v4 =	vadd.f32 v24, v4;
	v5 =	vadd.f32 v25, v5;
	v23 =	vld [tilespmem:s24+$0xFFFFFE70]  }
0x177: {  	v6 =	vadd.f32 v20, v6;
	v8 =	vadd.f32 v21, v8;
	v20 =	vld [tilespmem:s24+$0xFFFFFE80]  }
0x178: {  	v4 =	vadd.f32 v26, v4;
	v5 =	vadd.f32 v27, v5;
	v21 =	vld [tilespmem:s24+$0xFFFFFEB0]  }
0x179: {  	v6 =	vadd.f32 v18, v6;
	v8 =	vadd.f32 v19, v8;
	v18 =	vld [tilespmem:s24+$0xFFFFFEC0]  }
0x17a: {  	v4 =	vadd.f32 v28, v4;
	v5 =	vadd.f32 v22, v5;
	v19 =	vld [tilespmem:s24+$0xFFFFFEF0]  }
0x17b: {  	v6 =	vadd.f32 v16, v6;
	v8 =	vadd.f32 v17, v8;
	v16 =	vld [tilespmem:s24+$0xFFFFFF00]  }
0x17c: {  	v4 =	vadd.f32 v23, v4;
	v5 =	vadd.f32 v20, v5;
	v17 =	vld [tilespmem:s24+$0xFFFFFF30]  }
0x17d: {  	v6 =	vadd.f32 v14, v6;
	v8 =	vadd.f32 v15, v8;
	v14 =	vld [tilespmem:s24+$0xFFFFFF40]  }
0x17e: {  	v15 =	vadd.f32 v21, v4;
	v5 =	vadd.f32 v18, v5;
	v4 =	vld [tilespmem:s24+$0xFFFFFF70]  }
.Ltmp5:
0x17f: {  	v11 =	vadd.f32 v11, v6;
	v8 =	vadd.f32 v13, v8;
	v6 =	vld [tilespmem:s24+$0xFFFFFF80];
	(pc) =	sbr.rel @p0 .LBB2_9-.Ltmp5, $4  }
0x180: {  	v13 =	vadd.f32 v19, v15;
	v15 =	vadd.f32 v16, v5;
	v5 =	vld [tilespmem:s24+$0xFFFFFFB0]  }
0x181: {  	v16 =	vadd.f32 v7, v11;
	v18 =	vadd.f32 v10, v8;
	v8 =	vld [tilespmem:s24+$0xFFFFFFC0]  }
0x182: {  	v11 =	vadd.f32 v17, v13;
	v10 =	vadd.f32 v14, v15;
	v7 =	vld [tilespmem:s24+$0xFFFFFFF0]  }
0x183: {  	v13 =	vadd.f32 v12, v16;
	v12 =	vadd.f32 v9, v18;
	v9 =	vld [tilespmem:s24+$0x0];
	s24 =	sadd.s32 $0x280, s24  }
0x184: {  	_ = 	snop  }
0x185: {  	v4 =	vadd.f32 v4, v11;
	v2 =	vadd.f32 v2, v13  }
0x186: {  	v6 =	vadd.f32 v6, v10;
	v3 =	vadd.f32 v3, v12  }
0x187: {  	v4 =	vadd.f32 v5, v4;
	v0 =	vadd.f32 v0, v2  }
0x188: {  	v2 =	vadd.f32 v8, v6;
	v1 =	vadd.f32 v1, v3  }
0x189: {  	v3 =	vadd.f32 v7, v4;
	v0 =	vmul.f32 $1.999999960e-02, v0  }
0x18a: {  	p0 =	seq.s32 s21, $0x1F;
	v2 =	vadd.f32 v9, v2;
	v1 =	vmul.f32 $1.999999960e-02, v1  }
0x18b: {  	s23 =	smul.u32 @!p0 $0xC80, s21;
	[tilespmem:s22+$0x12CC0] =	vst v0;
	v0 =	vmul.f32 $1.999999960e-02, v3  }
0x18c: {  	[tilespmem:s22+$0x12CD0] =	vst v1;
	v1 =	vmul.f32 $1.999999960e-02, v2  }
0x18d: {  	s23 =	sshra.s32 @!p0 s23, $0x2;
	[tilespmem:s22+$0x12CE0] =	vst v0  }
0x18e: {  	s25 =	simm.s32 @!p0 $0xC8;
	s26 =	simm.s32 @!p0 $0x6400;
	s24 =	sadd.s32 @!p0 $0x320, s23;
	[tilespmem:s22+$0x12CF0] =	vst v1  }
0x18f: {  	[tilespmem:s26], [sflag:$0x1] =	stream.indirect.gather @!p0 [hbm4b:s3+s25], $0x40, s24, s25, $0xb8;
	[tilespmem:$0x1AC00] =	vst v63  }
0x190: {  	_ =	swait.ge [sflag:s16], $0x3200  }
0x191: {  	[sflag:s16] =	ssyncset.done $0x0  }
0x192: {  	s31 =	simm.s32 $0x9740;
	[sflag:s16] =	ssyncadd.s32 $0xFFFFCE00  }
0x193: {  	v0 =	vld [tilespmem:s31+$0x100]  }
0x194: {  	v1 =	vld [tilespmem:s31+$0x110]  }
0x195: {  	v2 =	vld [tilespmem:s31+$0xC0]  }
0x196: {  	v3 =	vld [tilespmem:s31+$0xD0]  }
0x197: {  	v9 =	vld [tilespmem:s31+$0x80]  }
0x198: {  	v12 =	vld [tilespmem:s31+$0x90]  }
0x199: {  	v7 =	vld [tilespmem:s31+$0x40]  }
0x19a: {  	v8 =	vld [tilespmem:s31+$0x50]  }
0x19b: {  	v5 =	vld [tilespmem:s31+$0x0]  }
0x19c: {  	v6 =	vld [tilespmem:s31+$0x10]  }
0x19d: {  	v4 =	vld [tilespmem:s31+$0xFFFFFFC0]  }
0x19e: {  	v10 =	vld [tilespmem:s31+$0xFFFFFFD0]  }
0x19f: {  	v11 =	vld [tilespmem:s31+$0xFFFFFF80]  }
0x1a0: {  	v13 =	vld [tilespmem:s31+$0xFFFFFF90]  }
0x1a1: {  	v14 =	vld [tilespmem:s31+$0xFFFFFF40]  }
0x1a2: {  	v15 =	vld [tilespmem:s31+$0xFFFFFF50]  }
0x1a3: {  	v16 =	vld [tilespmem:s31+$0xFFFFFF00]  }
0x1a4: {  	v17 =	vld [tilespmem:s31+$0xFFFFFF10]  }
0x1a5: {  	v18 =	vld [tilespmem:s31+$0xFFFFFEC0]  }
0x1a6: {  	v19 =	vld [tilespmem:s31+$0xFFFFFED0]  }
0x1a7: {  	v20 =	vld [tilespmem:s31+$0xFFFFFEE0]  }
0x1a8: {  	v21 =	vld [tilespmem:s31+$0xFFFFFEF0]  }
0x1a9: {  	v22 =	vld [tilespmem:s31+$0xFFFFFF20]  }
0x1aa: {  	v23 =	vld [tilespmem:s31+$0xFFFFFF30]  }
0x1ab: {  	v24 =	vimm.f32 $0.0e+00;
	v25 =	vld [tilespmem:s31+$0xFFFFFF60]  }
0x1ac: {  	v26 =	vld [tilespmem:s31+$0xFFFFFF70];
	v18 =	vadd.f32 v18, v24;
	v19 =	vadd.f32 v19, v24  }
0x1ad: {  	v51 =	vld [tilespmem:s31+$0xFFFFFFA0];
	v20 =	vadd.f32 v20, v24;
	v21 =	vadd.f32 v21, v24  }
0x1ae: {  	v52 =	vld [tilespmem:s31+$0xFFFFFFB0];
	v16 =	vadd.f32 v16, v18;
	v17 =	vadd.f32 v17, v19  }
0x1af: {  	v55 =	vld [tilespmem:s31+$0xFFFFFFE0];
	v53 =	vadd.f32 v22, v20;
	v54 =	vadd.f32 v23, v21  }
0x1b0: {  	v56 =	vld [tilespmem:s31+$0xFFFFFFF0];
	v14 =	vadd.f32 v14, v16;
	v15 =	vadd.f32 v15, v17  }
0x1b1: {  	v59 =	vld [tilespmem:s31+$0x20];
	v57 =	vadd.f32 v25, v53;
	v58 =	vadd.f32 v26, v54  }
0x1b2: {  	v11 =	vadd.f32 v11, v14;
	v13 =	vadd.f32 v13, v15;
	v14 =	vld [tilespmem:s31+$0x30]  }
0x1b3: {  	v61 =	vld [tilespmem:s31+$0x60];
	v15 =	vadd.f32 v51, v57;
	v60 =	vadd.f32 v52, v58  }
0x1b4: {  	v11 =	vadd.f32 v4, v11;
	v10 =	vadd.f32 v10, v13;
	v13 =	vld [tilespmem:s31+$0x70]  }
0x1b5: {  	v15 =	vadd.f32 v55, v15;
	v16 =	vadd.f32 v56, v60;
	v4 =	vld [tilespmem:s31+$0xA0]  }
0x1b6: {  	v11 =	vadd.f32 v5, v11;
	v10 =	vadd.f32 v6, v10;
	v6 =	vld [tilespmem:s31+$0xB0]  }
0x1b7: {  	v15 =	vadd.f32 v59, v15;
	v5 =	vld [tilespmem:s31+$0xE0];
	v14 =	vadd.f32 v14, v16  }
0x1b8: {  	v62 =	vadd.f32 v7, v11;
	v63 =	vadd.f32 v8, v10;
	v8 =	vld [tilespmem:s31+$0xF0]  }
0x1b9: {  	v11 =	vadd.f32 v61, v15;
	v7 =	vld [tilespmem:s31+$0x120];
	v10 =	vadd.f32 v13, v14  }
0x1ba: {  	s24 =	simm.s32 $0x0;
	s25 =	simm.s32 $0x99C0;
	v13 =	vadd.f32 v9, v62;
	v12 =	vadd.f32 v12, v63;
	v9 =	vld [tilespmem:s31+$0x130]  }
.LBB2_11:
0x1bb: {  	v14 =	vld [tilespmem:s25+$0x100];
	v4 =	vadd.f32 v4, v11;
	v6 =	vadd.f32 v6, v10  }
0x1bc: {  	v10 =	vld [tilespmem:s25+$0x110];
	v11 =	vadd.f32 v2, v13;
	v12 =	vadd.f32 v3, v12  }
0x1bd: {  	v2 =	vld [tilespmem:s25+$0xC0];
	v4 =	vadd.f32 v5, v4;
	v5 =	vadd.f32 v8, v6  }
0x1be: {  	v3 =	vld [tilespmem:s25+$0xD0];
	v6 =	vadd.f32 v0, v11;
	v8 =	vadd.f32 v1, v12  }
0x1bf: {  	v12 =	vld [tilespmem:s25+$0x80];
	v4 =	vadd.f32 v7, v4;
	v5 =	vadd.f32 v9, v5  }
0x1c0: {  	v9 =	vld [tilespmem:s25+$0x90];
	v0 =	vmov v14  }
0x1c1: {  	v7 =	vld [tilespmem:s25+$0x40];
	v1 =	vmov v10  }
0x1c2: {  	v10 =	vld [tilespmem:s25+$0x50]  }
0x1c3: {  	v11 =	vld [tilespmem:s25+$0x0]  }
0x1c4: {  	v13 =	vld [tilespmem:s25+$0x10]  }
0x1c5: {  	v14 =	vld [tilespmem:s25+$0xFFFFFFC0]  }
0x1c6: {  	v15 =	vld [tilespmem:s25+$0xFFFFFFD0]  }
0x1c7: {  	v16 =	vld [tilespmem:s25+$0xFFFFFF80]  }
0x1c8: {  	v17 =	vld [tilespmem:s25+$0xFFFFFF90]  }
0x1c9: {  	v18 =	vld [tilespmem:s25+$0xFFFFFF40]  }
0x1ca: {  	v19 =	vld [tilespmem:s25+$0xFFFFFF50]  }
0x1cb: {  	v20 =	vld [tilespmem:s25+$0xFFFFFF00]  }
0x1cc: {  	v21 =	vld [tilespmem:s25+$0xFFFFFF10]  }
0x1cd: {  	v22 =	vld [tilespmem:s25+$0xFFFFFEC0]  }
0x1ce: {  	v23 =	vld [tilespmem:s25+$0xFFFFFED0]  }
0x1cf: {  	v24 =	vld [tilespmem:s25+$0xFFFFFEE0]  }
0x1d0: {  	s24 =	sadd.s32 $0xA, s24;
	v25 =	vld [tilespmem:s25+$0xFFFFFEF0]  }
0x1d1: {  	p1 =	slt.u32 s24, $0x28;
	v26 =	vld [tilespmem:s25+$0xFFFFFF20]  }
0x1d2: {  	v27 =	vld [tilespmem:s25+$0xFFFFFF30]  }
0x1d3: {  	v28 =	vld [tilespmem:s25+$0xFFFFFF60]  }
0x1d4: {  	v6 =	vadd.f32 v22, v6;
	v8 =	vadd.f32 v23, v8;
	v22 =	vld [tilespmem:s25+$0xFFFFFF70]  }
0x1d5: {  	v4 =	vadd.f32 v24, v4;
	v5 =	vadd.f32 v25, v5;
	v23 =	vld [tilespmem:s25+$0xFFFFFFA0]  }
0x1d6: {  	v6 =	vadd.f32 v20, v6;
	v8 =	vadd.f32 v21, v8;
	v20 =	vld [tilespmem:s25+$0xFFFFFFB0]  }
0x1d7: {  	v4 =	vadd.f32 v26, v4;
	v5 =	vadd.f32 v27, v5;
	v21 =	vld [tilespmem:s25+$0xFFFFFFE0]  }
0x1d8: {  	v6 =	vadd.f32 v18, v6;
	v8 =	vadd.f32 v19, v8;
	v18 =	vld [tilespmem:s25+$0xFFFFFFF0]  }
0x1d9: {  	v4 =	vadd.f32 v28, v4;
	v5 =	vadd.f32 v22, v5;
	v19 =	vld [tilespmem:s25+$0x20]  }
0x1da: {  	v6 =	vadd.f32 v16, v6;
	v8 =	vadd.f32 v17, v8;
	v16 =	vld [tilespmem:s25+$0x30]  }
0x1db: {  	v4 =	vadd.f32 v23, v4;
	v5 =	vadd.f32 v20, v5;
	v17 =	vld [tilespmem:s25+$0x60]  }
0x1dc: {  	v6 =	vadd.f32 v14, v6;
	v8 =	vadd.f32 v15, v8;
	v14 =	vld [tilespmem:s25+$0x70]  }
0x1dd: {  	v15 =	vadd.f32 v21, v4;
	v5 =	vadd.f32 v18, v5;
	v4 =	vld [tilespmem:s25+$0xA0]  }
.Ltmp6:
0x1de: {  	v11 =	vadd.f32 v11, v6;
	v8 =	vadd.f32 v13, v8;
	v6 =	vld [tilespmem:s25+$0xB0];
	(pc) =	sbr.rel @p1 .LBB2_11-.Ltmp6, $4  }
0x1df: {  	v13 =	vadd.f32 v19, v15;
	v15 =	vadd.f32 v16, v5;
	v5 =	vld [tilespmem:s25+$0xE0]  }
0x1e0: {  	v16 =	vadd.f32 v7, v11;
	v18 =	vadd.f32 v10, v8;
	v8 =	vld [tilespmem:s25+$0xF0]  }
0x1e1: {  	v11 =	vadd.f32 v17, v13;
	v10 =	vadd.f32 v14, v15;
	v7 =	vld [tilespmem:s25+$0x120]  }
0x1e2: {  	v13 =	vadd.f32 v12, v16;
	v12 =	vadd.f32 v9, v18;
	v9 =	vld [tilespmem:s25+$0x130];
	s25 =	sadd.s32 $0x280, s25  }
0x1e3: {  	_ = 	snop  }
0x1e4: {  	v4 =	vadd.f32 v4, v11;
	v2 =	vadd.f32 v2, v13  }
0x1e5: {  	v6 =	vadd.f32 v6, v10;
	v3 =	vadd.f32 v3, v12  }
0x1e6: {  	v4 =	vadd.f32 v5, v4;
	v0 =	vadd.f32 v0, v2  }
0x1e7: {  	v2 =	vadd.f32 v8, v6;
	v1 =	vadd.f32 v1, v3  }
0x1e8: {  	v3 =	vadd.f32 v7, v4;
	v0 =	vmul.f32 $1.999999960e-02, v0  }
0x1e9: {  	v2 =	vadd.f32 v9, v2;
	v1 =	vmul.f32 $1.999999960e-02, v1  }
0x1ea: {  	[tilespmem:s22+$0x12D00] =	vst v0;
	v0 =	vmul.f32 $1.999999960e-02, v3  }
0x1eb: {  	[tilespmem:s22+$0x12D10] =	vst v1;
	v1 =	vmul.f32 $1.999999960e-02, v2  }
0x1ec: {  	[tilespmem:s22+$0x12D20] =	vst v0  }
0x1ed: {  	s25 =	simm.s32 $0xA4F0;
	[tilespmem:s22+$0x12D30] =	vst v1  }
0x1ee: {  	v0 =	vld [tilespmem:s25+$0xFFFFFFD0]  }
0x1ef: {  	v1 =	vld [tilespmem:s25+$0xFFFFFFE0]  }
0x1f0: {  	v2 =	vld [tilespmem:s25+$0xFFFFFF90]  }
0x1f1: {  	v3 =	vld [tilespmem:s25+$0xFFFFFFA0]  }
0x1f2: {  	v9 =	vld [tilespmem:s25+$0xFFFFFF50]  }
0x1f3: {  	v12 =	vld [tilespmem:s25+$0xFFFFFF60]  }
0x1f4: {  	v7 =	vld [tilespmem:s25+$0xFFFFFF10]  }
0x1f5: {  	v8 =	vld [tilespmem:s25+$0xFFFFFF20]  }
0x1f6: {  	v5 =	vld [tilespmem:s25+$0xFFFFFED0]  }
0x1f7: {  	v6 =	vld [tilespmem:s25+$0xFFFFFEE0]  }
0x1f8: {  	v4 =	vld [tilespmem:s25+$0xFFFFFE90]  }
0x1f9: {  	v10 =	vld [tilespmem:s25+$0xFFFFFEA0]  }
0x1fa: {  	v11 =	vld [tilespmem:s25+$0xFFFFFE50]  }
0x1fb: {  	v13 =	vld [tilespmem:s25+$0xFFFFFE60]  }
0x1fc: {  	v14 =	vld [tilespmem:s25+$0xFFFFFE10]  }
0x1fd: {  	v15 =	vld [tilespmem:s25+$0xFFFFFE20]  }
0x1fe: {  	v16 =	vld [tilespmem:s25+$0xFFFFFDD0]  }
0x1ff: {  	v17 =	vld [tilespmem:s25+$0xFFFFFDE0]  }
0x200: {  	v18 =	vld [tilespmem:s25+$0xFFFFFD90]  }
0x201: {  	v19 =	vld [tilespmem:s25+$0xFFFFFDA0]  }
0x202: {  	v20 =	vld [tilespmem:s25+$0xFFFFFDB0]  }
0x203: {  	v21 =	vld [tilespmem:s25+$0xFFFFFDC0]  }
0x204: {  	v22 =	vld [tilespmem:s25+$0xFFFFFDF0]  }
0x205: {  	v23 =	vld [tilespmem:s25+$0xFFFFFE00]  }
0x206: {  	v24 =	vimm.f32 $0.0e+00;
	v25 =	vld [tilespmem:s25+$0xFFFFFE30]  }
0x207: {  	v26 =	vld [tilespmem:s25+$0xFFFFFE40];
	v18 =	vadd.f32 v18, v24;
	v19 =	vadd.f32 v19, v24  }
0x208: {  	v51 =	vld [tilespmem:s25+$0xFFFFFE70];
	v20 =	vadd.f32 v20, v24;
	v21 =	vadd.f32 v21, v24  }
0x209: {  	v52 =	vld [tilespmem:s25+$0xFFFFFE80];
	v16 =	vadd.f32 v16, v18;
	v17 =	vadd.f32 v17, v19  }
0x20a: {  	v55 =	vld [tilespmem:s25+$0xFFFFFEB0];
	v53 =	vadd.f32 v22, v20;
	v54 =	vadd.f32 v23, v21  }
0x20b: {  	v56 =	vld [tilespmem:s25+$0xFFFFFEC0];
	v14 =	vadd.f32 v14, v16;
	v15 =	vadd.f32 v15, v17  }
0x20c: {  	v59 =	vld [tilespmem:s25+$0xFFFFFEF0];
	v57 =	vadd.f32 v25, v53;
	v58 =	vadd.f32 v26, v54  }
0x20d: {  	v11 =	vadd.f32 v11, v14;
	v13 =	vadd.f32 v13, v15;
	v14 =	vld [tilespmem:s25+$0xFFFFFF00]  }
0x20e: {  	v61 =	vld [tilespmem:s25+$0xFFFFFF30];
	v15 =	vadd.f32 v51, v57;
	v60 =	vadd.f32 v52, v58  }
0x20f: {  	v11 =	vadd.f32 v4, v11;
	v10 =	vadd.f32 v10, v13;
	v13 =	vld [tilespmem:s25+$0xFFFFFF40]  }
0x210: {  	v15 =	vadd.f32 v55, v15;
	v16 =	vadd.f32 v56, v60;
	v4 =	vld [tilespmem:s25+$0xFFFFFF70]  }
0x211: {  	v11 =	vadd.f32 v5, v11;
	v10 =	vadd.f32 v6, v10;
	v6 =	vld [tilespmem:s25+$0xFFFFFF80]  }
0x212: {  	v15 =	vadd.f32 v59, v15;
	v5 =	vld [tilespmem:s25+$0xFFFFFFB0];
	v14 =	vadd.f32 v14, v16  }
0x213: {  	v62 =	vadd.f32 v7, v11;
	v63 =	vadd.f32 v8, v10;
	v8 =	vld [tilespmem:s25+$0xFFFFFFC0]  }
0x214: {  	v11 =	vadd.f32 v61, v15;
	v7 =	vld [tilespmem:s25+$0xFFFFFFF0];
	v10 =	vadd.f32 v13, v14  }
0x215: {  	s24 =	simm.s32 $0x0;
	v13 =	vadd.f32 v9, v62;
	v12 =	vadd.f32 v12, v63;
	v9 =	vld [tilespmem:s25+$0x0];
	s25 =	simm.s32 $0xA770  }
.LBB2_13:
0x216: {  	v14 =	vld [tilespmem:s25+$0xFFFFFFD0];
	v4 =	vadd.f32 v4, v11;
	v6 =	vadd.f32 v6, v10  }
0x217: {  	v10 =	vld [tilespmem:s25+$0xFFFFFFE0];
	v11 =	vadd.f32 v2, v13;
	v12 =	vadd.f32 v3, v12  }
0x218: {  	v2 =	vld [tilespmem:s25+$0xFFFFFF90];
	v4 =	vadd.f32 v5, v4;
	v5 =	vadd.f32 v8, v6  }
0x219: {  	v3 =	vld [tilespmem:s25+$0xFFFFFFA0];
	v6 =	vadd.f32 v0, v11;
	v8 =	vadd.f32 v1, v12  }
0x21a: {  	v12 =	vld [tilespmem:s25+$0xFFFFFF50];
	v4 =	vadd.f32 v7, v4;
	v5 =	vadd.f32 v9, v5  }
0x21b: {  	v9 =	vld [tilespmem:s25+$0xFFFFFF60];
	v0 =	vmov v14  }
0x21c: {  	v7 =	vld [tilespmem:s25+$0xFFFFFF10];
	v1 =	vmov v10  }
0x21d: {  	v10 =	vld [tilespmem:s25+$0xFFFFFF20]  }
0x21e: {  	v11 =	vld [tilespmem:s25+$0xFFFFFED0]  }
0x21f: {  	v13 =	vld [tilespmem:s25+$0xFFFFFEE0]  }
0x220: {  	v14 =	vld [tilespmem:s25+$0xFFFFFE90]  }
0x221: {  	v15 =	vld [tilespmem:s25+$0xFFFFFEA0]  }
0x222: {  	v16 =	vld [tilespmem:s25+$0xFFFFFE50]  }
0x223: {  	v17 =	vld [tilespmem:s25+$0xFFFFFE60]  }
0x224: {  	v18 =	vld [tilespmem:s25+$0xFFFFFE10]  }
0x225: {  	v19 =	vld [tilespmem:s25+$0xFFFFFE20]  }
0x226: {  	v20 =	vld [tilespmem:s25+$0xFFFFFDD0]  }
0x227: {  	v21 =	vld [tilespmem:s25+$0xFFFFFDE0]  }
0x228: {  	v22 =	vld [tilespmem:s25+$0xFFFFFD90]  }
0x229: {  	v23 =	vld [tilespmem:s25+$0xFFFFFDA0]  }
0x22a: {  	v24 =	vld [tilespmem:s25+$0xFFFFFDB0]  }
0x22b: {  	s24 =	sadd.s32 $0xA, s24;
	v25 =	vld [tilespmem:s25+$0xFFFFFDC0]  }
0x22c: {  	p1 =	slt.u32 s24, $0x28;
	v26 =	vld [tilespmem:s25+$0xFFFFFDF0]  }
0x22d: {  	v27 =	vld [tilespmem:s25+$0xFFFFFE00]  }
0x22e: {  	v28 =	vld [tilespmem:s25+$0xFFFFFE30]  }
0x22f: {  	v6 =	vadd.f32 v22, v6;
	v8 =	vadd.f32 v23, v8;
	v22 =	vld [tilespmem:s25+$0xFFFFFE40]  }
0x230: {  	v4 =	vadd.f32 v24, v4;
	v5 =	vadd.f32 v25, v5;
	v23 =	vld [tilespmem:s25+$0xFFFFFE70]  }
0x231: {  	v6 =	vadd.f32 v20, v6;
	v8 =	vadd.f32 v21, v8;
	v20 =	vld [tilespmem:s25+$0xFFFFFE80]  }
0x232: {  	v4 =	vadd.f32 v26, v4;
	v5 =	vadd.f32 v27, v5;
	v21 =	vld [tilespmem:s25+$0xFFFFFEB0]  }
0x233: {  	v6 =	vadd.f32 v18, v6;
	v8 =	vadd.f32 v19, v8;
	v18 =	vld [tilespmem:s25+$0xFFFFFEC0]  }
0x234: {  	v4 =	vadd.f32 v28, v4;
	v5 =	vadd.f32 v22, v5;
	v19 =	vld [tilespmem:s25+$0xFFFFFEF0]  }
0x235: {  	v6 =	vadd.f32 v16, v6;
	v8 =	vadd.f32 v17, v8;
	v16 =	vld [tilespmem:s25+$0xFFFFFF00]  }
0x236: {  	v4 =	vadd.f32 v23, v4;
	v5 =	vadd.f32 v20, v5;
	v17 =	vld [tilespmem:s25+$0xFFFFFF30]  }
0x237: {  	v6 =	vadd.f32 v14, v6;
	v8 =	vadd.f32 v15, v8;
	v14 =	vld [tilespmem:s25+$0xFFFFFF40]  }
0x238: {  	v15 =	vadd.f32 v21, v4;
	v5 =	vadd.f32 v18, v5;
	v4 =	vld [tilespmem:s25+$0xFFFFFF70]  }
.Ltmp7:
0x239: {  	v11 =	vadd.f32 v11, v6;
	v8 =	vadd.f32 v13, v8;
	v6 =	vld [tilespmem:s25+$0xFFFFFF80];
	(pc) =	sbr.rel @p1 .LBB2_13-.Ltmp7, $4  }
0x23a: {  	v13 =	vadd.f32 v19, v15;
	v15 =	vadd.f32 v16, v5;
	v5 =	vld [tilespmem:s25+$0xFFFFFFB0]  }
0x23b: {  	v16 =	vadd.f32 v7, v11;
	v18 =	vadd.f32 v10, v8;
	v8 =	vld [tilespmem:s25+$0xFFFFFFC0]  }
0x23c: {  	v11 =	vadd.f32 v17, v13;
	v10 =	vadd.f32 v14, v15;
	v7 =	vld [tilespmem:s25+$0xFFFFFFF0]  }
0x23d: {  	v13 =	vadd.f32 v12, v16;
	v12 =	vadd.f32 v9, v18;
	v9 =	vld [tilespmem:s25+$0x0];
	s25 =	sadd.s32 $0x280, s25  }
0x23e: {  	_ = 	snop  }
0x23f: {  	v4 =	vadd.f32 v4, v11;
	v2 =	vadd.f32 v2, v13  }
0x240: {  	v6 =	vadd.f32 v6, v10;
	v3 =	vadd.f32 v3, v12  }
0x241: {  	v4 =	vadd.f32 v5, v4;
	v0 =	vadd.f32 v0, v2  }
0x242: {  	v2 =	vadd.f32 v8, v6;
	v1 =	vadd.f32 v1, v3  }
0x243: {  	v3 =	vadd.f32 v7, v4;
	v0 =	vmul.f32 $1.999999960e-02, v0  }
0x244: {  	v2 =	vadd.f32 v9, v2;
	v1 =	vmul.f32 $1.999999960e-02, v1  }
0x245: {  	[tilespmem:s22+$0x12D40] =	vst v0;
	v0 =	vmul.f32 $1.999999960e-02, v3  }
0x246: {  	[tilespmem:s22+$0x12D50] =	vst v1;
	v1 =	vmul.f32 $1.999999960e-02, v2  }
0x247: {  	[tilespmem:s22+$0x12D60] =	vst v0  }
0x248: {  	s25 =	simm.s32 $0xB170;
	[tilespmem:s22+$0x12D70] =	vst v1  }
0x249: {  	v0 =	vld [tilespmem:s25+$0xFFFFFFD0]  }
0x24a: {  	v1 =	vld [tilespmem:s25+$0xFFFFFFE0]  }
0x24b: {  	v2 =	vld [tilespmem:s25+$0xFFFFFF90]  }
0x24c: {  	v3 =	vld [tilespmem:s25+$0xFFFFFFA0]  }
0x24d: {  	v9 =	vld [tilespmem:s25+$0xFFFFFF50]  }
0x24e: {  	v12 =	vld [tilespmem:s25+$0xFFFFFF60]  }
0x24f: {  	v7 =	vld [tilespmem:s25+$0xFFFFFF10]  }
0x250: {  	v8 =	vld [tilespmem:s25+$0xFFFFFF20]  }
0x251: {  	v5 =	vld [tilespmem:s25+$0xFFFFFED0]  }
0x252: {  	v6 =	vld [tilespmem:s25+$0xFFFFFEE0]  }
0x253: {  	v4 =	vld [tilespmem:s25+$0xFFFFFE90]  }
0x254: {  	v10 =	vld [tilespmem:s25+$0xFFFFFEA0]  }
0x255: {  	v11 =	vld [tilespmem:s25+$0xFFFFFE50]  }
0x256: {  	v13 =	vld [tilespmem:s25+$0xFFFFFE60]  }
0x257: {  	v14 =	vld [tilespmem:s25+$0xFFFFFE10]  }
0x258: {  	v15 =	vld [tilespmem:s25+$0xFFFFFE20]  }
0x259: {  	v16 =	vld [tilespmem:s25+$0xFFFFFDD0]  }
0x25a: {  	v17 =	vld [tilespmem:s25+$0xFFFFFDE0]  }
0x25b: {  	v18 =	vld [tilespmem:s25+$0xFFFFFD90]  }
0x25c: {  	v19 =	vld [tilespmem:s25+$0xFFFFFDA0]  }
0x25d: {  	v20 =	vld [tilespmem:s25+$0xFFFFFDB0]  }
0x25e: {  	v21 =	vld [tilespmem:s25+$0xFFFFFDC0]  }
0x25f: {  	v22 =	vld [tilespmem:s25+$0xFFFFFDF0]  }
0x260: {  	v23 =	vld [tilespmem:s25+$0xFFFFFE00]  }
0x261: {  	v24 =	vimm.f32 $0.0e+00;
	v25 =	vld [tilespmem:s25+$0xFFFFFE30]  }
0x262: {  	v26 =	vld [tilespmem:s25+$0xFFFFFE40];
	v18 =	vadd.f32 v18, v24;
	v19 =	vadd.f32 v19, v24  }
0x263: {  	v51 =	vld [tilespmem:s25+$0xFFFFFE70];
	v20 =	vadd.f32 v20, v24;
	v21 =	vadd.f32 v21, v24  }
0x264: {  	v52 =	vld [tilespmem:s25+$0xFFFFFE80];
	v16 =	vadd.f32 v16, v18;
	v17 =	vadd.f32 v17, v19  }
0x265: {  	v55 =	vld [tilespmem:s25+$0xFFFFFEB0];
	v53 =	vadd.f32 v22, v20;
	v54 =	vadd.f32 v23, v21  }
0x266: {  	v56 =	vld [tilespmem:s25+$0xFFFFFEC0];
	v14 =	vadd.f32 v14, v16;
	v15 =	vadd.f32 v15, v17  }
0x267: {  	v59 =	vld [tilespmem:s25+$0xFFFFFEF0];
	v57 =	vadd.f32 v25, v53;
	v58 =	vadd.f32 v26, v54  }
0x268: {  	v11 =	vadd.f32 v11, v14;
	v13 =	vadd.f32 v13, v15;
	v14 =	vld [tilespmem:s25+$0xFFFFFF00]  }
0x269: {  	v61 =	vld [tilespmem:s25+$0xFFFFFF30];
	v15 =	vadd.f32 v51, v57;
	v60 =	vadd.f32 v52, v58  }
0x26a: {  	v11 =	vadd.f32 v4, v11;
	v10 =	vadd.f32 v10, v13;
	v13 =	vld [tilespmem:s25+$0xFFFFFF40]  }
0x26b: {  	v15 =	vadd.f32 v55, v15;
	v16 =	vadd.f32 v56, v60;
	v4 =	vld [tilespmem:s25+$0xFFFFFF70]  }
0x26c: {  	v11 =	vadd.f32 v5, v11;
	v10 =	vadd.f32 v6, v10;
	v6 =	vld [tilespmem:s25+$0xFFFFFF80]  }
0x26d: {  	v15 =	vadd.f32 v59, v15;
	v5 =	vld [tilespmem:s25+$0xFFFFFFB0];
	v14 =	vadd.f32 v14, v16  }
0x26e: {  	v62 =	vadd.f32 v7, v11;
	v63 =	vadd.f32 v8, v10;
	v8 =	vld [tilespmem:s25+$0xFFFFFFC0]  }
0x26f: {  	v11 =	vadd.f32 v61, v15;
	v7 =	vld [tilespmem:s25+$0xFFFFFFF0];
	v10 =	vadd.f32 v13, v14  }
0x270: {  	s24 =	simm.s32 $0x0;
	v13 =	vadd.f32 v9, v62;
	v12 =	vadd.f32 v12, v63;
	v9 =	vld [tilespmem:s25+$0x0];
	s25 =	simm.s32 $0xB3F0  }
.LBB2_15:
0x271: {  	v14 =	vld [tilespmem:s25+$0xFFFFFFD0];
	v4 =	vadd.f32 v4, v11;
	v6 =	vadd.f32 v6, v10  }
0x272: {  	v10 =	vld [tilespmem:s25+$0xFFFFFFE0];
	v11 =	vadd.f32 v2, v13;
	v12 =	vadd.f32 v3, v12  }
0x273: {  	v2 =	vld [tilespmem:s25+$0xFFFFFF90];
	v4 =	vadd.f32 v5, v4;
	v5 =	vadd.f32 v8, v6  }
0x274: {  	v3 =	vld [tilespmem:s25+$0xFFFFFFA0];
	v6 =	vadd.f32 v0, v11;
	v8 =	vadd.f32 v1, v12  }
0x275: {  	v12 =	vld [tilespmem:s25+$0xFFFFFF50];
	v4 =	vadd.f32 v7, v4;
	v5 =	vadd.f32 v9, v5  }
0x276: {  	v9 =	vld [tilespmem:s25+$0xFFFFFF60];
	v0 =	vmov v14  }
0x277: {  	v7 =	vld [tilespmem:s25+$0xFFFFFF10];
	v1 =	vmov v10  }
0x278: {  	v10 =	vld [tilespmem:s25+$0xFFFFFF20]  }
0x279: {  	v11 =	vld [tilespmem:s25+$0xFFFFFED0]  }
0x27a: {  	v13 =	vld [tilespmem:s25+$0xFFFFFEE0]  }
0x27b: {  	v14 =	vld [tilespmem:s25+$0xFFFFFE90]  }
0x27c: {  	v15 =	vld [tilespmem:s25+$0xFFFFFEA0]  }
0x27d: {  	v16 =	vld [tilespmem:s25+$0xFFFFFE50]  }
0x27e: {  	v17 =	vld [tilespmem:s25+$0xFFFFFE60]  }
0x27f: {  	v18 =	vld [tilespmem:s25+$0xFFFFFE10]  }
0x280: {  	v19 =	vld [tilespmem:s25+$0xFFFFFE20]  }
0x281: {  	v20 =	vld [tilespmem:s25+$0xFFFFFDD0]  }
0x282: {  	v21 =	vld [tilespmem:s25+$0xFFFFFDE0]  }
0x283: {  	v22 =	vld [tilespmem:s25+$0xFFFFFD90]  }
0x284: {  	v23 =	vld [tilespmem:s25+$0xFFFFFDA0]  }
0x285: {  	v24 =	vld [tilespmem:s25+$0xFFFFFDB0]  }
0x286: {  	s24 =	sadd.s32 $0xA, s24;
	v25 =	vld [tilespmem:s25+$0xFFFFFDC0]  }
0x287: {  	p1 =	slt.u32 s24, $0x28;
	v26 =	vld [tilespmem:s25+$0xFFFFFDF0]  }
0x288: {  	v27 =	vld [tilespmem:s25+$0xFFFFFE00]  }
0x289: {  	v28 =	vld [tilespmem:s25+$0xFFFFFE30]  }
0x28a: {  	v6 =	vadd.f32 v22, v6;
	v8 =	vadd.f32 v23, v8;
	v22 =	vld [tilespmem:s25+$0xFFFFFE40]  }
0x28b: {  	v4 =	vadd.f32 v24, v4;
	v5 =	vadd.f32 v25, v5;
	v23 =	vld [tilespmem:s25+$0xFFFFFE70]  }
0x28c: {  	v6 =	vadd.f32 v20, v6;
	v8 =	vadd.f32 v21, v8;
	v20 =	vld [tilespmem:s25+$0xFFFFFE80]  }
0x28d: {  	v4 =	vadd.f32 v26, v4;
	v5 =	vadd.f32 v27, v5;
	v21 =	vld [tilespmem:s25+$0xFFFFFEB0]  }
0x28e: {  	v6 =	vadd.f32 v18, v6;
	v8 =	vadd.f32 v19, v8;
	v18 =	vld [tilespmem:s25+$0xFFFFFEC0]  }
0x28f: {  	v4 =	vadd.f32 v28, v4;
	v5 =	vadd.f32 v22, v5;
	v19 =	vld [tilespmem:s25+$0xFFFFFEF0]  }
0x290: {  	v6 =	vadd.f32 v16, v6;
	v8 =	vadd.f32 v17, v8;
	v16 =	vld [tilespmem:s25+$0xFFFFFF00]  }
0x291: {  	v4 =	vadd.f32 v23, v4;
	v5 =	vadd.f32 v20, v5;
	v17 =	vld [tilespmem:s25+$0xFFFFFF30]  }
0x292: {  	v6 =	vadd.f32 v14, v6;
	v8 =	vadd.f32 v15, v8;
	v14 =	vld [tilespmem:s25+$0xFFFFFF40]  }
0x293: {  	v15 =	vadd.f32 v21, v4;
	v5 =	vadd.f32 v18, v5;
	v4 =	vld [tilespmem:s25+$0xFFFFFF70]  }
.Ltmp8:
0x294: {  	v11 =	vadd.f32 v11, v6;
	v8 =	vadd.f32 v13, v8;
	v6 =	vld [tilespmem:s25+$0xFFFFFF80];
	(pc) =	sbr.rel @p1 .LBB2_15-.Ltmp8, $4  }
0x295: {  	v13 =	vadd.f32 v19, v15;
	v15 =	vadd.f32 v16, v5;
	v5 =	vld [tilespmem:s25+$0xFFFFFFB0]  }
0x296: {  	v16 =	vadd.f32 v7, v11;
	v18 =	vadd.f32 v10, v8;
	v8 =	vld [tilespmem:s25+$0xFFFFFFC0]  }
0x297: {  	v11 =	vadd.f32 v17, v13;
	v10 =	vadd.f32 v14, v15;
	v7 =	vld [tilespmem:s25+$0xFFFFFFF0]  }
0x298: {  	v13 =	vadd.f32 v12, v16;
	v12 =	vadd.f32 v9, v18;
	v9 =	vld [tilespmem:s25+$0x0];
	s25 =	sadd.s32 $0x280, s25  }
0x299: {  	_ = 	snop  }
0x29a: {  	v4 =	vadd.f32 v4, v11;
	v2 =	vadd.f32 v2, v13  }
0x29b: {  	v6 =	vadd.f32 v6, v10;
	v3 =	vadd.f32 v3, v12  }
0x29c: {  	v4 =	vadd.f32 v5, v4;
	v0 =	vadd.f32 v0, v2  }
0x29d: {  	v2 =	vadd.f32 v8, v6;
	v1 =	vadd.f32 v1, v3  }
0x29e: {  	v3 =	vadd.f32 v7, v4;
	v0 =	vmul.f32 $1.999999960e-02, v0  }
0x29f: {  	v2 =	vadd.f32 v9, v2;
	v1 =	vmul.f32 $1.999999960e-02, v1  }
0x2a0: {  	[tilespmem:s22+$0x12D80] =	vst v0;
	v0 =	vmul.f32 $1.999999960e-02, v3  }
0x2a1: {  	[tilespmem:s22+$0x12D90] =	vst v1;
	v1 =	vmul.f32 $1.999999960e-02, v2  }
0x2a2: {  	[tilespmem:s22+$0x12DA0] =	vst v0  }
0x2a3: {  	s25 =	simm.s32 $0xBDF0;
	[tilespmem:s22+$0x12DB0] =	vst v1  }
0x2a4: {  	v0 =	vld [tilespmem:s25+$0xFFFFFFD0]  }
0x2a5: {  	v1 =	vld [tilespmem:s25+$0xFFFFFFE0]  }
0x2a6: {  	v2 =	vld [tilespmem:s25+$0xFFFFFF90]  }
0x2a7: {  	v3 =	vld [tilespmem:s25+$0xFFFFFFA0]  }
0x2a8: {  	v9 =	vld [tilespmem:s25+$0xFFFFFF50]  }
0x2a9: {  	v12 =	vld [tilespmem:s25+$0xFFFFFF60]  }
0x2aa: {  	v7 =	vld [tilespmem:s25+$0xFFFFFF10]  }
0x2ab: {  	v8 =	vld [tilespmem:s25+$0xFFFFFF20]  }
0x2ac: {  	v5 =	vld [tilespmem:s25+$0xFFFFFED0]  }
0x2ad: {  	v6 =	vld [tilespmem:s25+$0xFFFFFEE0]  }
0x2ae: {  	v4 =	vld [tilespmem:s25+$0xFFFFFE90]  }
0x2af: {  	v10 =	vld [tilespmem:s25+$0xFFFFFEA0]  }
0x2b0: {  	v11 =	vld [tilespmem:s25+$0xFFFFFE50]  }
0x2b1: {  	v13 =	vld [tilespmem:s25+$0xFFFFFE60]  }
0x2b2: {  	v14 =	vld [tilespmem:s25+$0xFFFFFE10]  }
0x2b3: {  	v15 =	vld [tilespmem:s25+$0xFFFFFE20]  }
0x2b4: {  	v16 =	vld [tilespmem:s25+$0xFFFFFDD0]  }
0x2b5: {  	v17 =	vld [tilespmem:s25+$0xFFFFFDE0]  }
0x2b6: {  	v18 =	vld [tilespmem:s25+$0xFFFFFD90]  }
0x2b7: {  	v19 =	vld [tilespmem:s25+$0xFFFFFDA0]  }
0x2b8: {  	v20 =	vld [tilespmem:s25+$0xFFFFFDB0]  }
0x2b9: {  	v21 =	vld [tilespmem:s25+$0xFFFFFDC0]  }
0x2ba: {  	v22 =	vld [tilespmem:s25+$0xFFFFFDF0]  }
0x2bb: {  	v23 =	vld [tilespmem:s25+$0xFFFFFE00]  }
0x2bc: {  	v24 =	vimm.f32 $0.0e+00;
	v25 =	vld [tilespmem:s25+$0xFFFFFE30]  }
0x2bd: {  	v26 =	vld [tilespmem:s25+$0xFFFFFE40];
	v18 =	vadd.f32 v18, v24;
	v19 =	vadd.f32 v19, v24  }
0x2be: {  	v51 =	vld [tilespmem:s25+$0xFFFFFE70];
	v20 =	vadd.f32 v20, v24;
	v21 =	vadd.f32 v21, v24  }
0x2bf: {  	v52 =	vld [tilespmem:s25+$0xFFFFFE80];
	v16 =	vadd.f32 v16, v18;
	v17 =	vadd.f32 v17, v19  }
0x2c0: {  	v55 =	vld [tilespmem:s25+$0xFFFFFEB0];
	v53 =	vadd.f32 v22, v20;
	v54 =	vadd.f32 v23, v21  }
0x2c1: {  	v56 =	vld [tilespmem:s25+$0xFFFFFEC0];
	v14 =	vadd.f32 v14, v16;
	v15 =	vadd.f32 v15, v17  }
0x2c2: {  	v59 =	vld [tilespmem:s25+$0xFFFFFEF0];
	v57 =	vadd.f32 v25, v53;
	v58 =	vadd.f32 v26, v54  }
0x2c3: {  	v11 =	vadd.f32 v11, v14;
	v13 =	vadd.f32 v13, v15;
	v14 =	vld [tilespmem:s25+$0xFFFFFF00]  }
0x2c4: {  	v61 =	vld [tilespmem:s25+$0xFFFFFF30];
	v15 =	vadd.f32 v51, v57;
	v60 =	vadd.f32 v52, v58  }
0x2c5: {  	v11 =	vadd.f32 v4, v11;
	v10 =	vadd.f32 v10, v13;
	v13 =	vld [tilespmem:s25+$0xFFFFFF40]  }
0x2c6: {  	v15 =	vadd.f32 v55, v15;
	v16 =	vadd.f32 v56, v60;
	v4 =	vld [tilespmem:s25+$0xFFFFFF70]  }
0x2c7: {  	v11 =	vadd.f32 v5, v11;
	v10 =	vadd.f32 v6, v10;
	v6 =	vld [tilespmem:s25+$0xFFFFFF80]  }
0x2c8: {  	v15 =	vadd.f32 v59, v15;
	v5 =	vld [tilespmem:s25+$0xFFFFFFB0];
	v14 =	vadd.f32 v14, v16  }
0x2c9: {  	v62 =	vadd.f32 v7, v11;
	v63 =	vadd.f32 v8, v10;
	v8 =	vld [tilespmem:s25+$0xFFFFFFC0]  }
0x2ca: {  	v11 =	vadd.f32 v61, v15;
	v7 =	vld [tilespmem:s25+$0xFFFFFFF0];
	v10 =	vadd.f32 v13, v14  }
0x2cb: {  	s24 =	simm.s32 $0x0;
	v13 =	vadd.f32 v9, v62;
	v12 =	vadd.f32 v12, v63;
	v9 =	vld [tilespmem:s25+$0x0];
	s25 =	simm.s32 $0xC070  }
.LBB2_17:
0x2cc: {  	v14 =	vld [tilespmem:s25+$0xFFFFFFD0];
	v4 =	vadd.f32 v4, v11;
	v6 =	vadd.f32 v6, v10  }
0x2cd: {  	v10 =	vld [tilespmem:s25+$0xFFFFFFE0];
	v11 =	vadd.f32 v2, v13;
	v12 =	vadd.f32 v3, v12  }
0x2ce: {  	v2 =	vld [tilespmem:s25+$0xFFFFFF90];
	v4 =	vadd.f32 v5, v4;
	v5 =	vadd.f32 v8, v6  }
0x2cf: {  	v3 =	vld [tilespmem:s25+$0xFFFFFFA0];
	v6 =	vadd.f32 v0, v11;
	v8 =	vadd.f32 v1, v12  }
0x2d0: {  	v12 =	vld [tilespmem:s25+$0xFFFFFF50];
	v4 =	vadd.f32 v7, v4;
	v5 =	vadd.f32 v9, v5  }
0x2d1: {  	v9 =	vld [tilespmem:s25+$0xFFFFFF60];
	v0 =	vmov v14  }
0x2d2: {  	v7 =	vld [tilespmem:s25+$0xFFFFFF10];
	v1 =	vmov v10  }
0x2d3: {  	v10 =	vld [tilespmem:s25+$0xFFFFFF20]  }
0x2d4: {  	v11 =	vld [tilespmem:s25+$0xFFFFFED0]  }
0x2d5: {  	v13 =	vld [tilespmem:s25+$0xFFFFFEE0]  }
0x2d6: {  	v14 =	vld [tilespmem:s25+$0xFFFFFE90]  }
0x2d7: {  	v15 =	vld [tilespmem:s25+$0xFFFFFEA0]  }
0x2d8: {  	v16 =	vld [tilespmem:s25+$0xFFFFFE50]  }
0x2d9: {  	v17 =	vld [tilespmem:s25+$0xFFFFFE60]  }
0x2da: {  	v18 =	vld [tilespmem:s25+$0xFFFFFE10]  }
0x2db: {  	v19 =	vld [tilespmem:s25+$0xFFFFFE20]  }
0x2dc: {  	v20 =	vld [tilespmem:s25+$0xFFFFFDD0]  }
0x2dd: {  	v21 =	vld [tilespmem:s25+$0xFFFFFDE0]  }
0x2de: {  	v22 =	vld [tilespmem:s25+$0xFFFFFD90]  }
0x2df: {  	v23 =	vld [tilespmem:s25+$0xFFFFFDA0]  }
0x2e0: {  	v24 =	vld [tilespmem:s25+$0xFFFFFDB0]  }
0x2e1: {  	s24 =	sadd.s32 $0xA, s24;
	v25 =	vld [tilespmem:s25+$0xFFFFFDC0]  }
0x2e2: {  	p1 =	slt.u32 s24, $0x28;
	v26 =	vld [tilespmem:s25+$0xFFFFFDF0]  }
0x2e3: {  	v27 =	vld [tilespmem:s25+$0xFFFFFE00]  }
0x2e4: {  	v28 =	vld [tilespmem:s25+$0xFFFFFE30]  }
0x2e5: {  	v6 =	vadd.f32 v22, v6;
	v8 =	vadd.f32 v23, v8;
	v22 =	vld [tilespmem:s25+$0xFFFFFE40]  }
0x2e6: {  	v4 =	vadd.f32 v24, v4;
	v5 =	vadd.f32 v25, v5;
	v23 =	vld [tilespmem:s25+$0xFFFFFE70]  }
0x2e7: {  	v6 =	vadd.f32 v20, v6;
	v8 =	vadd.f32 v21, v8;
	v20 =	vld [tilespmem:s25+$0xFFFFFE80]  }
0x2e8: {  	v4 =	vadd.f32 v26, v4;
	v5 =	vadd.f32 v27, v5;
	v21 =	vld [tilespmem:s25+$0xFFFFFEB0]  }
0x2e9: {  	v6 =	vadd.f32 v18, v6;
	v8 =	vadd.f32 v19, v8;
	v18 =	vld [tilespmem:s25+$0xFFFFFEC0]  }
0x2ea: {  	v4 =	vadd.f32 v28, v4;
	v5 =	vadd.f32 v22, v5;
	v19 =	vld [tilespmem:s25+$0xFFFFFEF0]  }
0x2eb: {  	v6 =	vadd.f32 v16, v6;
	v8 =	vadd.f32 v17, v8;
	v16 =	vld [tilespmem:s25+$0xFFFFFF00]  }
0x2ec: {  	v4 =	vadd.f32 v23, v4;
	v5 =	vadd.f32 v20, v5;
	v17 =	vld [tilespmem:s25+$0xFFFFFF30]  }
0x2ed: {  	v6 =	vadd.f32 v14, v6;
	v8 =	vadd.f32 v15, v8;
	v14 =	vld [tilespmem:s25+$0xFFFFFF40]  }
0x2ee: {  	v15 =	vadd.f32 v21, v4;
	v5 =	vadd.f32 v18, v5;
	v4 =	vld [tilespmem:s25+$0xFFFFFF70]  }
.Ltmp9:
0x2ef: {  	v11 =	vadd.f32 v11, v6;
	v8 =	vadd.f32 v13, v8;
	v6 =	vld [tilespmem:s25+$0xFFFFFF80];
	(pc) =	sbr.rel @p1 .LBB2_17-.Ltmp9, $4  }
0x2f0: {  	v13 =	vadd.f32 v19, v15;
	v15 =	vadd.f32 v16, v5;
	v5 =	vld [tilespmem:s25+$0xFFFFFFB0]  }
0x2f1: {  	v16 =	vadd.f32 v7, v11;
	v18 =	vadd.f32 v10, v8;
	v8 =	vld [tilespmem:s25+$0xFFFFFFC0]  }
0x2f2: {  	v11 =	vadd.f32 v17, v13;
	v10 =	vadd.f32 v14, v15;
	v7 =	vld [tilespmem:s25+$0xFFFFFFF0]  }
0x2f3: {  	v13 =	vadd.f32 v12, v16;
	v12 =	vadd.f32 v9, v18;
	v9 =	vld [tilespmem:s25+$0x0];
	s25 =	sadd.s32 $0x280, s25  }
0x2f4: {  	_ = 	snop  }
0x2f5: {  	v4 =	vadd.f32 v4, v11;
	v2 =	vadd.f32 v2, v13  }
0x2f6: {  	v6 =	vadd.f32 v6, v10;
	v3 =	vadd.f32 v3, v12  }
0x2f7: {  	v4 =	vadd.f32 v5, v4;
	v0 =	vadd.f32 v0, v2  }
0x2f8: {  	v2 =	vadd.f32 v8, v6;
	v1 =	vadd.f32 v1, v3  }
0x2f9: {  	v3 =	vadd.f32 v7, v4;
	v0 =	vmul.f32 $1.999999960e-02, v0  }
0x2fa: {  	v2 =	vadd.f32 v9, v2;
	v1 =	vmul.f32 $1.999999960e-02, v1  }
0x2fb: {  	[tilespmem:s22+$0x12DC0] =	vst v0;
	v0 =	vmul.f32 $1.999999960e-02, v3  }
0x2fc: {  	[tilespmem:s22+$0x12DD0] =	vst v1;
	v1 =	vmul.f32 $1.999999960e-02, v2  }
0x2fd: {  	[tilespmem:s22+$0x12DE0] =	vst v0  }
0x2fe: {  	s24 =	sadd.s32 @!p0 $0x3E8, s23;
	s25 =	simm.s32 @!p0 $0xC8;
	s26 =	simm.s32 @!p0 $0x9600;
	[tilespmem:s22+$0x12DF0] =	vst v1  }
0x2ff: {  	[tilespmem:s26], [sflag:$0x2] =	stream.indirect.gather @!p0 [hbm4b:s3+s25], $0x40, s24, s25, $0xb8;
	[tilespmem:$0x1AC00] =	vst v63  }
0x300: {  	_ =	swait.ge [sflag:s17], $0x3200  }
0x301: {  	[sflag:s17] =	ssyncset.done $0x0  }
0x302: {  	s31 =	simm.s32 $0xC940;
	[sflag:s17] =	ssyncadd.s32 $0xFFFFCE00  }
0x303: {  	v0 =	vld [tilespmem:s31+$0x100]  }
0x304: {  	v1 =	vld [tilespmem:s31+$0x110]  }
0x305: {  	v2 =	vld [tilespmem:s31+$0xC0]  }
0x306: {  	v3 =	vld [tilespmem:s31+$0xD0]  }
0x307: {  	v9 =	vld [tilespmem:s31+$0x80]  }
0x308: {  	v12 =	vld [tilespmem:s31+$0x90]  }
0x309: {  	v7 =	vld [tilespmem:s31+$0x40]  }
0x30a: {  	v8 =	vld [tilespmem:s31+$0x50]  }
0x30b: {  	v5 =	vld [tilespmem:s31+$0x0]  }
0x30c: {  	v6 =	vld [tilespmem:s31+$0x10]  }
0x30d: {  	v4 =	vld [tilespmem:s31+$0xFFFFFFC0]  }
0x30e: {  	v10 =	vld [tilespmem:s31+$0xFFFFFFD0]  }
0x30f: {  	v11 =	vld [tilespmem:s31+$0xFFFFFF80]  }
0x310: {  	v13 =	vld [tilespmem:s31+$0xFFFFFF90]  }
0x311: {  	v14 =	vld [tilespmem:s31+$0xFFFFFF40]  }
0x312: {  	v15 =	vld [tilespmem:s31+$0xFFFFFF50]  }
0x313: {  	v16 =	vld [tilespmem:s31+$0xFFFFFF00]  }
0x314: {  	v17 =	vld [tilespmem:s31+$0xFFFFFF10]  }
0x315: {  	v18 =	vld [tilespmem:s31+$0xFFFFFEC0]  }
0x316: {  	v19 =	vld [tilespmem:s31+$0xFFFFFED0]  }
0x317: {  	v20 =	vld [tilespmem:s31+$0xFFFFFEE0]  }
0x318: {  	v21 =	vld [tilespmem:s31+$0xFFFFFEF0]  }
0x319: {  	v22 =	vld [tilespmem:s31+$0xFFFFFF20]  }
0x31a: {  	v23 =	vld [tilespmem:s31+$0xFFFFFF30]  }
0x31b: {  	v24 =	vimm.f32 $0.0e+00;
	v25 =	vld [tilespmem:s31+$0xFFFFFF60]  }
0x31c: {  	v26 =	vld [tilespmem:s31+$0xFFFFFF70];
	v18 =	vadd.f32 v18, v24;
	v19 =	vadd.f32 v19, v24  }
0x31d: {  	v51 =	vld [tilespmem:s31+$0xFFFFFFA0];
	v20 =	vadd.f32 v20, v24;
	v21 =	vadd.f32 v21, v24  }
0x31e: {  	v52 =	vld [tilespmem:s31+$0xFFFFFFB0];
	v16 =	vadd.f32 v16, v18;
	v17 =	vadd.f32 v17, v19  }
0x31f: {  	v55 =	vld [tilespmem:s31+$0xFFFFFFE0];
	v53 =	vadd.f32 v22, v20;
	v54 =	vadd.f32 v23, v21  }
0x320: {  	v56 =	vld [tilespmem:s31+$0xFFFFFFF0];
	v14 =	vadd.f32 v14, v16;
	v15 =	vadd.f32 v15, v17  }
0x321: {  	v59 =	vld [tilespmem:s31+$0x20];
	v57 =	vadd.f32 v25, v53;
	v58 =	vadd.f32 v26, v54  }
0x322: {  	v11 =	vadd.f32 v11, v14;
	v13 =	vadd.f32 v13, v15;
	v14 =	vld [tilespmem:s31+$0x30]  }
0x323: {  	v61 =	vld [tilespmem:s31+$0x60];
	v15 =	vadd.f32 v51, v57;
	v60 =	vadd.f32 v52, v58  }
0x324: {  	v11 =	vadd.f32 v4, v11;
	v10 =	vadd.f32 v10, v13;
	v13 =	vld [tilespmem:s31+$0x70]  }
0x325: {  	v15 =	vadd.f32 v55, v15;
	v16 =	vadd.f32 v56, v60;
	v4 =	vld [tilespmem:s31+$0xA0]  }
0x326: {  	v11 =	vadd.f32 v5, v11;
	v10 =	vadd.f32 v6, v10;
	v6 =	vld [tilespmem:s31+$0xB0]  }
0x327: {  	v15 =	vadd.f32 v59, v15;
	v5 =	vld [tilespmem:s31+$0xE0];
	v14 =	vadd.f32 v14, v16  }
0x328: {  	v62 =	vadd.f32 v7, v11;
	v63 =	vadd.f32 v8, v10;
	v8 =	vld [tilespmem:s31+$0xF0]  }
0x329: {  	v11 =	vadd.f32 v61, v15;
	v7 =	vld [tilespmem:s31+$0x120];
	v10 =	vadd.f32 v13, v14  }
0x32a: {  	s24 =	simm.s32 $0x0;
	s25 =	simm.s32 $0xCBC0;
	v13 =	vadd.f32 v9, v62;
	v12 =	vadd.f32 v12, v63;
	v9 =	vld [tilespmem:s31+$0x130]  }
.LBB2_19:
0x32b: {  	v14 =	vld [tilespmem:s25+$0x100];
	v4 =	vadd.f32 v4, v11;
	v6 =	vadd.f32 v6, v10  }
0x32c: {  	v10 =	vld [tilespmem:s25+$0x110];
	v11 =	vadd.f32 v2, v13;
	v12 =	vadd.f32 v3, v12  }
0x32d: {  	v2 =	vld [tilespmem:s25+$0xC0];
	v4 =	vadd.f32 v5, v4;
	v5 =	vadd.f32 v8, v6  }
0x32e: {  	v3 =	vld [tilespmem:s25+$0xD0];
	v6 =	vadd.f32 v0, v11;
	v8 =	vadd.f32 v1, v12  }
0x32f: {  	v12 =	vld [tilespmem:s25+$0x80];
	v4 =	vadd.f32 v7, v4;
	v5 =	vadd.f32 v9, v5  }
0x330: {  	v9 =	vld [tilespmem:s25+$0x90];
	v0 =	vmov v14  }
0x331: {  	v7 =	vld [tilespmem:s25+$0x40];
	v1 =	vmov v10  }
0x332: {  	v10 =	vld [tilespmem:s25+$0x50]  }
0x333: {  	v11 =	vld [tilespmem:s25+$0x0]  }
0x334: {  	v13 =	vld [tilespmem:s25+$0x10]  }
0x335: {  	v14 =	vld [tilespmem:s25+$0xFFFFFFC0]  }
0x336: {  	v15 =	vld [tilespmem:s25+$0xFFFFFFD0]  }
0x337: {  	v16 =	vld [tilespmem:s25+$0xFFFFFF80]  }
0x338: {  	v17 =	vld [tilespmem:s25+$0xFFFFFF90]  }
0x339: {  	v18 =	vld [tilespmem:s25+$0xFFFFFF40]  }
0x33a: {  	v19 =	vld [tilespmem:s25+$0xFFFFFF50]  }
0x33b: {  	v20 =	vld [tilespmem:s25+$0xFFFFFF00]  }
0x33c: {  	v21 =	vld [tilespmem:s25+$0xFFFFFF10]  }
0x33d: {  	v22 =	vld [tilespmem:s25+$0xFFFFFEC0]  }
0x33e: {  	v23 =	vld [tilespmem:s25+$0xFFFFFED0]  }
0x33f: {  	v24 =	vld [tilespmem:s25+$0xFFFFFEE0]  }
0x340: {  	s24 =	sadd.s32 $0xA, s24;
	v25 =	vld [tilespmem:s25+$0xFFFFFEF0]  }
0x341: {  	p1 =	slt.u32 s24, $0x28;
	v26 =	vld [tilespmem:s25+$0xFFFFFF20]  }
0x342: {  	v27 =	vld [tilespmem:s25+$0xFFFFFF30]  }
0x343: {  	v28 =	vld [tilespmem:s25+$0xFFFFFF60]  }
0x344: {  	v6 =	vadd.f32 v22, v6;
	v8 =	vadd.f32 v23, v8;
	v22 =	vld [tilespmem:s25+$0xFFFFFF70]  }
0x345: {  	v4 =	vadd.f32 v24, v4;
	v5 =	vadd.f32 v25, v5;
	v23 =	vld [tilespmem:s25+$0xFFFFFFA0]  }
0x346: {  	v6 =	vadd.f32 v20, v6;
	v8 =	vadd.f32 v21, v8;
	v20 =	vld [tilespmem:s25+$0xFFFFFFB0]  }
0x347: {  	v4 =	vadd.f32 v26, v4;
	v5 =	vadd.f32 v27, v5;
	v21 =	vld [tilespmem:s25+$0xFFFFFFE0]  }
0x348: {  	v6 =	vadd.f32 v18, v6;
	v8 =	vadd.f32 v19, v8;
	v18 =	vld [tilespmem:s25+$0xFFFFFFF0]  }
0x349: {  	v4 =	vadd.f32 v28, v4;
	v5 =	vadd.f32 v22, v5;
	v19 =	vld [tilespmem:s25+$0x20]  }
0x34a: {  	v6 =	vadd.f32 v16, v6;
	v8 =	vadd.f32 v17, v8;
	v16 =	vld [tilespmem:s25+$0x30]  }
0x34b: {  	v4 =	vadd.f32 v23, v4;
	v5 =	vadd.f32 v20, v5;
	v17 =	vld [tilespmem:s25+$0x60]  }
0x34c: {  	v6 =	vadd.f32 v14, v6;
	v8 =	vadd.f32 v15, v8;
	v14 =	vld [tilespmem:s25+$0x70]  }
0x34d: {  	v15 =	vadd.f32 v21, v4;
	v5 =	vadd.f32 v18, v5;
	v4 =	vld [tilespmem:s25+$0xA0]  }
.Ltmp10:
0x34e: {  	v11 =	vadd.f32 v11, v6;
	v8 =	vadd.f32 v13, v8;
	v6 =	vld [tilespmem:s25+$0xB0];
	(pc) =	sbr.rel @p1 .LBB2_19-.Ltmp10, $4  }
0x34f: {  	v13 =	vadd.f32 v19, v15;
	v15 =	vadd.f32 v16, v5;
	v5 =	vld [tilespmem:s25+$0xE0]  }
0x350: {  	v16 =	vadd.f32 v7, v11;
	v18 =	vadd.f32 v10, v8;
	v8 =	vld [tilespmem:s25+$0xF0]  }
0x351: {  	v11 =	vadd.f32 v17, v13;
	v10 =	vadd.f32 v14, v15;
	v7 =	vld [tilespmem:s25+$0x120]  }
0x352: {  	v13 =	vadd.f32 v12, v16;
	v12 =	vadd.f32 v9, v18;
	v9 =	vld [tilespmem:s25+$0x130];
	s25 =	sadd.s32 $0x280, s25  }
0x353: {  	_ = 	snop  }
0x354: {  	v4 =	vadd.f32 v4, v11;
	v2 =	vadd.f32 v2, v13  }
0x355: {  	v6 =	vadd.f32 v6, v10;
	v3 =	vadd.f32 v3, v12  }
0x356: {  	v4 =	vadd.f32 v5, v4;
	v0 =	vadd.f32 v0, v2  }
0x357: {  	v2 =	vadd.f32 v8, v6;
	v1 =	vadd.f32 v1, v3  }
0x358: {  	v3 =	vadd.f32 v7, v4;
	v0 =	vmul.f32 $1.999999960e-02, v0  }
0x359: {  	v2 =	vadd.f32 v9, v2;
	v1 =	vmul.f32 $1.999999960e-02, v1  }
0x35a: {  	[tilespmem:s22+$0x12E00] =	vst v0;
	v0 =	vmul.f32 $1.999999960e-02, v3  }
0x35b: {  	[tilespmem:s22+$0x12E10] =	vst v1;
	v1 =	vmul.f32 $1.999999960e-02, v2  }
0x35c: {  	[tilespmem:s22+$0x12E20] =	vst v0  }
0x35d: {  	s25 =	simm.s32 $0xD6F0;
	[tilespmem:s22+$0x12E30] =	vst v1  }
0x35e: {  	v0 =	vld [tilespmem:s25+$0xFFFFFFD0]  }
0x35f: {  	v1 =	vld [tilespmem:s25+$0xFFFFFFE0]  }
0x360: {  	v2 =	vld [tilespmem:s25+$0xFFFFFF90]  }
0x361: {  	v3 =	vld [tilespmem:s25+$0xFFFFFFA0]  }
0x362: {  	v9 =	vld [tilespmem:s25+$0xFFFFFF50]  }
0x363: {  	v12 =	vld [tilespmem:s25+$0xFFFFFF60]  }
0x364: {  	v7 =	vld [tilespmem:s25+$0xFFFFFF10]  }
0x365: {  	v8 =	vld [tilespmem:s25+$0xFFFFFF20]  }
0x366: {  	v5 =	vld [tilespmem:s25+$0xFFFFFED0]  }
0x367: {  	v6 =	vld [tilespmem:s25+$0xFFFFFEE0]  }
0x368: {  	v4 =	vld [tilespmem:s25+$0xFFFFFE90]  }
0x369: {  	v10 =	vld [tilespmem:s25+$0xFFFFFEA0]  }
0x36a: {  	v11 =	vld [tilespmem:s25+$0xFFFFFE50]  }
0x36b: {  	v13 =	vld [tilespmem:s25+$0xFFFFFE60]  }
0x36c: {  	v14 =	vld [tilespmem:s25+$0xFFFFFE10]  }
0x36d: {  	v15 =	vld [tilespmem:s25+$0xFFFFFE20]  }
0x36e: {  	v16 =	vld [tilespmem:s25+$0xFFFFFDD0]  }
0x36f: {  	v17 =	vld [tilespmem:s25+$0xFFFFFDE0]  }
0x370: {  	v18 =	vld [tilespmem:s25+$0xFFFFFD90]  }
0x371: {  	v19 =	vld [tilespmem:s25+$0xFFFFFDA0]  }
0x372: {  	v20 =	vld [tilespmem:s25+$0xFFFFFDB0]  }
0x373: {  	v21 =	vld [tilespmem:s25+$0xFFFFFDC0]  }
0x374: {  	v22 =	vld [tilespmem:s25+$0xFFFFFDF0]  }
0x375: {  	v23 =	vld [tilespmem:s25+$0xFFFFFE00]  }
0x376: {  	v24 =	vimm.f32 $0.0e+00;
	v25 =	vld [tilespmem:s25+$0xFFFFFE30]  }
0x377: {  	v26 =	vld [tilespmem:s25+$0xFFFFFE40];
	v18 =	vadd.f32 v18, v24;
	v19 =	vadd.f32 v19, v24  }
0x378: {  	v51 =	vld [tilespmem:s25+$0xFFFFFE70];
	v20 =	vadd.f32 v20, v24;
	v21 =	vadd.f32 v21, v24  }
0x379: {  	v52 =	vld [tilespmem:s25+$0xFFFFFE80];
	v16 =	vadd.f32 v16, v18;
	v17 =	vadd.f32 v17, v19  }
0x37a: {  	v55 =	vld [tilespmem:s25+$0xFFFFFEB0];
	v53 =	vadd.f32 v22, v20;
	v54 =	vadd.f32 v23, v21  }
0x37b: {  	v56 =	vld [tilespmem:s25+$0xFFFFFEC0];
	v14 =	vadd.f32 v14, v16;
	v15 =	vadd.f32 v15, v17  }
0x37c: {  	v59 =	vld [tilespmem:s25+$0xFFFFFEF0];
	v57 =	vadd.f32 v25, v53;
	v58 =	vadd.f32 v26, v54  }
0x37d: {  	v11 =	vadd.f32 v11, v14;
	v13 =	vadd.f32 v13, v15;
	v14 =	vld [tilespmem:s25+$0xFFFFFF00]  }
0x37e: {  	v61 =	vld [tilespmem:s25+$0xFFFFFF30];
	v15 =	vadd.f32 v51, v57;
	v60 =	vadd.f32 v52, v58  }
0x37f: {  	v11 =	vadd.f32 v4, v11;
	v10 =	vadd.f32 v10, v13;
	v13 =	vld [tilespmem:s25+$0xFFFFFF40]  }
0x380: {  	v15 =	vadd.f32 v55, v15;
	v16 =	vadd.f32 v56, v60;
	v4 =	vld [tilespmem:s25+$0xFFFFFF70]  }
0x381: {  	v11 =	vadd.f32 v5, v11;
	v10 =	vadd.f32 v6, v10;
	v6 =	vld [tilespmem:s25+$0xFFFFFF80]  }
0x382: {  	v15 =	vadd.f32 v59, v15;
	v5 =	vld [tilespmem:s25+$0xFFFFFFB0];
	v14 =	vadd.f32 v14, v16  }
0x383: {  	v62 =	vadd.f32 v7, v11;
	v63 =	vadd.f32 v8, v10;
	v8 =	vld [tilespmem:s25+$0xFFFFFFC0]  }
0x384: {  	v11 =	vadd.f32 v61, v15;
	v7 =	vld [tilespmem:s25+$0xFFFFFFF0];
	v10 =	vadd.f32 v13, v14  }
0x385: {  	s24 =	simm.s32 $0x0;
	v13 =	vadd.f32 v9, v62;
	v12 =	vadd.f32 v12, v63;
	v9 =	vld [tilespmem:s25+$0x0];
	s25 =	simm.s32 $0xD970  }
.LBB2_21:
0x386: {  	v14 =	vld [tilespmem:s25+$0xFFFFFFD0];
	v4 =	vadd.f32 v4, v11;
	v6 =	vadd.f32 v6, v10  }
0x387: {  	v10 =	vld [tilespmem:s25+$0xFFFFFFE0];
	v11 =	vadd.f32 v2, v13;
	v12 =	vadd.f32 v3, v12  }
0x388: {  	v2 =	vld [tilespmem:s25+$0xFFFFFF90];
	v4 =	vadd.f32 v5, v4;
	v5 =	vadd.f32 v8, v6  }
0x389: {  	v3 =	vld [tilespmem:s25+$0xFFFFFFA0];
	v6 =	vadd.f32 v0, v11;
	v8 =	vadd.f32 v1, v12  }
0x38a: {  	v12 =	vld [tilespmem:s25+$0xFFFFFF50];
	v4 =	vadd.f32 v7, v4;
	v5 =	vadd.f32 v9, v5  }
0x38b: {  	v9 =	vld [tilespmem:s25+$0xFFFFFF60];
	v0 =	vmov v14  }
0x38c: {  	v7 =	vld [tilespmem:s25+$0xFFFFFF10];
	v1 =	vmov v10  }
0x38d: {  	v10 =	vld [tilespmem:s25+$0xFFFFFF20]  }
0x38e: {  	v11 =	vld [tilespmem:s25+$0xFFFFFED0]  }
0x38f: {  	v13 =	vld [tilespmem:s25+$0xFFFFFEE0]  }
0x390: {  	v14 =	vld [tilespmem:s25+$0xFFFFFE90]  }
0x391: {  	v15 =	vld [tilespmem:s25+$0xFFFFFEA0]  }
0x392: {  	v16 =	vld [tilespmem:s25+$0xFFFFFE50]  }
0x393: {  	v17 =	vld [tilespmem:s25+$0xFFFFFE60]  }
0x394: {  	v18 =	vld [tilespmem:s25+$0xFFFFFE10]  }
0x395: {  	v19 =	vld [tilespmem:s25+$0xFFFFFE20]  }
0x396: {  	v20 =	vld [tilespmem:s25+$0xFFFFFDD0]  }
0x397: {  	v21 =	vld [tilespmem:s25+$0xFFFFFDE0]  }
0x398: {  	v22 =	vld [tilespmem:s25+$0xFFFFFD90]  }
0x399: {  	v23 =	vld [tilespmem:s25+$0xFFFFFDA0]  }
0x39a: {  	v24 =	vld [tilespmem:s25+$0xFFFFFDB0]  }
0x39b: {  	s24 =	sadd.s32 $0xA, s24;
	v25 =	vld [tilespmem:s25+$0xFFFFFDC0]  }
0x39c: {  	p1 =	slt.u32 s24, $0x28;
	v26 =	vld [tilespmem:s25+$0xFFFFFDF0]  }
0x39d: {  	v27 =	vld [tilespmem:s25+$0xFFFFFE00]  }
0x39e: {  	v28 =	vld [tilespmem:s25+$0xFFFFFE30]  }
0x39f: {  	v6 =	vadd.f32 v22, v6;
	v8 =	vadd.f32 v23, v8;
	v22 =	vld [tilespmem:s25+$0xFFFFFE40]  }
0x3a0: {  	v4 =	vadd.f32 v24, v4;
	v5 =	vadd.f32 v25, v5;
	v23 =	vld [tilespmem:s25+$0xFFFFFE70]  }
0x3a1: {  	v6 =	vadd.f32 v20, v6;
	v8 =	vadd.f32 v21, v8;
	v20 =	vld [tilespmem:s25+$0xFFFFFE80]  }
0x3a2: {  	v4 =	vadd.f32 v26, v4;
	v5 =	vadd.f32 v27, v5;
	v21 =	vld [tilespmem:s25+$0xFFFFFEB0]  }
0x3a3: {  	v6 =	vadd.f32 v18, v6;
	v8 =	vadd.f32 v19, v8;
	v18 =	vld [tilespmem:s25+$0xFFFFFEC0]  }
0x3a4: {  	v4 =	vadd.f32 v28, v4;
	v5 =	vadd.f32 v22, v5;
	v19 =	vld [tilespmem:s25+$0xFFFFFEF0]  }
0x3a5: {  	v6 =	vadd.f32 v16, v6;
	v8 =	vadd.f32 v17, v8;
	v16 =	vld [tilespmem:s25+$0xFFFFFF00]  }
0x3a6: {  	v4 =	vadd.f32 v23, v4;
	v5 =	vadd.f32 v20, v5;
	v17 =	vld [tilespmem:s25+$0xFFFFFF30]  }
0x3a7: {  	v6 =	vadd.f32 v14, v6;
	v8 =	vadd.f32 v15, v8;
	v14 =	vld [tilespmem:s25+$0xFFFFFF40]  }
0x3a8: {  	v15 =	vadd.f32 v21, v4;
	v5 =	vadd.f32 v18, v5;
	v4 =	vld [tilespmem:s25+$0xFFFFFF70]  }
.Ltmp11:
0x3a9: {  	v11 =	vadd.f32 v11, v6;
	v8 =	vadd.f32 v13, v8;
	v6 =	vld [tilespmem:s25+$0xFFFFFF80];
	(pc) =	sbr.rel @p1 .LBB2_21-.Ltmp11, $4  }
0x3aa: {  	v13 =	vadd.f32 v19, v15;
	v15 =	vadd.f32 v16, v5;
	v5 =	vld [tilespmem:s25+$0xFFFFFFB0]  }
0x3ab: {  	v16 =	vadd.f32 v7, v11;
	v18 =	vadd.f32 v10, v8;
	v8 =	vld [tilespmem:s25+$0xFFFFFFC0]  }
0x3ac: {  	v11 =	vadd.f32 v17, v13;
	v10 =	vadd.f32 v14, v15;
	v7 =	vld [tilespmem:s25+$0xFFFFFFF0]  }
0x3ad: {  	v13 =	vadd.f32 v12, v16;
	v12 =	vadd.f32 v9, v18;
	v9 =	vld [tilespmem:s25+$0x0];
	s25 =	sadd.s32 $0x280, s25  }
0x3ae: {  	_ = 	snop  }
0x3af: {  	v4 =	vadd.f32 v4, v11;
	v2 =	vadd.f32 v2, v13  }
0x3b0: {  	v6 =	vadd.f32 v6, v10;
	v3 =	vadd.f32 v3, v12  }
0x3b1: {  	v4 =	vadd.f32 v5, v4;
	v0 =	vadd.f32 v0, v2  }
0x3b2: {  	v2 =	vadd.f32 v8, v6;
	v1 =	vadd.f32 v1, v3  }
0x3b3: {  	v3 =	vadd.f32 v7, v4;
	v0 =	vmul.f32 $1.999999960e-02, v0  }
0x3b4: {  	v2 =	vadd.f32 v9, v2;
	v1 =	vmul.f32 $1.999999960e-02, v1  }
0x3b5: {  	[tilespmem:s22+$0x12E40] =	vst v0;
	v0 =	vmul.f32 $1.999999960e-02, v3  }
0x3b6: {  	[tilespmem:s22+$0x12E50] =	vst v1;
	v1 =	vmul.f32 $1.999999960e-02, v2  }
0x3b7: {  	[tilespmem:s22+$0x12E60] =	vst v0  }
0x3b8: {  	s25 =	simm.s32 $0xE370;
	[tilespmem:s22+$0x12E70] =	vst v1  }
0x3b9: {  	v0 =	vld [tilespmem:s25+$0xFFFFFFD0]  }
0x3ba: {  	v1 =	vld [tilespmem:s25+$0xFFFFFFE0]  }
0x3bb: {  	v2 =	vld [tilespmem:s25+$0xFFFFFF90]  }
0x3bc: {  	v3 =	vld [tilespmem:s25+$0xFFFFFFA0]  }
0x3bd: {  	v9 =	vld [tilespmem:s25+$0xFFFFFF50]  }
0x3be: {  	v12 =	vld [tilespmem:s25+$0xFFFFFF60]  }
0x3bf: {  	v7 =	vld [tilespmem:s25+$0xFFFFFF10]  }
0x3c0: {  	v8 =	vld [tilespmem:s25+$0xFFFFFF20]  }
0x3c1: {  	v5 =	vld [tilespmem:s25+$0xFFFFFED0]  }
0x3c2: {  	v6 =	vld [tilespmem:s25+$0xFFFFFEE0]  }
0x3c3: {  	v4 =	vld [tilespmem:s25+$0xFFFFFE90]  }
0x3c4: {  	v10 =	vld [tilespmem:s25+$0xFFFFFEA0]  }
0x3c5: {  	v11 =	vld [tilespmem:s25+$0xFFFFFE50]  }
0x3c6: {  	v13 =	vld [tilespmem:s25+$0xFFFFFE60]  }
0x3c7: {  	v14 =	vld [tilespmem:s25+$0xFFFFFE10]  }
0x3c8: {  	v15 =	vld [tilespmem:s25+$0xFFFFFE20]  }
0x3c9: {  	v16 =	vld [tilespmem:s25+$0xFFFFFDD0]  }
0x3ca: {  	v17 =	vld [tilespmem:s25+$0xFFFFFDE0]  }
0x3cb: {  	v18 =	vld [tilespmem:s25+$0xFFFFFD90]  }
0x3cc: {  	v19 =	vld [tilespmem:s25+$0xFFFFFDA0]  }
0x3cd: {  	v20 =	vld [tilespmem:s25+$0xFFFFFDB0]  }
0x3ce: {  	v21 =	vld [tilespmem:s25+$0xFFFFFDC0]  }
0x3cf: {  	v22 =	vld [tilespmem:s25+$0xFFFFFDF0]  }
0x3d0: {  	v23 =	vld [tilespmem:s25+$0xFFFFFE00]  }
0x3d1: {  	v24 =	vimm.f32 $0.0e+00;
	v25 =	vld [tilespmem:s25+$0xFFFFFE30]  }
0x3d2: {  	v26 =	vld [tilespmem:s25+$0xFFFFFE40];
	v18 =	vadd.f32 v18, v24;
	v19 =	vadd.f32 v19, v24  }
0x3d3: {  	v51 =	vld [tilespmem:s25+$0xFFFFFE70];
	v20 =	vadd.f32 v20, v24;
	v21 =	vadd.f32 v21, v24  }
0x3d4: {  	v52 =	vld [tilespmem:s25+$0xFFFFFE80];
	v16 =	vadd.f32 v16, v18;
	v17 =	vadd.f32 v17, v19  }
0x3d5: {  	v55 =	vld [tilespmem:s25+$0xFFFFFEB0];
	v53 =	vadd.f32 v22, v20;
	v54 =	vadd.f32 v23, v21  }
0x3d6: {  	v56 =	vld [tilespmem:s25+$0xFFFFFEC0];
	v14 =	vadd.f32 v14, v16;
	v15 =	vadd.f32 v15, v17  }
0x3d7: {  	v59 =	vld [tilespmem:s25+$0xFFFFFEF0];
	v57 =	vadd.f32 v25, v53;
	v58 =	vadd.f32 v26, v54  }
0x3d8: {  	v11 =	vadd.f32 v11, v14;
	v13 =	vadd.f32 v13, v15;
	v14 =	vld [tilespmem:s25+$0xFFFFFF00]  }
0x3d9: {  	v61 =	vld [tilespmem:s25+$0xFFFFFF30];
	v15 =	vadd.f32 v51, v57;
	v60 =	vadd.f32 v52, v58  }
0x3da: {  	v11 =	vadd.f32 v4, v11;
	v10 =	vadd.f32 v10, v13;
	v13 =	vld [tilespmem:s25+$0xFFFFFF40]  }
0x3db: {  	v15 =	vadd.f32 v55, v15;
	v16 =	vadd.f32 v56, v60;
	v4 =	vld [tilespmem:s25+$0xFFFFFF70]  }
0x3dc: {  	v11 =	vadd.f32 v5, v11;
	v10 =	vadd.f32 v6, v10;
	v6 =	vld [tilespmem:s25+$0xFFFFFF80]  }
0x3dd: {  	v15 =	vadd.f32 v59, v15;
	v5 =	vld [tilespmem:s25+$0xFFFFFFB0];
	v14 =	vadd.f32 v14, v16  }
0x3de: {  	v62 =	vadd.f32 v7, v11;
	v63 =	vadd.f32 v8, v10;
	v8 =	vld [tilespmem:s25+$0xFFFFFFC0]  }
0x3df: {  	v11 =	vadd.f32 v61, v15;
	v7 =	vld [tilespmem:s25+$0xFFFFFFF0];
	v10 =	vadd.f32 v13, v14  }
0x3e0: {  	s24 =	simm.s32 $0x0;
	v13 =	vadd.f32 v9, v62;
	v12 =	vadd.f32 v12, v63;
	v9 =	vld [tilespmem:s25+$0x0];
	s25 =	simm.s32 $0xE5F0  }
.LBB2_23:
0x3e1: {  	v14 =	vld [tilespmem:s25+$0xFFFFFFD0];
	v4 =	vadd.f32 v4, v11;
	v6 =	vadd.f32 v6, v10  }
0x3e2: {  	v10 =	vld [tilespmem:s25+$0xFFFFFFE0];
	v11 =	vadd.f32 v2, v13;
	v12 =	vadd.f32 v3, v12  }
0x3e3: {  	v2 =	vld [tilespmem:s25+$0xFFFFFF90];
	v4 =	vadd.f32 v5, v4;
	v5 =	vadd.f32 v8, v6  }
0x3e4: {  	v3 =	vld [tilespmem:s25+$0xFFFFFFA0];
	v6 =	vadd.f32 v0, v11;
	v8 =	vadd.f32 v1, v12  }
0x3e5: {  	v12 =	vld [tilespmem:s25+$0xFFFFFF50];
	v4 =	vadd.f32 v7, v4;
	v5 =	vadd.f32 v9, v5  }
0x3e6: {  	v9 =	vld [tilespmem:s25+$0xFFFFFF60];
	v0 =	vmov v14  }
0x3e7: {  	v7 =	vld [tilespmem:s25+$0xFFFFFF10];
	v1 =	vmov v10  }
0x3e8: {  	v10 =	vld [tilespmem:s25+$0xFFFFFF20]  }
0x3e9: {  	v11 =	vld [tilespmem:s25+$0xFFFFFED0]  }
0x3ea: {  	v13 =	vld [tilespmem:s25+$0xFFFFFEE0]  }
0x3eb: {  	v14 =	vld [tilespmem:s25+$0xFFFFFE90]  }
0x3ec: {  	v15 =	vld [tilespmem:s25+$0xFFFFFEA0]  }
0x3ed: {  	v16 =	vld [tilespmem:s25+$0xFFFFFE50]  }
0x3ee: {  	v17 =	vld [tilespmem:s25+$0xFFFFFE60]  }
0x3ef: {  	v18 =	vld [tilespmem:s25+$0xFFFFFE10]  }
0x3f0: {  	v19 =	vld [tilespmem:s25+$0xFFFFFE20]  }
0x3f1: {  	v20 =	vld [tilespmem:s25+$0xFFFFFDD0]  }
0x3f2: {  	v21 =	vld [tilespmem:s25+$0xFFFFFDE0]  }
0x3f3: {  	v22 =	vld [tilespmem:s25+$0xFFFFFD90]  }
0x3f4: {  	v23 =	vld [tilespmem:s25+$0xFFFFFDA0]  }
0x3f5: {  	v24 =	vld [tilespmem:s25+$0xFFFFFDB0]  }
0x3f6: {  	s24 =	sadd.s32 $0xA, s24;
	v25 =	vld [tilespmem:s25+$0xFFFFFDC0]  }
0x3f7: {  	p1 =	slt.u32 s24, $0x28;
	v26 =	vld [tilespmem:s25+$0xFFFFFDF0]  }
0x3f8: {  	v27 =	vld [tilespmem:s25+$0xFFFFFE00]  }
0x3f9: {  	v28 =	vld [tilespmem:s25+$0xFFFFFE30]  }
0x3fa: {  	v6 =	vadd.f32 v22, v6;
	v8 =	vadd.f32 v23, v8;
	v22 =	vld [tilespmem:s25+$0xFFFFFE40]  }
0x3fb: {  	v4 =	vadd.f32 v24, v4;
	v5 =	vadd.f32 v25, v5;
	v23 =	vld [tilespmem:s25+$0xFFFFFE70]  }
0x3fc: {  	v6 =	vadd.f32 v20, v6;
	v8 =	vadd.f32 v21, v8;
	v20 =	vld [tilespmem:s25+$0xFFFFFE80]  }
0x3fd: {  	v4 =	vadd.f32 v26, v4;
	v5 =	vadd.f32 v27, v5;
	v21 =	vld [tilespmem:s25+$0xFFFFFEB0]  }
0x3fe: {  	v6 =	vadd.f32 v18, v6;
	v8 =	vadd.f32 v19, v8;
	v18 =	vld [tilespmem:s25+$0xFFFFFEC0]  }
0x3ff: {  	v4 =	vadd.f32 v28, v4;
	v5 =	vadd.f32 v22, v5;
	v19 =	vld [tilespmem:s25+$0xFFFFFEF0]  }
0x400: {  	v6 =	vadd.f32 v16, v6;
	v8 =	vadd.f32 v17, v8;
	v16 =	vld [tilespmem:s25+$0xFFFFFF00]  }
0x401: {  	v4 =	vadd.f32 v23, v4;
	v5 =	vadd.f32 v20, v5;
	v17 =	vld [tilespmem:s25+$0xFFFFFF30]  }
0x402: {  	v6 =	vadd.f32 v14, v6;
	v8 =	vadd.f32 v15, v8;
	v14 =	vld [tilespmem:s25+$0xFFFFFF40]  }
0x403: {  	v15 =	vadd.f32 v21, v4;
	v5 =	vadd.f32 v18, v5;
	v4 =	vld [tilespmem:s25+$0xFFFFFF70]  }
.Ltmp12:
0x404: {  	v11 =	vadd.f32 v11, v6;
	v8 =	vadd.f32 v13, v8;
	v6 =	vld [tilespmem:s25+$0xFFFFFF80];
	(pc) =	sbr.rel @p1 .LBB2_23-.Ltmp12, $4  }
0x405: {  	v13 =	vadd.f32 v19, v15;
	v15 =	vadd.f32 v16, v5;
	v5 =	vld [tilespmem:s25+$0xFFFFFFB0]  }
0x406: {  	v16 =	vadd.f32 v7, v11;
	v18 =	vadd.f32 v10, v8;
	v8 =	vld [tilespmem:s25+$0xFFFFFFC0]  }
0x407: {  	v11 =	vadd.f32 v17, v13;
	v10 =	vadd.f32 v14, v15;
	v7 =	vld [tilespmem:s25+$0xFFFFFFF0]  }
0x408: {  	v13 =	vadd.f32 v12, v16;
	v12 =	vadd.f32 v9, v18;
	v9 =	vld [tilespmem:s25+$0x0];
	s25 =	sadd.s32 $0x280, s25  }
0x409: {  	_ = 	snop  }
0x40a: {  	v4 =	vadd.f32 v4, v11;
	v2 =	vadd.f32 v2, v13  }
0x40b: {  	v6 =	vadd.f32 v6, v10;
	v3 =	vadd.f32 v3, v12  }
0x40c: {  	v4 =	vadd.f32 v5, v4;
	v0 =	vadd.f32 v0, v2  }
0x40d: {  	v2 =	vadd.f32 v8, v6;
	v1 =	vadd.f32 v1, v3  }
0x40e: {  	v3 =	vadd.f32 v7, v4;
	v0 =	vmul.f32 $1.999999960e-02, v0  }
0x40f: {  	v2 =	vadd.f32 v9, v2;
	v1 =	vmul.f32 $1.999999960e-02, v1  }
0x410: {  	[tilespmem:s22+$0x12E80] =	vst v0;
	v0 =	vmul.f32 $1.999999960e-02, v3  }
0x411: {  	[tilespmem:s22+$0x12E90] =	vst v1;
	v1 =	vmul.f32 $1.999999960e-02, v2  }
0x412: {  	[tilespmem:s22+$0x12EA0] =	vst v0  }
0x413: {  	s25 =	simm.s32 $0xEFF0;
	[tilespmem:s22+$0x12EB0] =	vst v1  }
0x414: {  	v0 =	vld [tilespmem:s25+$0xFFFFFFD0]  }
0x415: {  	v1 =	vld [tilespmem:s25+$0xFFFFFFE0]  }
0x416: {  	v2 =	vld [tilespmem:s25+$0xFFFFFF90]  }
0x417: {  	v3 =	vld [tilespmem:s25+$0xFFFFFFA0]  }
0x418: {  	v9 =	vld [tilespmem:s25+$0xFFFFFF50]  }
0x419: {  	v12 =	vld [tilespmem:s25+$0xFFFFFF60]  }
0x41a: {  	v7 =	vld [tilespmem:s25+$0xFFFFFF10]  }
0x41b: {  	v8 =	vld [tilespmem:s25+$0xFFFFFF20]  }
0x41c: {  	v5 =	vld [tilespmem:s25+$0xFFFFFED0]  }
0x41d: {  	v6 =	vld [tilespmem:s25+$0xFFFFFEE0]  }
0x41e: {  	v4 =	vld [tilespmem:s25+$0xFFFFFE90]  }
0x41f: {  	v10 =	vld [tilespmem:s25+$0xFFFFFEA0]  }
0x420: {  	v11 =	vld [tilespmem:s25+$0xFFFFFE50]  }
0x421: {  	v13 =	vld [tilespmem:s25+$0xFFFFFE60]  }
0x422: {  	v14 =	vld [tilespmem:s25+$0xFFFFFE10]  }
0x423: {  	v15 =	vld [tilespmem:s25+$0xFFFFFE20]  }
0x424: {  	v16 =	vld [tilespmem:s25+$0xFFFFFDD0]  }
0x425: {  	v17 =	vld [tilespmem:s25+$0xFFFFFDE0]  }
0x426: {  	v18 =	vld [tilespmem:s25+$0xFFFFFD90]  }
0x427: {  	v19 =	vld [tilespmem:s25+$0xFFFFFDA0]  }
0x428: {  	v20 =	vld [tilespmem:s25+$0xFFFFFDB0]  }
0x429: {  	v21 =	vld [tilespmem:s25+$0xFFFFFDC0]  }
0x42a: {  	v22 =	vld [tilespmem:s25+$0xFFFFFDF0]  }
0x42b: {  	v23 =	vld [tilespmem:s25+$0xFFFFFE00]  }
0x42c: {  	v24 =	vimm.f32 $0.0e+00;
	v25 =	vld [tilespmem:s25+$0xFFFFFE30]  }
0x42d: {  	v26 =	vld [tilespmem:s25+$0xFFFFFE40];
	v18 =	vadd.f32 v18, v24;
	v19 =	vadd.f32 v19, v24  }
0x42e: {  	v51 =	vld [tilespmem:s25+$0xFFFFFE70];
	v20 =	vadd.f32 v20, v24;
	v21 =	vadd.f32 v21, v24  }
0x42f: {  	v52 =	vld [tilespmem:s25+$0xFFFFFE80];
	v16 =	vadd.f32 v16, v18;
	v17 =	vadd.f32 v17, v19  }
0x430: {  	v55 =	vld [tilespmem:s25+$0xFFFFFEB0];
	v53 =	vadd.f32 v22, v20;
	v54 =	vadd.f32 v23, v21  }
0x431: {  	v56 =	vld [tilespmem:s25+$0xFFFFFEC0];
	v14 =	vadd.f32 v14, v16;
	v15 =	vadd.f32 v15, v17  }
0x432: {  	v59 =	vld [tilespmem:s25+$0xFFFFFEF0];
	v57 =	vadd.f32 v25, v53;
	v58 =	vadd.f32 v26, v54  }
0x433: {  	v11 =	vadd.f32 v11, v14;
	v13 =	vadd.f32 v13, v15;
	v14 =	vld [tilespmem:s25+$0xFFFFFF00]  }
0x434: {  	v61 =	vld [tilespmem:s25+$0xFFFFFF30];
	v15 =	vadd.f32 v51, v57;
	v60 =	vadd.f32 v52, v58  }
0x435: {  	v11 =	vadd.f32 v4, v11;
	v10 =	vadd.f32 v10, v13;
	v13 =	vld [tilespmem:s25+$0xFFFFFF40]  }
0x436: {  	v15 =	vadd.f32 v55, v15;
	v16 =	vadd.f32 v56, v60;
	v4 =	vld [tilespmem:s25+$0xFFFFFF70]  }
0x437: {  	v11 =	vadd.f32 v5, v11;
	v10 =	vadd.f32 v6, v10;
	v6 =	vld [tilespmem:s25+$0xFFFFFF80]  }
0x438: {  	v15 =	vadd.f32 v59, v15;
	v5 =	vld [tilespmem:s25+$0xFFFFFFB0];
	v14 =	vadd.f32 v14, v16  }
0x439: {  	v62 =	vadd.f32 v7, v11;
	v63 =	vadd.f32 v8, v10;
	v8 =	vld [tilespmem:s25+$0xFFFFFFC0]  }
0x43a: {  	v11 =	vadd.f32 v61, v15;
	v7 =	vld [tilespmem:s25+$0xFFFFFFF0];
	v10 =	vadd.f32 v13, v14  }
0x43b: {  	s24 =	simm.s32 $0x0;
	v13 =	vadd.f32 v9, v62;
	v12 =	vadd.f32 v12, v63;
	v9 =	vld [tilespmem:s25+$0x0];
	s25 =	simm.s32 $0xF270  }
.LBB2_25:
0x43c: {  	v14 =	vld [tilespmem:s25+$0xFFFFFFD0];
	v4 =	vadd.f32 v4, v11;
	v6 =	vadd.f32 v6, v10  }
0x43d: {  	v10 =	vld [tilespmem:s25+$0xFFFFFFE0];
	v11 =	vadd.f32 v2, v13;
	v12 =	vadd.f32 v3, v12  }
0x43e: {  	v2 =	vld [tilespmem:s25+$0xFFFFFF90];
	v4 =	vadd.f32 v5, v4;
	v5 =	vadd.f32 v8, v6  }
0x43f: {  	v3 =	vld [tilespmem:s25+$0xFFFFFFA0];
	v6 =	vadd.f32 v0, v11;
	v8 =	vadd.f32 v1, v12  }
0x440: {  	v12 =	vld [tilespmem:s25+$0xFFFFFF50];
	v4 =	vadd.f32 v7, v4;
	v5 =	vadd.f32 v9, v5  }
0x441: {  	v9 =	vld [tilespmem:s25+$0xFFFFFF60];
	v0 =	vmov v14  }
0x442: {  	v7 =	vld [tilespmem:s25+$0xFFFFFF10];
	v1 =	vmov v10  }
0x443: {  	v10 =	vld [tilespmem:s25+$0xFFFFFF20]  }
0x444: {  	v11 =	vld [tilespmem:s25+$0xFFFFFED0]  }
0x445: {  	v13 =	vld [tilespmem:s25+$0xFFFFFEE0]  }
0x446: {  	v14 =	vld [tilespmem:s25+$0xFFFFFE90]  }
0x447: {  	v15 =	vld [tilespmem:s25+$0xFFFFFEA0]  }
0x448: {  	v16 =	vld [tilespmem:s25+$0xFFFFFE50]  }
0x449: {  	v17 =	vld [tilespmem:s25+$0xFFFFFE60]  }
0x44a: {  	v18 =	vld [tilespmem:s25+$0xFFFFFE10]  }
0x44b: {  	v19 =	vld [tilespmem:s25+$0xFFFFFE20]  }
0x44c: {  	v20 =	vld [tilespmem:s25+$0xFFFFFDD0]  }
0x44d: {  	v21 =	vld [tilespmem:s25+$0xFFFFFDE0]  }
0x44e: {  	v22 =	vld [tilespmem:s25+$0xFFFFFD90]  }
0x44f: {  	v23 =	vld [tilespmem:s25+$0xFFFFFDA0]  }
0x450: {  	v24 =	vld [tilespmem:s25+$0xFFFFFDB0]  }
0x451: {  	s24 =	sadd.s32 $0xA, s24;
	v25 =	vld [tilespmem:s25+$0xFFFFFDC0]  }
0x452: {  	p1 =	slt.u32 s24, $0x28;
	v26 =	vld [tilespmem:s25+$0xFFFFFDF0]  }
0x453: {  	v27 =	vld [tilespmem:s25+$0xFFFFFE00]  }
0x454: {  	v28 =	vld [tilespmem:s25+$0xFFFFFE30]  }
0x455: {  	v6 =	vadd.f32 v22, v6;
	v8 =	vadd.f32 v23, v8;
	v22 =	vld [tilespmem:s25+$0xFFFFFE40]  }
0x456: {  	v4 =	vadd.f32 v24, v4;
	v5 =	vadd.f32 v25, v5;
	v23 =	vld [tilespmem:s25+$0xFFFFFE70]  }
0x457: {  	v6 =	vadd.f32 v20, v6;
	v8 =	vadd.f32 v21, v8;
	v20 =	vld [tilespmem:s25+$0xFFFFFE80]  }
0x458: {  	v4 =	vadd.f32 v26, v4;
	v5 =	vadd.f32 v27, v5;
	v21 =	vld [tilespmem:s25+$0xFFFFFEB0]  }
0x459: {  	v6 =	vadd.f32 v18, v6;
	v8 =	vadd.f32 v19, v8;
	v18 =	vld [tilespmem:s25+$0xFFFFFEC0]  }
0x45a: {  	v4 =	vadd.f32 v28, v4;
	v5 =	vadd.f32 v22, v5;
	v19 =	vld [tilespmem:s25+$0xFFFFFEF0]  }
0x45b: {  	v6 =	vadd.f32 v16, v6;
	v8 =	vadd.f32 v17, v8;
	v16 =	vld [tilespmem:s25+$0xFFFFFF00]  }
0x45c: {  	v4 =	vadd.f32 v23, v4;
	v5 =	vadd.f32 v20, v5;
	v17 =	vld [tilespmem:s25+$0xFFFFFF30]  }
0x45d: {  	v6 =	vadd.f32 v14, v6;
	v8 =	vadd.f32 v15, v8;
	v14 =	vld [tilespmem:s25+$0xFFFFFF40]  }
0x45e: {  	v15 =	vadd.f32 v21, v4;
	v5 =	vadd.f32 v18, v5;
	v4 =	vld [tilespmem:s25+$0xFFFFFF70]  }
.Ltmp13:
0x45f: {  	v11 =	vadd.f32 v11, v6;
	v8 =	vadd.f32 v13, v8;
	v6 =	vld [tilespmem:s25+$0xFFFFFF80];
	(pc) =	sbr.rel @p1 .LBB2_25-.Ltmp13, $4  }
0x460: {  	v13 =	vadd.f32 v19, v15;
	v15 =	vadd.f32 v16, v5;
	v5 =	vld [tilespmem:s25+$0xFFFFFFB0]  }
0x461: {  	v16 =	vadd.f32 v7, v11;
	v18 =	vadd.f32 v10, v8;
	v8 =	vld [tilespmem:s25+$0xFFFFFFC0]  }
0x462: {  	v11 =	vadd.f32 v17, v13;
	v10 =	vadd.f32 v14, v15;
	v7 =	vld [tilespmem:s25+$0xFFFFFFF0]  }
0x463: {  	v13 =	vadd.f32 v12, v16;
	v12 =	vadd.f32 v9, v18;
	v9 =	vld [tilespmem:s25+$0x0];
	s25 =	sadd.s32 $0x280, s25  }
0x464: {  	_ = 	snop  }
0x465: {  	v4 =	vadd.f32 v4, v11;
	v2 =	vadd.f32 v2, v13  }
0x466: {  	v6 =	vadd.f32 v6, v10;
	v3 =	vadd.f32 v3, v12  }
0x467: {  	v4 =	vadd.f32 v5, v4;
	v0 =	vadd.f32 v0, v2  }
0x468: {  	v2 =	vadd.f32 v8, v6;
	v1 =	vadd.f32 v1, v3  }
0x469: {  	v3 =	vadd.f32 v7, v4;
	v0 =	vmul.f32 $1.999999960e-02, v0  }
0x46a: {  	v2 =	vadd.f32 v9, v2;
	v1 =	vmul.f32 $1.999999960e-02, v1  }
0x46b: {  	[tilespmem:s22+$0x12EC0] =	vst v0;
	v0 =	vmul.f32 $1.999999960e-02, v3  }
0x46c: {  	[tilespmem:s22+$0x12ED0] =	vst v1;
	v1 =	vmul.f32 $1.999999960e-02, v2  }
0x46d: {  	[tilespmem:s22+$0x12EE0] =	vst v0  }
0x46e: {  	s23 =	sadd.s32 @!p0 $0x4B0, s23;
	s24 =	simm.s32 @!p0 $0xC8;
	s25 =	simm.s32 @!p0 $0xC800;
	[tilespmem:s22+$0x12EF0] =	vst v1  }
0x46f: {  	[tilespmem:s25], [sflag:$0x3] =	stream.indirect.gather @!p0 [hbm4b:s3+s24], $0x40, s23, s24, $0xb8;
	[tilespmem:$0x1AC00] =	vst v63  }
0x470: {  	_ =	swait.ge [sflag:s18], $0x3200  }
0x471: {  	[sflag:s18] =	ssyncset.done $0x0  }
0x472: {  	s31 =	simm.s32 $0xFB40;
	[sflag:s18] =	ssyncadd.s32 $0xFFFFCE00  }
0x473: {  	v0 =	vld [tilespmem:s31+$0x100]  }
0x474: {  	v1 =	vld [tilespmem:s31+$0x110]  }
0x475: {  	v2 =	vld [tilespmem:s31+$0xC0]  }
0x476: {  	v3 =	vld [tilespmem:s31+$0xD0]  }
0x477: {  	v9 =	vld [tilespmem:s31+$0x80]  }
0x478: {  	v12 =	vld [tilespmem:s31+$0x90]  }
0x479: {  	v7 =	vld [tilespmem:s31+$0x40]  }
0x47a: {  	v8 =	vld [tilespmem:s31+$0x50]  }
0x47b: {  	v5 =	vld [tilespmem:s31+$0x0]  }
0x47c: {  	v6 =	vld [tilespmem:s31+$0x10]  }
0x47d: {  	v4 =	vld [tilespmem:s31+$0xFFFFFFC0]  }
0x47e: {  	v10 =	vld [tilespmem:s31+$0xFFFFFFD0]  }
0x47f: {  	v11 =	vld [tilespmem:s31+$0xFFFFFF80]  }
0x480: {  	v13 =	vld [tilespmem:s31+$0xFFFFFF90]  }
0x481: {  	v14 =	vld [tilespmem:s31+$0xFFFFFF40]  }
0x482: {  	v15 =	vld [tilespmem:s31+$0xFFFFFF50]  }
0x483: {  	v16 =	vld [tilespmem:s31+$0xFFFFFF00]  }
0x484: {  	v17 =	vld [tilespmem:s31+$0xFFFFFF10]  }
0x485: {  	v18 =	vld [tilespmem:s31+$0xFFFFFEC0]  }
0x486: {  	v19 =	vld [tilespmem:s31+$0xFFFFFED0]  }
0x487: {  	v20 =	vld [tilespmem:s31+$0xFFFFFEE0]  }
0x488: {  	v21 =	vld [tilespmem:s31+$0xFFFFFEF0]  }
0x489: {  	v22 =	vld [tilespmem:s31+$0xFFFFFF20]  }
0x48a: {  	v23 =	vld [tilespmem:s31+$0xFFFFFF30]  }
0x48b: {  	v24 =	vimm.f32 $0.0e+00;
	v25 =	vld [tilespmem:s31+$0xFFFFFF60]  }
0x48c: {  	v26 =	vld [tilespmem:s31+$0xFFFFFF70];
	v18 =	vadd.f32 v18, v24;
	v19 =	vadd.f32 v19, v24  }
0x48d: {  	v51 =	vld [tilespmem:s31+$0xFFFFFFA0];
	v20 =	vadd.f32 v20, v24;
	v21 =	vadd.f32 v21, v24  }
0x48e: {  	v52 =	vld [tilespmem:s31+$0xFFFFFFB0];
	v16 =	vadd.f32 v16, v18;
	v17 =	vadd.f32 v17, v19  }
0x48f: {  	v55 =	vld [tilespmem:s31+$0xFFFFFFE0];
	v53 =	vadd.f32 v22, v20;
	v54 =	vadd.f32 v23, v21  }
0x490: {  	v56 =	vld [tilespmem:s31+$0xFFFFFFF0];
	v14 =	vadd.f32 v14, v16;
	v15 =	vadd.f32 v15, v17  }
0x491: {  	v59 =	vld [tilespmem:s31+$0x20];
	v57 =	vadd.f32 v25, v53;
	v58 =	vadd.f32 v26, v54  }
0x492: {  	v11 =	vadd.f32 v11, v14;
	v13 =	vadd.f32 v13, v15;
	v14 =	vld [tilespmem:s31+$0x30]  }
0x493: {  	v61 =	vld [tilespmem:s31+$0x60];
	v15 =	vadd.f32 v51, v57;
	v60 =	vadd.f32 v52, v58  }
0x494: {  	v11 =	vadd.f32 v4, v11;
	v10 =	vadd.f32 v10, v13;
	v13 =	vld [tilespmem:s31+$0x70]  }
0x495: {  	v15 =	vadd.f32 v55, v15;
	v16 =	vadd.f32 v56, v60;
	v4 =	vld [tilespmem:s31+$0xA0]  }
0x496: {  	v11 =	vadd.f32 v5, v11;
	v10 =	vadd.f32 v6, v10;
	v6 =	vld [tilespmem:s31+$0xB0]  }
0x497: {  	v15 =	vadd.f32 v59, v15;
	v5 =	vld [tilespmem:s31+$0xE0];
	v14 =	vadd.f32 v14, v16  }
0x498: {  	v62 =	vadd.f32 v7, v11;
	v63 =	vadd.f32 v8, v10;
	v8 =	vld [tilespmem:s31+$0xF0]  }
0x499: {  	v11 =	vadd.f32 v61, v15;
	v7 =	vld [tilespmem:s31+$0x120];
	v10 =	vadd.f32 v13, v14  }
0x49a: {  	s23 =	simm.s32 $0x0;
	s24 =	simm.s32 $0xFDC0;
	v13 =	vadd.f32 v9, v62;
	v12 =	vadd.f32 v12, v63;
	v9 =	vld [tilespmem:s31+$0x130]  }
.LBB2_27:
0x49b: {  	v14 =	vld [tilespmem:s24+$0x100];
	v4 =	vadd.f32 v4, v11;
	v6 =	vadd.f32 v6, v10  }
0x49c: {  	v10 =	vld [tilespmem:s24+$0x110];
	v11 =	vadd.f32 v2, v13;
	v12 =	vadd.f32 v3, v12  }
0x49d: {  	v2 =	vld [tilespmem:s24+$0xC0];
	v4 =	vadd.f32 v5, v4;
	v5 =	vadd.f32 v8, v6  }
0x49e: {  	v3 =	vld [tilespmem:s24+$0xD0];
	v6 =	vadd.f32 v0, v11;
	v8 =	vadd.f32 v1, v12  }
0x49f: {  	v12 =	vld [tilespmem:s24+$0x80];
	v4 =	vadd.f32 v7, v4;
	v5 =	vadd.f32 v9, v5  }
0x4a0: {  	v9 =	vld [tilespmem:s24+$0x90];
	v0 =	vmov v14  }
0x4a1: {  	v7 =	vld [tilespmem:s24+$0x40];
	v1 =	vmov v10  }
0x4a2: {  	v10 =	vld [tilespmem:s24+$0x50]  }
0x4a3: {  	v11 =	vld [tilespmem:s24+$0x0]  }
0x4a4: {  	v13 =	vld [tilespmem:s24+$0x10]  }
0x4a5: {  	v14 =	vld [tilespmem:s24+$0xFFFFFFC0]  }
0x4a6: {  	v15 =	vld [tilespmem:s24+$0xFFFFFFD0]  }
0x4a7: {  	v16 =	vld [tilespmem:s24+$0xFFFFFF80]  }
0x4a8: {  	v17 =	vld [tilespmem:s24+$0xFFFFFF90]  }
0x4a9: {  	v18 =	vld [tilespmem:s24+$0xFFFFFF40]  }
0x4aa: {  	v19 =	vld [tilespmem:s24+$0xFFFFFF50]  }
0x4ab: {  	v20 =	vld [tilespmem:s24+$0xFFFFFF00]  }
0x4ac: {  	v21 =	vld [tilespmem:s24+$0xFFFFFF10]  }
0x4ad: {  	v22 =	vld [tilespmem:s24+$0xFFFFFEC0]  }
0x4ae: {  	v23 =	vld [tilespmem:s24+$0xFFFFFED0]  }
0x4af: {  	v24 =	vld [tilespmem:s24+$0xFFFFFEE0]  }
0x4b0: {  	s23 =	sadd.s32 $0xA, s23;
	v25 =	vld [tilespmem:s24+$0xFFFFFEF0]  }
0x4b1: {  	p1 =	slt.u32 s23, $0x28;
	v26 =	vld [tilespmem:s24+$0xFFFFFF20]  }
0x4b2: {  	v27 =	vld [tilespmem:s24+$0xFFFFFF30]  }
0x4b3: {  	v28 =	vld [tilespmem:s24+$0xFFFFFF60]  }
0x4b4: {  	v6 =	vadd.f32 v22, v6;
	v8 =	vadd.f32 v23, v8;
	v22 =	vld [tilespmem:s24+$0xFFFFFF70]  }
0x4b5: {  	v4 =	vadd.f32 v24, v4;
	v5 =	vadd.f32 v25, v5;
	v23 =	vld [tilespmem:s24+$0xFFFFFFA0]  }
0x4b6: {  	v6 =	vadd.f32 v20, v6;
	v8 =	vadd.f32 v21, v8;
	v20 =	vld [tilespmem:s24+$0xFFFFFFB0]  }
0x4b7: {  	v4 =	vadd.f32 v26, v4;
	v5 =	vadd.f32 v27, v5;
	v21 =	vld [tilespmem:s24+$0xFFFFFFE0]  }
0x4b8: {  	v6 =	vadd.f32 v18, v6;
	v8 =	vadd.f32 v19, v8;
	v18 =	vld [tilespmem:s24+$0xFFFFFFF0]  }
0x4b9: {  	v4 =	vadd.f32 v28, v4;
	v5 =	vadd.f32 v22, v5;
	v19 =	vld [tilespmem:s24+$0x20]  }
0x4ba: {  	v6 =	vadd.f32 v16, v6;
	v8 =	vadd.f32 v17, v8;
	v16 =	vld [tilespmem:s24+$0x30]  }
0x4bb: {  	v4 =	vadd.f32 v23, v4;
	v5 =	vadd.f32 v20, v5;
	v17 =	vld [tilespmem:s24+$0x60]  }
0x4bc: {  	v6 =	vadd.f32 v14, v6;
	v8 =	vadd.f32 v15, v8;
	v14 =	vld [tilespmem:s24+$0x70]  }
0x4bd: {  	v15 =	vadd.f32 v21, v4;
	v5 =	vadd.f32 v18, v5;
	v4 =	vld [tilespmem:s24+$0xA0]  }
.Ltmp14:
0x4be: {  	v11 =	vadd.f32 v11, v6;
	v8 =	vadd.f32 v13, v8;
	v6 =	vld [tilespmem:s24+$0xB0];
	(pc) =	sbr.rel @p1 .LBB2_27-.Ltmp14, $4  }
0x4bf: {  	v13 =	vadd.f32 v19, v15;
	v15 =	vadd.f32 v16, v5;
	v5 =	vld [tilespmem:s24+$0xE0]  }
0x4c0: {  	v16 =	vadd.f32 v7, v11;
	v18 =	vadd.f32 v10, v8;
	v8 =	vld [tilespmem:s24+$0xF0]  }
0x4c1: {  	v11 =	vadd.f32 v17, v13;
	v10 =	vadd.f32 v14, v15;
	v7 =	vld [tilespmem:s24+$0x120]  }
0x4c2: {  	v13 =	vadd.f32 v12, v16;
	v12 =	vadd.f32 v9, v18;
	v9 =	vld [tilespmem:s24+$0x130];
	s24 =	sadd.s32 $0x280, s24  }
0x4c3: {  	_ = 	snop  }
0x4c4: {  	v4 =	vadd.f32 v4, v11;
	v2 =	vadd.f32 v2, v13  }
0x4c5: {  	v6 =	vadd.f32 v6, v10;
	v3 =	vadd.f32 v3, v12  }
0x4c6: {  	v4 =	vadd.f32 v5, v4;
	v0 =	vadd.f32 v0, v2  }
0x4c7: {  	v2 =	vadd.f32 v8, v6;
	v1 =	vadd.f32 v1, v3  }
0x4c8: {  	v3 =	vadd.f32 v7, v4;
	v0 =	vmul.f32 $1.999999960e-02, v0  }
0x4c9: {  	v2 =	vadd.f32 v9, v2;
	v1 =	vmul.f32 $1.999999960e-02, v1  }
0x4ca: {  	[tilespmem:s22+$0x12F00] =	vst v0;
	v0 =	vmul.f32 $1.999999960e-02, v3  }
0x4cb: {  	[tilespmem:s22+$0x12F10] =	vst v1;
	v1 =	vmul.f32 $1.999999960e-02, v2  }
0x4cc: {  	[tilespmem:s22+$0x12F20] =	vst v0  }
0x4cd: {  	s24 =	simm.s32 $0x108F0;
	[tilespmem:s22+$0x12F30] =	vst v1  }
0x4ce: {  	v0 =	vld [tilespmem:s24+$0xFFFFFFD0]  }
0x4cf: {  	v1 =	vld [tilespmem:s24+$0xFFFFFFE0]  }
0x4d0: {  	v2 =	vld [tilespmem:s24+$0xFFFFFF90]  }
0x4d1: {  	v3 =	vld [tilespmem:s24+$0xFFFFFFA0]  }
0x4d2: {  	v9 =	vld [tilespmem:s24+$0xFFFFFF50]  }
0x4d3: {  	v12 =	vld [tilespmem:s24+$0xFFFFFF60]  }
0x4d4: {  	v7 =	vld [tilespmem:s24+$0xFFFFFF10]  }
0x4d5: {  	v8 =	vld [tilespmem:s24+$0xFFFFFF20]  }
0x4d6: {  	v5 =	vld [tilespmem:s24+$0xFFFFFED0]  }
0x4d7: {  	v6 =	vld [tilespmem:s24+$0xFFFFFEE0]  }
0x4d8: {  	v4 =	vld [tilespmem:s24+$0xFFFFFE90]  }
0x4d9: {  	v10 =	vld [tilespmem:s24+$0xFFFFFEA0]  }
0x4da: {  	v11 =	vld [tilespmem:s24+$0xFFFFFE50]  }
0x4db: {  	v13 =	vld [tilespmem:s24+$0xFFFFFE60]  }
0x4dc: {  	v14 =	vld [tilespmem:s24+$0xFFFFFE10]  }
0x4dd: {  	v15 =	vld [tilespmem:s24+$0xFFFFFE20]  }
0x4de: {  	v16 =	vld [tilespmem:s24+$0xFFFFFDD0]  }
0x4df: {  	v17 =	vld [tilespmem:s24+$0xFFFFFDE0]  }
0x4e0: {  	v18 =	vld [tilespmem:s24+$0xFFFFFD90]  }
0x4e1: {  	v19 =	vld [tilespmem:s24+$0xFFFFFDA0]  }
0x4e2: {  	v20 =	vld [tilespmem:s24+$0xFFFFFDB0]  }
0x4e3: {  	v21 =	vld [tilespmem:s24+$0xFFFFFDC0]  }
0x4e4: {  	v22 =	vld [tilespmem:s24+$0xFFFFFDF0]  }
0x4e5: {  	v23 =	vld [tilespmem:s24+$0xFFFFFE00]  }
0x4e6: {  	v24 =	vimm.f32 $0.0e+00;
	v25 =	vld [tilespmem:s24+$0xFFFFFE30]  }
0x4e7: {  	v26 =	vld [tilespmem:s24+$0xFFFFFE40];
	v18 =	vadd.f32 v18, v24;
	v19 =	vadd.f32 v19, v24  }
0x4e8: {  	v51 =	vld [tilespmem:s24+$0xFFFFFE70];
	v20 =	vadd.f32 v20, v24;
	v21 =	vadd.f32 v21, v24  }
0x4e9: {  	v52 =	vld [tilespmem:s24+$0xFFFFFE80];
	v16 =	vadd.f32 v16, v18;
	v17 =	vadd.f32 v17, v19  }
0x4ea: {  	v55 =	vld [tilespmem:s24+$0xFFFFFEB0];
	v53 =	vadd.f32 v22, v20;
	v54 =	vadd.f32 v23, v21  }
0x4eb: {  	v56 =	vld [tilespmem:s24+$0xFFFFFEC0];
	v14 =	vadd.f32 v14, v16;
	v15 =	vadd.f32 v15, v17  }
0x4ec: {  	v59 =	vld [tilespmem:s24+$0xFFFFFEF0];
	v57 =	vadd.f32 v25, v53;
	v58 =	vadd.f32 v26, v54  }
0x4ed: {  	v11 =	vadd.f32 v11, v14;
	v13 =	vadd.f32 v13, v15;
	v14 =	vld [tilespmem:s24+$0xFFFFFF00]  }
0x4ee: {  	v61 =	vld [tilespmem:s24+$0xFFFFFF30];
	v15 =	vadd.f32 v51, v57;
	v60 =	vadd.f32 v52, v58  }
0x4ef: {  	v11 =	vadd.f32 v4, v11;
	v10 =	vadd.f32 v10, v13;
	v13 =	vld [tilespmem:s24+$0xFFFFFF40]  }
0x4f0: {  	v15 =	vadd.f32 v55, v15;
	v16 =	vadd.f32 v56, v60;
	v4 =	vld [tilespmem:s24+$0xFFFFFF70]  }
0x4f1: {  	v11 =	vadd.f32 v5, v11;
	v10 =	vadd.f32 v6, v10;
	v6 =	vld [tilespmem:s24+$0xFFFFFF80]  }
0x4f2: {  	v15 =	vadd.f32 v59, v15;
	v5 =	vld [tilespmem:s24+$0xFFFFFFB0];
	v14 =	vadd.f32 v14, v16  }
0x4f3: {  	v62 =	vadd.f32 v7, v11;
	v63 =	vadd.f32 v8, v10;
	v8 =	vld [tilespmem:s24+$0xFFFFFFC0]  }
0x4f4: {  	v11 =	vadd.f32 v61, v15;
	v7 =	vld [tilespmem:s24+$0xFFFFFFF0];
	v10 =	vadd.f32 v13, v14  }
0x4f5: {  	s23 =	simm.s32 $0x0;
	v13 =	vadd.f32 v9, v62;
	v12 =	vadd.f32 v12, v63;
	v9 =	vld [tilespmem:s24+$0x0];
	s24 =	simm.s32 $0x10B70  }
.LBB2_29:
0x4f6: {  	v14 =	vld [tilespmem:s24+$0xFFFFFFD0];
	v4 =	vadd.f32 v4, v11;
	v6 =	vadd.f32 v6, v10  }
0x4f7: {  	v10 =	vld [tilespmem:s24+$0xFFFFFFE0];
	v11 =	vadd.f32 v2, v13;
	v12 =	vadd.f32 v3, v12  }
0x4f8: {  	v2 =	vld [tilespmem:s24+$0xFFFFFF90];
	v4 =	vadd.f32 v5, v4;
	v5 =	vadd.f32 v8, v6  }
0x4f9: {  	v3 =	vld [tilespmem:s24+$0xFFFFFFA0];
	v6 =	vadd.f32 v0, v11;
	v8 =	vadd.f32 v1, v12  }
0x4fa: {  	v12 =	vld [tilespmem:s24+$0xFFFFFF50];
	v4 =	vadd.f32 v7, v4;
	v5 =	vadd.f32 v9, v5  }
0x4fb: {  	v9 =	vld [tilespmem:s24+$0xFFFFFF60];
	v0 =	vmov v14  }
0x4fc: {  	v7 =	vld [tilespmem:s24+$0xFFFFFF10];
	v1 =	vmov v10  }
0x4fd: {  	v10 =	vld [tilespmem:s24+$0xFFFFFF20]  }
0x4fe: {  	v11 =	vld [tilespmem:s24+$0xFFFFFED0]  }
0x4ff: {  	v13 =	vld [tilespmem:s24+$0xFFFFFEE0]  }
0x500: {  	v14 =	vld [tilespmem:s24+$0xFFFFFE90]  }
0x501: {  	v15 =	vld [tilespmem:s24+$0xFFFFFEA0]  }
0x502: {  	v16 =	vld [tilespmem:s24+$0xFFFFFE50]  }
0x503: {  	v17 =	vld [tilespmem:s24+$0xFFFFFE60]  }
0x504: {  	v18 =	vld [tilespmem:s24+$0xFFFFFE10]  }
0x505: {  	v19 =	vld [tilespmem:s24+$0xFFFFFE20]  }
0x506: {  	v20 =	vld [tilespmem:s24+$0xFFFFFDD0]  }
0x507: {  	v21 =	vld [tilespmem:s24+$0xFFFFFDE0]  }
0x508: {  	v22 =	vld [tilespmem:s24+$0xFFFFFD90]  }
0x509: {  	v23 =	vld [tilespmem:s24+$0xFFFFFDA0]  }
0x50a: {  	v24 =	vld [tilespmem:s24+$0xFFFFFDB0]  }
0x50b: {  	s23 =	sadd.s32 $0xA, s23;
	v25 =	vld [tilespmem:s24+$0xFFFFFDC0]  }
0x50c: {  	p1 =	slt.u32 s23, $0x28;
	v26 =	vld [tilespmem:s24+$0xFFFFFDF0]  }
0x50d: {  	v27 =	vld [tilespmem:s24+$0xFFFFFE00]  }
0x50e: {  	v28 =	vld [tilespmem:s24+$0xFFFFFE30]  }
0x50f: {  	v6 =	vadd.f32 v22, v6;
	v8 =	vadd.f32 v23, v8;
	v22 =	vld [tilespmem:s24+$0xFFFFFE40]  }
0x510: {  	v4 =	vadd.f32 v24, v4;
	v5 =	vadd.f32 v25, v5;
	v23 =	vld [tilespmem:s24+$0xFFFFFE70]  }
0x511: {  	v6 =	vadd.f32 v20, v6;
	v8 =	vadd.f32 v21, v8;
	v20 =	vld [tilespmem:s24+$0xFFFFFE80]  }
0x512: {  	v4 =	vadd.f32 v26, v4;
	v5 =	vadd.f32 v27, v5;
	v21 =	vld [tilespmem:s24+$0xFFFFFEB0]  }
0x513: {  	v6 =	vadd.f32 v18, v6;
	v8 =	vadd.f32 v19, v8;
	v18 =	vld [tilespmem:s24+$0xFFFFFEC0]  }
0x514: {  	v4 =	vadd.f32 v28, v4;
	v5 =	vadd.f32 v22, v5;
	v19 =	vld [tilespmem:s24+$0xFFFFFEF0]  }
0x515: {  	v6 =	vadd.f32 v16, v6;
	v8 =	vadd.f32 v17, v8;
	v16 =	vld [tilespmem:s24+$0xFFFFFF00]  }
0x516: {  	v4 =	vadd.f32 v23, v4;
	v5 =	vadd.f32 v20, v5;
	v17 =	vld [tilespmem:s24+$0xFFFFFF30]  }
0x517: {  	v6 =	vadd.f32 v14, v6;
	v8 =	vadd.f32 v15, v8;
	v14 =	vld [tilespmem:s24+$0xFFFFFF40]  }
0x518: {  	v15 =	vadd.f32 v21, v4;
	v5 =	vadd.f32 v18, v5;
	v4 =	vld [tilespmem:s24+$0xFFFFFF70]  }
.Ltmp15:
0x519: {  	v11 =	vadd.f32 v11, v6;
	v8 =	vadd.f32 v13, v8;
	v6 =	vld [tilespmem:s24+$0xFFFFFF80];
	(pc) =	sbr.rel @p1 .LBB2_29-.Ltmp15, $4  }
0x51a: {  	v13 =	vadd.f32 v19, v15;
	v15 =	vadd.f32 v16, v5;
	v5 =	vld [tilespmem:s24+$0xFFFFFFB0]  }
0x51b: {  	v16 =	vadd.f32 v7, v11;
	v18 =	vadd.f32 v10, v8;
	v8 =	vld [tilespmem:s24+$0xFFFFFFC0]  }
0x51c: {  	v11 =	vadd.f32 v17, v13;
	v10 =	vadd.f32 v14, v15;
	v7 =	vld [tilespmem:s24+$0xFFFFFFF0]  }
0x51d: {  	v13 =	vadd.f32 v12, v16;
	v12 =	vadd.f32 v9, v18;
	v9 =	vld [tilespmem:s24+$0x0];
	s24 =	sadd.s32 $0x280, s24  }
0x51e: {  	_ = 	snop  }
0x51f: {  	v4 =	vadd.f32 v4, v11;
	v2 =	vadd.f32 v2, v13  }
0x520: {  	v6 =	vadd.f32 v6, v10;
	v3 =	vadd.f32 v3, v12  }
0x521: {  	v4 =	vadd.f32 v5, v4;
	v0 =	vadd.f32 v0, v2  }
0x522: {  	v2 =	vadd.f32 v8, v6;
	v1 =	vadd.f32 v1, v3  }
0x523: {  	v3 =	vadd.f32 v7, v4;
	v0 =	vmul.f32 $1.999999960e-02, v0  }
0x524: {  	v2 =	vadd.f32 v9, v2;
	v1 =	vmul.f32 $1.999999960e-02, v1  }
0x525: {  	[tilespmem:s22+$0x12F40] =	vst v0;
	v0 =	vmul.f32 $1.999999960e-02, v3  }
0x526: {  	[tilespmem:s22+$0x12F50] =	vst v1;
	v1 =	vmul.f32 $1.999999960e-02, v2  }
0x527: {  	[tilespmem:s22+$0x12F60] =	vst v0  }
0x528: {  	s24 =	simm.s32 $0x11570;
	[tilespmem:s22+$0x12F70] =	vst v1  }
0x529: {  	v0 =	vld [tilespmem:s24+$0xFFFFFFD0]  }
0x52a: {  	v1 =	vld [tilespmem:s24+$0xFFFFFFE0]  }
0x52b: {  	v2 =	vld [tilespmem:s24+$0xFFFFFF90]  }
0x52c: {  	v3 =	vld [tilespmem:s24+$0xFFFFFFA0]  }
0x52d: {  	v9 =	vld [tilespmem:s24+$0xFFFFFF50]  }
0x52e: {  	v12 =	vld [tilespmem:s24+$0xFFFFFF60]  }
0x52f: {  	v7 =	vld [tilespmem:s24+$0xFFFFFF10]  }
0x530: {  	v8 =	vld [tilespmem:s24+$0xFFFFFF20]  }
0x531: {  	v5 =	vld [tilespmem:s24+$0xFFFFFED0]  }
0x532: {  	v6 =	vld [tilespmem:s24+$0xFFFFFEE0]  }
0x533: {  	v4 =	vld [tilespmem:s24+$0xFFFFFE90]  }
0x534: {  	v10 =	vld [tilespmem:s24+$0xFFFFFEA0]  }
0x535: {  	v11 =	vld [tilespmem:s24+$0xFFFFFE50]  }
0x536: {  	v13 =	vld [tilespmem:s24+$0xFFFFFE60]  }
0x537: {  	v14 =	vld [tilespmem:s24+$0xFFFFFE10]  }
0x538: {  	v15 =	vld [tilespmem:s24+$0xFFFFFE20]  }
0x539: {  	v16 =	vld [tilespmem:s24+$0xFFFFFDD0]  }
0x53a: {  	v17 =	vld [tilespmem:s24+$0xFFFFFDE0]  }
0x53b: {  	v18 =	vld [tilespmem:s24+$0xFFFFFD90]  }
0x53c: {  	v19 =	vld [tilespmem:s24+$0xFFFFFDA0]  }
0x53d: {  	v20 =	vld [tilespmem:s24+$0xFFFFFDB0]  }
0x53e: {  	v21 =	vld [tilespmem:s24+$0xFFFFFDC0]  }
0x53f: {  	v22 =	vld [tilespmem:s24+$0xFFFFFDF0]  }
0x540: {  	v23 =	vld [tilespmem:s24+$0xFFFFFE00]  }
0x541: {  	v24 =	vimm.f32 $0.0e+00;
	v25 =	vld [tilespmem:s24+$0xFFFFFE30]  }
0x542: {  	v26 =	vld [tilespmem:s24+$0xFFFFFE40];
	v18 =	vadd.f32 v18, v24;
	v19 =	vadd.f32 v19, v24  }
0x543: {  	v51 =	vld [tilespmem:s24+$0xFFFFFE70];
	v20 =	vadd.f32 v20, v24;
	v21 =	vadd.f32 v21, v24  }
0x544: {  	v52 =	vld [tilespmem:s24+$0xFFFFFE80];
	v16 =	vadd.f32 v16, v18;
	v17 =	vadd.f32 v17, v19  }
0x545: {  	v55 =	vld [tilespmem:s24+$0xFFFFFEB0];
	v53 =	vadd.f32 v22, v20;
	v54 =	vadd.f32 v23, v21  }
0x546: {  	v56 =	vld [tilespmem:s24+$0xFFFFFEC0];
	v14 =	vadd.f32 v14, v16;
	v15 =	vadd.f32 v15, v17  }
0x547: {  	v59 =	vld [tilespmem:s24+$0xFFFFFEF0];
	v57 =	vadd.f32 v25, v53;
	v58 =	vadd.f32 v26, v54  }
0x548: {  	v11 =	vadd.f32 v11, v14;
	v13 =	vadd.f32 v13, v15;
	v14 =	vld [tilespmem:s24+$0xFFFFFF00]  }
0x549: {  	v61 =	vld [tilespmem:s24+$0xFFFFFF30];
	v15 =	vadd.f32 v51, v57;
	v60 =	vadd.f32 v52, v58  }
0x54a: {  	v11 =	vadd.f32 v4, v11;
	v10 =	vadd.f32 v10, v13;
	v13 =	vld [tilespmem:s24+$0xFFFFFF40]  }
0x54b: {  	v15 =	vadd.f32 v55, v15;
	v16 =	vadd.f32 v56, v60;
	v4 =	vld [tilespmem:s24+$0xFFFFFF70]  }
0x54c: {  	v11 =	vadd.f32 v5, v11;
	v10 =	vadd.f32 v6, v10;
	v6 =	vld [tilespmem:s24+$0xFFFFFF80]  }
0x54d: {  	v15 =	vadd.f32 v59, v15;
	v5 =	vld [tilespmem:s24+$0xFFFFFFB0];
	v14 =	vadd.f32 v14, v16  }
0x54e: {  	v62 =	vadd.f32 v7, v11;
	v63 =	vadd.f32 v8, v10;
	v8 =	vld [tilespmem:s24+$0xFFFFFFC0]  }
0x54f: {  	v11 =	vadd.f32 v61, v15;
	v7 =	vld [tilespmem:s24+$0xFFFFFFF0];
	v10 =	vadd.f32 v13, v14  }
0x550: {  	s23 =	simm.s32 $0x0;
	v13 =	vadd.f32 v9, v62;
	v12 =	vadd.f32 v12, v63;
	v9 =	vld [tilespmem:s24+$0x0];
	s24 =	simm.s32 $0x117F0  }
.LBB2_31:
0x551: {  	v14 =	vld [tilespmem:s24+$0xFFFFFFD0];
	v4 =	vadd.f32 v4, v11;
	v6 =	vadd.f32 v6, v10  }
0x552: {  	v10 =	vld [tilespmem:s24+$0xFFFFFFE0];
	v11 =	vadd.f32 v2, v13;
	v12 =	vadd.f32 v3, v12  }
0x553: {  	v2 =	vld [tilespmem:s24+$0xFFFFFF90];
	v4 =	vadd.f32 v5, v4;
	v5 =	vadd.f32 v8, v6  }
0x554: {  	v3 =	vld [tilespmem:s24+$0xFFFFFFA0];
	v6 =	vadd.f32 v0, v11;
	v8 =	vadd.f32 v1, v12  }
0x555: {  	v12 =	vld [tilespmem:s24+$0xFFFFFF50];
	v4 =	vadd.f32 v7, v4;
	v5 =	vadd.f32 v9, v5  }
0x556: {  	v9 =	vld [tilespmem:s24+$0xFFFFFF60];
	v0 =	vmov v14  }
0x557: {  	v7 =	vld [tilespmem:s24+$0xFFFFFF10];
	v1 =	vmov v10  }
0x558: {  	v10 =	vld [tilespmem:s24+$0xFFFFFF20]  }
0x559: {  	v11 =	vld [tilespmem:s24+$0xFFFFFED0]  }
0x55a: {  	v13 =	vld [tilespmem:s24+$0xFFFFFEE0]  }
0x55b: {  	v14 =	vld [tilespmem:s24+$0xFFFFFE90]  }
0x55c: {  	v15 =	vld [tilespmem:s24+$0xFFFFFEA0]  }
0x55d: {  	v16 =	vld [tilespmem:s24+$0xFFFFFE50]  }
0x55e: {  	v17 =	vld [tilespmem:s24+$0xFFFFFE60]  }
0x55f: {  	v18 =	vld [tilespmem:s24+$0xFFFFFE10]  }
0x560: {  	v19 =	vld [tilespmem:s24+$0xFFFFFE20]  }
0x561: {  	v20 =	vld [tilespmem:s24+$0xFFFFFDD0]  }
0x562: {  	v21 =	vld [tilespmem:s24+$0xFFFFFDE0]  }
0x563: {  	v22 =	vld [tilespmem:s24+$0xFFFFFD90]  }
0x564: {  	v23 =	vld [tilespmem:s24+$0xFFFFFDA0]  }
0x565: {  	v24 =	vld [tilespmem:s24+$0xFFFFFDB0]  }
0x566: {  	s23 =	sadd.s32 $0xA, s23;
	v25 =	vld [tilespmem:s24+$0xFFFFFDC0]  }
0x567: {  	p1 =	slt.u32 s23, $0x28;
	v26 =	vld [tilespmem:s24+$0xFFFFFDF0]  }
0x568: {  	v27 =	vld [tilespmem:s24+$0xFFFFFE00]  }
0x569: {  	v28 =	vld [tilespmem:s24+$0xFFFFFE30]  }
0x56a: {  	v6 =	vadd.f32 v22, v6;
	v8 =	vadd.f32 v23, v8;
	v22 =	vld [tilespmem:s24+$0xFFFFFE40]  }
0x56b: {  	v4 =	vadd.f32 v24, v4;
	v5 =	vadd.f32 v25, v5;
	v23 =	vld [tilespmem:s24+$0xFFFFFE70]  }
0x56c: {  	v6 =	vadd.f32 v20, v6;
	v8 =	vadd.f32 v21, v8;
	v20 =	vld [tilespmem:s24+$0xFFFFFE80]  }
0x56d: {  	v4 =	vadd.f32 v26, v4;
	v5 =	vadd.f32 v27, v5;
	v21 =	vld [tilespmem:s24+$0xFFFFFEB0]  }
0x56e: {  	v6 =	vadd.f32 v18, v6;
	v8 =	vadd.f32 v19, v8;
	v18 =	vld [tilespmem:s24+$0xFFFFFEC0]  }
0x56f: {  	v4 =	vadd.f32 v28, v4;
	v5 =	vadd.f32 v22, v5;
	v19 =	vld [tilespmem:s24+$0xFFFFFEF0]  }
0x570: {  	v6 =	vadd.f32 v16, v6;
	v8 =	vadd.f32 v17, v8;
	v16 =	vld [tilespmem:s24+$0xFFFFFF00]  }
0x571: {  	v4 =	vadd.f32 v23, v4;
	v5 =	vadd.f32 v20, v5;
	v17 =	vld [tilespmem:s24+$0xFFFFFF30]  }
0x572: {  	v6 =	vadd.f32 v14, v6;
	v8 =	vadd.f32 v15, v8;
	v14 =	vld [tilespmem:s24+$0xFFFFFF40]  }
0x573: {  	v15 =	vadd.f32 v21, v4;
	v5 =	vadd.f32 v18, v5;
	v4 =	vld [tilespmem:s24+$0xFFFFFF70]  }
.Ltmp16:
0x574: {  	v11 =	vadd.f32 v11, v6;
	v8 =	vadd.f32 v13, v8;
	v6 =	vld [tilespmem:s24+$0xFFFFFF80];
	(pc) =	sbr.rel @p1 .LBB2_31-.Ltmp16, $4  }
0x575: {  	v13 =	vadd.f32 v19, v15;
	v15 =	vadd.f32 v16, v5;
	v5 =	vld [tilespmem:s24+$0xFFFFFFB0]  }
0x576: {  	v16 =	vadd.f32 v7, v11;
	v18 =	vadd.f32 v10, v8;
	v8 =	vld [tilespmem:s24+$0xFFFFFFC0]  }
0x577: {  	v11 =	vadd.f32 v17, v13;
	v10 =	vadd.f32 v14, v15;
	v7 =	vld [tilespmem:s24+$0xFFFFFFF0]  }
0x578: {  	v13 =	vadd.f32 v12, v16;
	v12 =	vadd.f32 v9, v18;
	v9 =	vld [tilespmem:s24+$0x0];
	s24 =	sadd.s32 $0x280, s24  }
0x579: {  	_ = 	snop  }
0x57a: {  	v4 =	vadd.f32 v4, v11;
	v2 =	vadd.f32 v2, v13  }
0x57b: {  	v6 =	vadd.f32 v6, v10;
	v3 =	vadd.f32 v3, v12  }
0x57c: {  	v4 =	vadd.f32 v5, v4;
	v0 =	vadd.f32 v0, v2  }
0x57d: {  	v2 =	vadd.f32 v8, v6;
	v1 =	vadd.f32 v1, v3  }
0x57e: {  	v3 =	vadd.f32 v7, v4;
	v0 =	vmul.f32 $1.999999960e-02, v0  }
0x57f: {  	v2 =	vadd.f32 v9, v2;
	v1 =	vmul.f32 $1.999999960e-02, v1  }
0x580: {  	[tilespmem:s22+$0x12F80] =	vst v0;
	v0 =	vmul.f32 $1.999999960e-02, v3  }
0x581: {  	[tilespmem:s22+$0x12F90] =	vst v1;
	v1 =	vmul.f32 $1.999999960e-02, v2  }
0x582: {  	[tilespmem:s22+$0x12FA0] =	vst v0  }
0x583: {  	s24 =	simm.s32 $0x121F0;
	[tilespmem:s22+$0x12FB0] =	vst v1  }
0x584: {  	v0 =	vld [tilespmem:s24+$0xFFFFFFD0]  }
0x585: {  	v1 =	vld [tilespmem:s24+$0xFFFFFFE0]  }
0x586: {  	v2 =	vld [tilespmem:s24+$0xFFFFFF90]  }
0x587: {  	v3 =	vld [tilespmem:s24+$0xFFFFFFA0]  }
0x588: {  	v9 =	vld [tilespmem:s24+$0xFFFFFF50]  }
0x589: {  	v12 =	vld [tilespmem:s24+$0xFFFFFF60]  }
0x58a: {  	v7 =	vld [tilespmem:s24+$0xFFFFFF10]  }
0x58b: {  	v8 =	vld [tilespmem:s24+$0xFFFFFF20]  }
0x58c: {  	v5 =	vld [tilespmem:s24+$0xFFFFFED0]  }
0x58d: {  	v6 =	vld [tilespmem:s24+$0xFFFFFEE0]  }
0x58e: {  	v4 =	vld [tilespmem:s24+$0xFFFFFE90]  }
0x58f: {  	v10 =	vld [tilespmem:s24+$0xFFFFFEA0]  }
0x590: {  	v11 =	vld [tilespmem:s24+$0xFFFFFE50]  }
0x591: {  	v13 =	vld [tilespmem:s24+$0xFFFFFE60]  }
0x592: {  	v14 =	vld [tilespmem:s24+$0xFFFFFE10]  }
0x593: {  	v15 =	vld [tilespmem:s24+$0xFFFFFE20]  }
0x594: {  	v16 =	vld [tilespmem:s24+$0xFFFFFDD0]  }
0x595: {  	v17 =	vld [tilespmem:s24+$0xFFFFFDE0]  }
0x596: {  	v18 =	vld [tilespmem:s24+$0xFFFFFD90]  }
0x597: {  	v19 =	vld [tilespmem:s24+$0xFFFFFDA0]  }
0x598: {  	v20 =	vld [tilespmem:s24+$0xFFFFFDB0]  }
0x599: {  	v21 =	vld [tilespmem:s24+$0xFFFFFDC0]  }
0x59a: {  	v22 =	vld [tilespmem:s24+$0xFFFFFDF0]  }
0x59b: {  	v23 =	vld [tilespmem:s24+$0xFFFFFE00]  }
0x59c: {  	v24 =	vimm.f32 $0.0e+00;
	v25 =	vld [tilespmem:s24+$0xFFFFFE30]  }
0x59d: {  	v26 =	vld [tilespmem:s24+$0xFFFFFE40];
	v18 =	vadd.f32 v18, v24;
	v19 =	vadd.f32 v19, v24  }
0x59e: {  	v51 =	vld [tilespmem:s24+$0xFFFFFE70];
	v20 =	vadd.f32 v20, v24;
	v21 =	vadd.f32 v21, v24  }
0x59f: {  	v52 =	vld [tilespmem:s24+$0xFFFFFE80];
	v16 =	vadd.f32 v16, v18;
	v17 =	vadd.f32 v17, v19  }
0x5a0: {  	v55 =	vld [tilespmem:s24+$0xFFFFFEB0];
	v53 =	vadd.f32 v22, v20;
	v54 =	vadd.f32 v23, v21  }
0x5a1: {  	v56 =	vld [tilespmem:s24+$0xFFFFFEC0];
	v14 =	vadd.f32 v14, v16;
	v15 =	vadd.f32 v15, v17  }
0x5a2: {  	v59 =	vld [tilespmem:s24+$0xFFFFFEF0];
	v57 =	vadd.f32 v25, v53;
	v58 =	vadd.f32 v26, v54  }
0x5a3: {  	v11 =	vadd.f32 v11, v14;
	v13 =	vadd.f32 v13, v15;
	v14 =	vld [tilespmem:s24+$0xFFFFFF00]  }
0x5a4: {  	v61 =	vld [tilespmem:s24+$0xFFFFFF30];
	v15 =	vadd.f32 v51, v57;
	v60 =	vadd.f32 v52, v58  }
0x5a5: {  	v11 =	vadd.f32 v4, v11;
	v10 =	vadd.f32 v10, v13;
	v13 =	vld [tilespmem:s24+$0xFFFFFF40]  }
0x5a6: {  	v15 =	vadd.f32 v55, v15;
	v16 =	vadd.f32 v56, v60;
	v4 =	vld [tilespmem:s24+$0xFFFFFF70]  }
0x5a7: {  	v11 =	vadd.f32 v5, v11;
	v10 =	vadd.f32 v6, v10;
	v6 =	vld [tilespmem:s24+$0xFFFFFF80]  }
0x5a8: {  	v15 =	vadd.f32 v59, v15;
	v5 =	vld [tilespmem:s24+$0xFFFFFFB0];
	v14 =	vadd.f32 v14, v16  }
0x5a9: {  	v62 =	vadd.f32 v7, v11;
	v63 =	vadd.f32 v8, v10;
	v8 =	vld [tilespmem:s24+$0xFFFFFFC0]  }
0x5aa: {  	v11 =	vadd.f32 v61, v15;
	v7 =	vld [tilespmem:s24+$0xFFFFFFF0];
	v10 =	vadd.f32 v13, v14  }
0x5ab: {  	s23 =	simm.s32 $0x0;
	v13 =	vadd.f32 v9, v62;
	v12 =	vadd.f32 v12, v63;
	v9 =	vld [tilespmem:s24+$0x0];
	s24 =	simm.s32 $0x12470  }
.LBB2_33:
0x5ac: {  	v14 =	vld [tilespmem:s24+$0xFFFFFFD0];
	v4 =	vadd.f32 v4, v11;
	v6 =	vadd.f32 v6, v10  }
0x5ad: {  	v10 =	vld [tilespmem:s24+$0xFFFFFFE0];
	v11 =	vadd.f32 v2, v13;
	v12 =	vadd.f32 v3, v12  }
0x5ae: {  	v2 =	vld [tilespmem:s24+$0xFFFFFF90];
	v4 =	vadd.f32 v5, v4;
	v5 =	vadd.f32 v8, v6  }
0x5af: {  	v3 =	vld [tilespmem:s24+$0xFFFFFFA0];
	v6 =	vadd.f32 v0, v11;
	v8 =	vadd.f32 v1, v12  }
0x5b0: {  	v12 =	vld [tilespmem:s24+$0xFFFFFF50];
	v4 =	vadd.f32 v7, v4;
	v5 =	vadd.f32 v9, v5  }
0x5b1: {  	v9 =	vld [tilespmem:s24+$0xFFFFFF60];
	v0 =	vmov v14  }
0x5b2: {  	v7 =	vld [tilespmem:s24+$0xFFFFFF10];
	v1 =	vmov v10  }
0x5b3: {  	v10 =	vld [tilespmem:s24+$0xFFFFFF20]  }
0x5b4: {  	v11 =	vld [tilespmem:s24+$0xFFFFFED0]  }
0x5b5: {  	v13 =	vld [tilespmem:s24+$0xFFFFFEE0]  }
0x5b6: {  	v14 =	vld [tilespmem:s24+$0xFFFFFE90]  }
0x5b7: {  	v15 =	vld [tilespmem:s24+$0xFFFFFEA0]  }
0x5b8: {  	v16 =	vld [tilespmem:s24+$0xFFFFFE50]  }
0x5b9: {  	v17 =	vld [tilespmem:s24+$0xFFFFFE60]  }
0x5ba: {  	v18 =	vld [tilespmem:s24+$0xFFFFFE10]  }
0x5bb: {  	v19 =	vld [tilespmem:s24+$0xFFFFFE20]  }
0x5bc: {  	v20 =	vld [tilespmem:s24+$0xFFFFFDD0]  }
0x5bd: {  	v21 =	vld [tilespmem:s24+$0xFFFFFDE0]  }
0x5be: {  	v22 =	vld [tilespmem:s24+$0xFFFFFD90]  }
0x5bf: {  	v23 =	vld [tilespmem:s24+$0xFFFFFDA0]  }
0x5c0: {  	v24 =	vld [tilespmem:s24+$0xFFFFFDB0]  }
0x5c1: {  	s23 =	sadd.s32 $0xA, s23;
	v25 =	vld [tilespmem:s24+$0xFFFFFDC0]  }
0x5c2: {  	p1 =	slt.u32 s23, $0x28;
	v26 =	vld [tilespmem:s24+$0xFFFFFDF0]  }
0x5c3: {  	v27 =	vld [tilespmem:s24+$0xFFFFFE00]  }
0x5c4: {  	v28 =	vld [tilespmem:s24+$0xFFFFFE30]  }
0x5c5: {  	v6 =	vadd.f32 v22, v6;
	v8 =	vadd.f32 v23, v8;
	v22 =	vld [tilespmem:s24+$0xFFFFFE40]  }
0x5c6: {  	v4 =	vadd.f32 v24, v4;
	v5 =	vadd.f32 v25, v5;
	v23 =	vld [tilespmem:s24+$0xFFFFFE70]  }
0x5c7: {  	v6 =	vadd.f32 v20, v6;
	v8 =	vadd.f32 v21, v8;
	v20 =	vld [tilespmem:s24+$0xFFFFFE80]  }
0x5c8: {  	v4 =	vadd.f32 v26, v4;
	v5 =	vadd.f32 v27, v5;
	v21 =	vld [tilespmem:s24+$0xFFFFFEB0]  }
0x5c9: {  	v6 =	vadd.f32 v18, v6;
	v8 =	vadd.f32 v19, v8;
	v18 =	vld [tilespmem:s24+$0xFFFFFEC0]  }
0x5ca: {  	v4 =	vadd.f32 v28, v4;
	v5 =	vadd.f32 v22, v5;
	v19 =	vld [tilespmem:s24+$0xFFFFFEF0]  }
0x5cb: {  	v6 =	vadd.f32 v16, v6;
	v8 =	vadd.f32 v17, v8;
	v16 =	vld [tilespmem:s24+$0xFFFFFF00]  }
0x5cc: {  	v4 =	vadd.f32 v23, v4;
	v5 =	vadd.f32 v20, v5;
	v17 =	vld [tilespmem:s24+$0xFFFFFF30]  }
0x5cd: {  	v6 =	vadd.f32 v14, v6;
	v8 =	vadd.f32 v15, v8;
	v14 =	vld [tilespmem:s24+$0xFFFFFF40]  }
0x5ce: {  	v15 =	vadd.f32 v21, v4;
	v5 =	vadd.f32 v18, v5;
	v4 =	vld [tilespmem:s24+$0xFFFFFF70]  }
.Ltmp17:
0x5cf: {  	v11 =	vadd.f32 v11, v6;
	v8 =	vadd.f32 v13, v8;
	v6 =	vld [tilespmem:s24+$0xFFFFFF80];
	(pc) =	sbr.rel @p1 .LBB2_33-.Ltmp17, $4  }
0x5d0: {  	v13 =	vadd.f32 v19, v15;
	v15 =	vadd.f32 v16, v5;
	v5 =	vld [tilespmem:s24+$0xFFFFFFB0]  }
0x5d1: {  	v16 =	vadd.f32 v7, v11;
	v18 =	vadd.f32 v10, v8;
	v8 =	vld [tilespmem:s24+$0xFFFFFFC0]  }
0x5d2: {  	v11 =	vadd.f32 v17, v13;
	v10 =	vadd.f32 v14, v15;
	v7 =	vld [tilespmem:s24+$0xFFFFFFF0]  }
0x5d3: {  	v13 =	vadd.f32 v12, v16;
	v12 =	vadd.f32 v9, v18;
	v9 =	vld [tilespmem:s24+$0x0];
	s24 =	sadd.s32 $0x280, s24  }
0x5d4: {  	_ = 	snop  }
0x5d5: {  	v4 =	vadd.f32 v4, v11;
	v2 =	vadd.f32 v2, v13  }
0x5d6: {  	v6 =	vadd.f32 v6, v10;
	v3 =	vadd.f32 v3, v12  }
0x5d7: {  	v4 =	vadd.f32 v5, v4;
	v0 =	vadd.f32 v0, v2  }
0x5d8: {  	v60 =	vadd.f32 v8, v6;
	v1 =	vadd.f32 v1, v3  }
0x5d9: {  	v61 =	vadd.f32 v7, v4;
	v0 =	vmul.f32 $1.999999960e-02, v0  }
.Ltmp18:
0x5da: {  	v2 =	vadd.f32 v9, v60;
	v1 =	vmul.f32 $1.999999960e-02, v1;
	(pc) =	sbr.rel @p0 .LBB2_36-.Ltmp18, $4  }
0x5db: {  	v62 =	vmul.f32 $1.999999960e-02, v61;
	[tilespmem:s22+$0x12FC0] =	vst v0  }
0x5dc: {  	v63 =	vmul.f32 $1.999999960e-02, v2;
	[tilespmem:s22+$0x12FD0] =	vst v1  }
0x5dd: {  	[tilespmem:s22+$0x12FE0] =	vst v62  }
0x5de: {  	[tilespmem:s22+$0x12FF0] =	vst v63  }
0x5df: {  	s22 =	smul.u32 $0xC80, s21  }
.Ltmp19:
0x5e0: {  	_ = 	snop;
	(pc) =	sbr.rel .LBB2_2-.Ltmp19, $4  }
0x5e1: {  	_ = 	snop  }
0x5e2: {  	s22 =	sshra.s32 s22, $0x2  }
0x5e3: {  	s21 =	sadd.s32 $0x1, s21;
	s22 =	sadd.s32 $0x578, s22  }
0x5e4: {  	[tilespmem:s14], [sflag:$0x4] =	stream.indirect.gather [hbm4b:s3+s8], $0x40, s22, s8, $0xb8;
	[tilespmem:$0x1AC00] =	vst v63  }
.LBB2_37:
0x5e5: {  	_ =	sfence.sel $0x180000  }
0x5e6: {  	[bflag:$0x0] =	sbarrier.arrive $0xFFFF  }
0x5e7: {  	p0 =	sne.s32 s0, $0x0;
	_ =	strace $0x90000047  }
0x5e8: {  	s0 =	sadd.s32 @!p0 $0x100000, s1;
	[bflag:$0x2] =	sbarrier.arrive $0xFFFF  }
0x5e9: {  	[sflag:s0] =	ssyncadd.tile.s32 @!p0 $0x1;
	_ =	shalt  }
.Lfunc_end2:
_tile_overlayer_lowered:
.L_overlay_start_2:
0x5ea: {  	(tag) =	ssettag $0x2  }
0x5eb: {  	s0 =	rddreg [dreg:$0x0];
	s2 =	stileid.u32  }
0x5ec: {  	s1 =	rddreg [dreg:$0x1];
	p0 =	sne.s32 s2, $0x0  }
0x5ed: {  	s3 =	rddreg [dreg:$0x2];
	[bflag:$0x3] =	sbarrier.arrive $0xFFFF;
	s2 =	simm.s32 @!p0 $0x1C05  }
0x5ee: {  	[timem:s3], [sflag:s2] =	dma.local @!p0 [hbm:s0], s1  }
0x5ef: {  	s0 =	simm.s32 @!p0 $0x5  }
0x5f0: {  	_ =	swait.ge @!p0 [sflag:s0], s1  }
0x5f1: {  	s1 =	ssub.s32 @!p0 $0x0, s1;
	[sflag:s0] =	ssyncset.done @!p0 $0x0  }
0x5f2: {  	[sflag:s0] =	ssyncadd.s32 @!p0 s1  }
0x5f3: {  	[bflag:$0x3] =	sbarrier.arrive $0xFFFF  }
0x5f4: {  	_ =	shalt  }

</sc_bundles>
